<compile_context>
chip_gen: v7x
topology: tpu7x:2x2x1
jax: 0.10.2.dev20260603
libtpu: 0.0.44.dev20260713+nightly
codegen_flags: <defaults>
</compile_context>

<pallas_src>
import functools
import jax
import jax.numpy as jnp
from jax.experimental import pallas as pl
from jax.experimental.pallas import tpu as pltpu
from jax.experimental.pallas import tpu_sc as plsc

BLK = 512
RCH = 512
SCW = 128


def _route_kernel(x_ref, wg_ref, w1_ref, w2_ref, s12_ref, be_ref,
                  nblk_ref, xlo_ref, xhi_ref, sel_ref, i1_ref, i2_ref,
                  ltri_ref, *, n, e_num, nb, blk):
    d2 = x_ref.shape[1] // 2
    rch = RCH

    r0 = jax.lax.broadcasted_iota(jnp.int32, (rch, rch), 0)
    r1 = jax.lax.broadcasted_iota(jnp.int32, (rch, rch), 1)
    ltri_ref[...] = jnp.where(r0 > r1, 1.0, 0.0).astype(jnp.bfloat16)

    def p1(r, counts):
        sl = pl.ds(r * rch, rch)
        lg = jax.lax.dot_general(
            x_ref[sl, :], wg_ref[...], (((1,), (1,)), ((), ())),
            preferred_element_type=jnp.float32)
        xlo_ref[sl, :] = x_ref[sl, 0:d2]
        xhi_ref[sl, :] = x_ref[sl, d2:2 * d2]
        iota = jax.lax.broadcasted_iota(jnp.int32, lg.shape, 1)
        m1 = jnp.max(lg, axis=1, keepdims=True)
        i1 = jnp.min(jnp.where(lg == m1, iota, e_num), axis=1, keepdims=True)
        l2 = jnp.where(iota == i1, -jnp.inf, lg)
        m2 = jnp.max(l2, axis=1, keepdims=True)
        i2 = jnp.min(jnp.where(l2 == m2, iota, e_num), axis=1, keepdims=True)
        z = jnp.exp(m2 - m1)
        w1_ref[sl, :] = 1.0 / (1.0 + z)
        w2_ref[sl, :] = z / (1.0 + z)
        sel = (jnp.where(iota == i1, 1.0, 0.0)
               + jnp.where(iota == i2, 1.0, 0.0))
        sel_ref[sl, :] = sel.astype(jnp.bfloat16)
        i1_ref[sl, :] = i1
        i2_ref[sl, :] = i2
        return counts + jnp.sum(sel, axis=0, keepdims=True)

    counts = jax.lax.fori_loop(
        0, n // rch, p1, jnp.zeros((1, e_num), jnp.float32))

    pc = jnp.ceil(counts * (1.0 / blk)) * blk
    pc8 = jnp.broadcast_to(pc, (e_num, e_num))
    i0 = jax.lax.broadcasted_iota(jnp.int32, (e_num, 128), 0)
    i1g = jax.lax.broadcasted_iota(jnp.int32, (e_num, 128), 1)
    upper = jnp.where(i0 < i1g, 1.0, 0.0)
    base128 = jax.lax.dot_general(
        pc8, upper, (((1,), (0,)), ((), ())),
        preferred_element_type=jnp.float32)
    base_row = base128[0:1, 0:e_num]
    c_row = base_row + pc

    nblk_ref[...] = (pc * (1.0 / blk)).astype(jnp.int32)
    c_nb = jnp.broadcast_to(c_row, (nb, e_num))
    b_iota = (jax.lax.broadcasted_iota(jnp.int32, (nb, e_num), 0)
              * blk).astype(jnp.float32)
    be = jnp.sum(jnp.where(c_nb <= b_iota, 1.0, 0.0), axis=1, keepdims=True)
    be_ref[...] = jnp.minimum(be, e_num - 1).astype(jnp.int32)

    def p2(r, run):
        sl = pl.ds(r * rch, rch)
        sel = sel_ref[sl, :]
        i1 = i1_ref[sl, :]
        i2 = i2_ref[sl, :]
        iota = jax.lax.broadcasted_iota(jnp.int32, (rch, e_num), 1)
        pos = jax.lax.dot_general(
            ltri_ref[...], sel, (((1,), (0,)), ((), ())),
            preferred_element_type=jnp.float32) + run
        base_b = jnp.broadcast_to(base_row, (rch, e_num))
        pos1 = jnp.sum(jnp.where(iota == i1, pos + base_b, 0.0),
                       axis=1, keepdims=True)
        pos2 = jnp.sum(jnp.where(iota == i2, pos + base_b, 0.0),
                       axis=1, keepdims=True)
        s12_ref[sl, :] = pos1.astype(jnp.int32)
        s12_ref[pl.ds(n + r * rch, rch), :] = pos2.astype(jnp.int32)
        return run + jnp.sum(sel.astype(jnp.float32), axis=0, keepdims=True)

    jax.lax.fori_loop(0, n // rch, p2, jnp.zeros((1, e_num), jnp.float32))


def _route(x, Wg, nb):
    n, d = x.shape
    e_num = Wg.shape[0]
    kern = functools.partial(_route_kernel, n=n, e_num=e_num, nb=nb, blk=BLK)
    return pl.pallas_call(
        kern,
        grid=(1,),
        in_specs=[
            pl.BlockSpec((n, d), lambda i: (0, 0)),
            pl.BlockSpec((e_num, d), lambda i: (0, 0)),
        ],
        out_specs=[
            pl.BlockSpec((n, 1), lambda i: (0, 0)),
            pl.BlockSpec((n, 1), lambda i: (0, 0)),
            pl.BlockSpec((2 * n, 1), lambda i: (0, 0)),
            pl.BlockSpec((nb, 1), lambda i: (0, 0)),
            pl.BlockSpec((1, e_num), lambda i: (0, 0)),
            pl.BlockSpec((n, d // 2), lambda i: (0, 0)),
            pl.BlockSpec((n, d // 2), lambda i: (0, 0)),
        ],
        out_shape=[
            jax.ShapeDtypeStruct((n, 1), jnp.float32),
            jax.ShapeDtypeStruct((n, 1), jnp.float32),
            jax.ShapeDtypeStruct((2 * n, 1), jnp.int32),
            jax.ShapeDtypeStruct((nb, 1), jnp.int32),
            jax.ShapeDtypeStruct((1, e_num), jnp.int32),
            jax.ShapeDtypeStruct((n, d // 2), jnp.float32),
            jax.ShapeDtypeStruct((n, d // 2), jnp.float32),
        ],
        scratch_shapes=[
            pltpu.VMEM((n, e_num), jnp.bfloat16),
            pltpu.VMEM((n, 1), jnp.int32),
            pltpu.VMEM((n, 1), jnp.int32),
            pltpu.VMEM((RCH, RCH), jnp.bfloat16),
        ],
    )(x, Wg)


def _sc_dispatch(xlo, xhi, s12r, p):
    n2, d2 = 2 * xlo.shape[0], xlo.shape[1]
    nblks = xlo.shape[0] // SCW
    mesh = plsc.VectorSubcoreMesh(core_axis_name="c", subcore_axis_name="s")
    out_type = [jax.ShapeDtypeStruct((p, d2), jnp.float32)] * 2

    @functools.partial(pl.kernel, out_type=out_type, mesh=mesh)
    def k(xlo_hbm, xhi_hbm, s_hbm, olo_hbm, ohi_hbm):
        for x_hbm, o_hbm in ((xlo_hbm, olo_hbm), (xhi_hbm, ohi_hbm)):
            def body(x_vmem, i_vmem, o_hbm=o_hbm):
                pltpu.sync_copy(x_vmem, o_hbm.at[i_vmem.at[0]])

            pltpu.emit_pipeline(
                body,
                grid=(n2 // SCW,),
                in_specs=[
                    pl.BlockSpec((SCW, d2), lambda i: (i % nblks, 0)),
                    pl.BlockSpec((1, SCW), lambda i: (0, i)),
                ],
                out_specs=[],
                core_axis_name=("c", "s"),
                dimension_semantics=(pltpu.PARALLEL,),
            )(x_hbm, s_hbm)

    return k(xlo, xhi, s12r)


def _mlp_kernel(be_ref, nblk_ref, xlo_ref, xhi_ref, w1_ref, w2_ref, b1_ref,
                b2_ref, ylo_ref, yhi_ref):
    d2 = xlo_ref.shape[1]
    b = pl.program_id(0)
    tot = sum(nblk_ref[i] for i in range(nblk_ref.shape[0]))

    @pl.when(b < tot)
    def _():
        xb = jnp.concatenate([xlo_ref[...], xhi_ref[...]],
                             axis=1).astype(jnp.bfloat16)
        h = jax.lax.dot_general(
            xb, w1_ref[0], (((1,), (1,)), ((), ())),
            preferred_element_type=jnp.float32)
        h = h + b1_ref[0]
        h = 0.5 * h * (1.0 + jax.lax.erf(h * 0.7071067811865476))
        hb = h.astype(jnp.bfloat16)
        y = jax.lax.dot_general(
            hb, w2_ref[0], (((1,), (1,)), ((), ())),
            preferred_element_type=jnp.float32)
        y = y + b2_ref[0]
        ylo_ref[...] = y[:, 0:d2]
        yhi_ref[...] = y[:, d2:2 * d2]


def _grouped_mlp(be, nblk8, xslo, xshi, w1b, w2b, b1, b2, nb, p):
    d, f = w2b.shape[1], w2b.shape[2]
    d2 = d // 2
    e_num = w1b.shape[0]
    grid_spec = pltpu.PrefetchScalarGridSpec(
        num_scalar_prefetch=2,
        grid=(nb,),
        in_specs=[
            pl.BlockSpec((BLK, d2), lambda b, be_r, nb_r: (b, 0)),
            pl.BlockSpec((BLK, d2), lambda b, be_r, nb_r: (b, 0)),
            pl.BlockSpec((1, f, d), lambda b, be_r, nb_r: (be_r[b], 0, 0)),
            pl.BlockSpec((1, d, f), lambda b, be_r, nb_r: (be_r[b], 0, 0)),
            pl.BlockSpec((1, 1, f), lambda b, be_r, nb_r: (be_r[b], 0, 0)),
            pl.BlockSpec((1, 1, d), lambda b, be_r, nb_r: (be_r[b], 0, 0)),
        ],
        out_specs=[
            pl.BlockSpec((BLK, d2), lambda b, be_r, nb_r: (b, 0)),
            pl.BlockSpec((BLK, d2), lambda b, be_r, nb_r: (b, 0)),
        ],
    )
    return pl.pallas_call(
        _mlp_kernel,
        grid_spec=grid_spec,
        out_shape=[jax.ShapeDtypeStruct((p, d2), jnp.float32)] * 2,
        compiler_params=pltpu.CompilerParams(
            dimension_semantics=("arbitrary",),
            vmem_limit_bytes=100 * 1024 * 1024,
        ),
    )(be, nblk8, xslo, xshi, w1b, w2b,
      b1.reshape(e_num, 1, f), b2.reshape(e_num, 1, d))


def _sc_combine(ylo, yhi, s12r, n):
    d2 = ylo.shape[1]
    mesh = plsc.VectorSubcoreMesh(core_axis_name="c", subcore_axis_name="s")
    out_type = [jax.ShapeDtypeStruct((2 * n, d2), jnp.float32)] * 2

    @functools.partial(pl.kernel, out_type=out_type, mesh=mesh)
    def k(ylo_hbm, yhi_hbm, s_hbm, glo_hbm, ghi_hbm):
        for y_hbm, g_hbm in ((ylo_hbm, glo_hbm), (yhi_hbm, ghi_hbm)):
            def body(i_vmem, o_vmem, y_hbm=y_hbm):
                pltpu.sync_copy(y_hbm.at[i_vmem.at[0]], o_vmem)

            pltpu.emit_pipeline(
                body,
                grid=(2 * n // SCW,),
                in_specs=[pl.BlockSpec((1, SCW), lambda i: (0, i))],
                out_specs=[pl.BlockSpec((SCW, d2), lambda i: (i, 0))],
                core_axis_name=("c", "s"),
                dimension_semantics=(pltpu.PARALLEL,),
            )(s_hbm, g_hbm)

    return k(ylo, yhi, s12r)


def _comb_kernel(w1_ref, w2_ref, y0lo_ref, y0hi_ref, y1lo_ref, y1hi_ref,
                 o_ref):
    d2 = y0lo_ref.shape[1]
    w1 = w1_ref[...]
    w2 = w2_ref[...]
    o_ref[:, 0:d2] = w1 * y0lo_ref[...] + w2 * y1lo_ref[...]
    o_ref[:, d2:2 * d2] = w1 * y0hi_ref[...] + w2 * y1hi_ref[...]


def _combine(w1v, w2v, glo, ghi):
    n2, d2 = glo.shape
    n = n2 // 2
    cch = 1024
    nch = n // cch
    top = pl.BlockSpec((cch, d2), lambda i: (i, 0))
    bot = pl.BlockSpec((cch, d2), lambda i: (i + nch, 0))
    col = pl.BlockSpec((cch, 1), lambda i: (i, 0))
    return pl.pallas_call(
        _comb_kernel,
        grid=(nch,),
        in_specs=[col, col, top, top, bot, bot],
        out_specs=pl.BlockSpec((cch, 2 * d2), lambda i: (i, 0)),
        out_shape=jax.ShapeDtypeStruct((n, 2 * d2), jnp.float32),
    )(w1v, w2v, glo, ghi, glo, ghi)


def kernel(x, Wg, W1, b1, W2, b2):
    bv, tv, d = x.shape
    n = bv * tv
    e_num, f = W1.shape[0], W1.shape[1]
    nb = 2 * n // BLK + e_num
    p = nb * BLK

    xf = x.reshape(n, d)
    w1b = W1.astype(jnp.bfloat16)
    w2b = W2.astype(jnp.bfloat16)

    w1v, w2v, s12, be, nblk, xlo, xhi = _route(xf, Wg, nb)
    s12r = s12.reshape(1, 2 * n)

    xslo, xshi = _sc_dispatch(xlo, xhi, s12r, p)
    ylo, yhi = _grouped_mlp(be.reshape(nb), nblk.reshape(e_num), xslo, xshi,
                            w1b, w2b, b1, b2, nb, p)
    glo, ghi = _sc_combine(ylo, yhi, s12r, n)
    out = _combine(w1v, w2v, glo, ghi)
    return out.reshape(bv, tv, d)

# --- scband reference (transcript-rebuilt; emitter-appended) ---
"""Pipeline reference for scband-mixture-of-experts-19353122636013 (READ-ONLY COPY).

The authoritative reference and input builder live on the scoring server;
editing this copy changes nothing except your own understanding.
"""

import jax, jax.numpy as jnp
import numpy as np

D_MODEL = 768
M = 4
NUM_EXPERTS = 8
TOP_K = 2
B, T = 2, 2048


def setup_inputs(seed: int = 0) -> dict:
    key = jax.random.key(seed)
    ks = jax.random.split(key, 7)
    D = D_MODEL
    F = D_MODEL * M
    E = NUM_EXPERTS
    x = jax.random.normal(ks[0], (B, T, D), dtype=jnp.float32)
    Wg = jax.random.normal(ks[1], (E, D), dtype=jnp.float32) * 0.02
    W1 = jax.random.normal(ks[2], (E, F, D), dtype=jnp.float32) * 0.02
    b1 = jnp.zeros((E, F), dtype=jnp.float32)
    W2 = jax.random.normal(ks[3], (E, D, F), dtype=jnp.float32) * 0.02
    b2 = jnp.zeros((E, D), dtype=jnp.float32)
    return {"x": x, "Wg": Wg, "W1": W1, "b1": b1, "W2": W2, "b2": b2}


def reference(x, Wg, W1, b1, W2, b2):
    Bv, Tv, D = x.shape
    N = Bv * Tv
    # gate
    logits = jnp.einsum('btd,ed->bte', x, Wg)
    top_k_logits, top_k_indices = jax.lax.top_k(logits, TOP_K)
    top_k_weights = jax.nn.softmax(top_k_logits, axis=-1)
    # dense all-expert MLP evaluation (faithful to torch impl)
    xf = x.reshape(N, D)
    h = jnp.einsum('nd,efd->enf', xf, W1) + b1[:, None, :]
    h = jax.nn.gelu(h, approximate=False)
    all_expert_outputs = jnp.einsum('enf,edf->end', h, W2) + b2[:, None, :]  # (E, N, D)
    flat_indices = top_k_indices.reshape(N, TOP_K)
    flat_indices_t = flat_indices.T  # (top_k, N)
    ar = jnp.arange(N)
    selected = all_expert_outputs[flat_indices_t, ar[None, :]]  # (top_k, N, D)
    selected = jnp.transpose(selected, (1, 0, 2))  # (N, top_k, D)
    weights = top_k_weights.reshape(N, TOP_K, 1)
    output = (selected * weights).sum(axis=1)
    return output.reshape(Bv, Tv, D)

if __name__ == "__main__":
    import jax
    _d = setup_inputs()
    print(jax.jit(kernel)(*tuple(_d.values())))

</pallas_src>

<mosaic_0001>
#map = affine_map<(d0, d1) -> (0, 0)>
module attributes {stable_mosaic.version = 14 : i64} {
  func.func @k(%arg0: i32, %arg1: i32, %arg2: memref<12288x384xf32, #tpu.memory_space<hbm>>, %arg3: memref<12288x384xf32, #tpu.memory_space<hbm>>, %arg4: memref<1x8192xi32, #tpu.memory_space<hbm>>, %arg5: memref<8192x384xf32, #tpu.memory_space<hbm>>, %arg6: memref<8192x384xf32, #tpu.memory_space<hbm>>) attributes {dimension_semantics = [#tpu.dimension_semantics<core_parallel>, #tpu.dimension_semantics<subcore_parallel>], iteration_bounds = array<i64: 2, 16>, scalar_prefetch = 0 : i64, scratch_operands = 0 : i64, tpu.core_type = #tpu.core_type<sc_vector_subcore>, window_params = [{transform_indices = #map}, {transform_indices = #map}, {transform_indices = #map}, {transform_indices = #map}, {transform_indices = #map}]} {
    %mul3A = arith.constant 1 : i32
    %mul3A_0 = arith.muli %arg1, %mul3A : i32
    %add3A = arith.constant 0 : i32
    %add3A_1 = arith.addi %add3A, %mul3A_0 : i32
    %mul3A_2 = arith.constant 16 : i32
    %mul3A_3 = arith.muli %arg0, %mul3A_2 : i32
    %add3A_4 = arith.addi %add3A_1, %mul3A_3 : i32
    %mul3A_5 = arith.constant 2 : i32
    %mul3A_6 = arith.muli %add3A_4, %mul3A_5 : i32
    "tpu.region"() ({
      %run_scoped3A = memref.alloca() : memref<2x1x128xi32, #tpu.memory_space<vmem>>
      %run_scoped3A_16 = tpu.sem_alloc : memref<2x!tpu.dma_semaphore, #tpu.memory_space<semaphore_mem>>
      %run_scoped3A_17 = memref.alloca() : memref<2x128x384xf32, #tpu.memory_space<vmem>>
      %run_scoped3A_18 = tpu.sem_alloc : memref<2x!tpu.dma_semaphore, #tpu.memory_space<semaphore_mem>>
      %add3A_19 = arith.constant 0 : i32
      %add3A_20 = arith.addi %add3A_19, %mul3A_6 : i32
      %select_n3A = arith.constant true
      %select_n3A_21 = arith.constant 0 : i32
      %select_n3A_22 = arith.constant -1 : i32
      %select_n3A_23 = arith.select %select_n3A, %select_n3A_22, %select_n3A_21 : i32
      %eq3A = arith.constant -1 : i32
      %eq3A_24 = arith.cmpi eq, %select_n3A_23, %eq3A : i32
      %select_n3A_25 = arith.constant 1 : i32
      %select_n3A_26 = arith.select %eq3A_24, %select_n3A_25, %select_n3A_23 : i32
      %add3A_27 = arith.addi %select_n3A_26, %mul3A_6 : i32
      %select_n3A_28 = arith.constant true
      %select_n3A_29 = arith.constant 0 : i32
      %select_n3A_30 = arith.constant 1 : i32
      %select_n3A_31 = arith.select %select_n3A_28, %select_n3A_30, %select_n3A_29 : i32
      %eq3A_32 = arith.constant 2 : i32
      %eq3A_33 = arith.cmpi eq, %select_n3A_31, %eq3A_32 : i32
      %select_n3A_34 = arith.constant 0 : i32
      %select_n3A_35 = arith.select %eq3A_33, %select_n3A_34, %select_n3A_31 : i32
      %add3A_36 = arith.addi %select_n3A_35, %mul3A_6 : i32
      %add3A_37 = arith.constant 1 : i32
      %add3A_38 = arith.addi %select_n3A_35, %add3A_37 : i32
      %select_n3A_39 = arith.constant true
      %select_n3A_40 = arith.select %select_n3A_39, %add3A_38, %select_n3A_35 : i32
      %eq3A_41 = arith.constant 2 : i32
      %eq3A_42 = arith.cmpi eq, %select_n3A_40, %eq3A_41 : i32
      %select_n3A_43 = arith.constant 0 : i32
      %select_n3A_44 = arith.select %eq3A_42, %select_n3A_43, %select_n3A_40 : i32
      %add3A_45 = arith.addi %select_n3A_44, %mul3A_6 : i32
      "tpu.trace_start"() <{level = 10 : i32, message = "ep_initialize_0"}> : () -> ()
      %rem3A = arith.constant 0 : i32
      %rem3A_46 = arith.constant 2 : i32
      %rem3A_47 = arith.remui %rem3A, %rem3A_46 : i32
      %mul3A_48 = arith.constant 128 : i32
      %mul3A_49 = arith.muli %mul3A_48, %add3A_20 : i32
      %dma_start3A = arith.constant 0 : i32
      %dma_start3A_50 = arith.constant 0 : i32
      %dma_start3A_51 = tpu.memref_slice %run_scoped3A[%rem3A_47, %dma_start3A, %dma_start3A_50] : memref<2x1x128xi32, #tpu.memory_space<vmem>> -> memref<1x1x128xi32, #tpu.memory_space<vmem>>
      %dma_start3A_52 = tpu.memref_squeeze %dma_start3A_51 : memref<1x1x128xi32, #tpu.memory_space<vmem>> -> memref<1x128xi32, #tpu.memory_space<vmem>>
      %dma_start3A_53 = arith.constant 0 : i32
      %dma_start3A_54 = tpu.memref_slice %arg4[%dma_start3A_53, %mul3A_49] : memref<1x8192xi32, #tpu.memory_space<hbm>> -> memref<1x128xi32, #tpu.memory_space<hbm>>
      %dma_start3A_55 = tpu.memref_slice %run_scoped3A_16[%rem3A_47] : memref<2x!tpu.dma_semaphore, #tpu.memory_space<semaphore_mem>> -> memref<1x!tpu.dma_semaphore, #tpu.memory_space<semaphore_mem>>
      %dma_start3A_56 = tpu.memref_squeeze %dma_start3A_55 : memref<1x!tpu.dma_semaphore, #tpu.memory_space<semaphore_mem>> -> memref<!tpu.dma_semaphore, #tpu.memory_space<semaphore_mem>>
      %dma_start3A_57 = arith.constant 0 : i32
      %dma_start3A_58 = arith.constant 0 : i32
      %dma_start3A_59 = tpu.memref_slice %run_scoped3A[%rem3A_47, %dma_start3A_57, %dma_start3A_58] : memref<2x1x128xi32, #tpu.memory_space<vmem>> -> memref<1x1x128xi32, #tpu.memory_space<vmem>>
      %dma_start3A_60 = tpu.memref_squeeze %dma_start3A_59 : memref<1x1x128xi32, #tpu.memory_space<vmem>> -> memref<1x128xi32, #tpu.memory_space<vmem>>
      %dma_start3A_61 = arith.constant 0 : i32
      %dma_start3A_62 = tpu.memref_slice %arg4[%dma_start3A_61, %mul3A_49] : memref<1x8192xi32, #tpu.memory_space<hbm>> -> memref<1x128xi32, #tpu.memory_space<hbm>>
      tpu.enqueue_dma source(%dma_start3A_62 : memref<1x128xi32, #tpu.memory_space<hbm>>) target(%dma_start3A_60 : memref<1x128xi32, #tpu.memory_space<vmem>>) target_semaphore(%dma_start3A_56 : memref<!tpu.dma_semaphore, #tpu.memory_space<semaphore_mem>>)
      %add3A_63 = arith.constant 0 : i32
      %add3A_64 = arith.constant 1 : i32
      %add3A_65 = arith.addi %add3A_63, %add3A_64 : i32
      %select_n3A_66 = arith.constant true
      %select_n3A_67 = arith.constant 0 : i32
      %select_n3A_68 = arith.select %select_n3A_66, %add3A_65, %select_n3A_67 : i32
      "tpu.trace_stop"() : () -> ()
      %scan3A = arith.constant 0 : i32
      %scan3A_69 = arith.constant 0 : i32
      %scan3A_70 = arith.constant 0 : i32
      %scan3A_71 = arith.constant 0 : i32
      %scan3A_72 = arith.constant 0 : i32
      %scan3A_73 = arith.constant 2 : i32
      %scan3A_74 = arith.addi %scan3A_72, %scan3A_73 : i32
      %scan3A_75 = arith.constant 1 : i32
      %scan3A_76:5 = scf.for %scan3A_130 = %scan3A_72 to %scan3A_74 step %scan3A_75 iter_args(%scan3A_131 = %select_n3A_68, %scan3A_132 = %scan3A, %scan3A_133 = %scan3A_69, %scan3A_134 = %scan3A_70, %scan3A_135 = %scan3A_71) -> (i32, i32, i32, i32, i32)  : i32 {
        %eq3A_136 = arith.constant 0 : i32
        %eq3A_137 = arith.cmpi eq, %scan3A_130, %eq3A_136 : i32
        %eq3A_138 = arith.constant 1 : i32
        %eq3A_139 = arith.cmpi eq, %scan3A_130, %eq3A_138 : i32
        %add3A_140 = arith.addi %scan3A_135, %mul3A_6 : i32
        %sub3A_141 = arith.constant 1 : i32
        %sub3A_142 = arith.subi %scan3A_135, %sub3A_141 : i32
        %select_n3A_143 = arith.constant true
        %select_n3A_144 = arith.select %select_n3A_143, %sub3A_142, %scan3A_135 : i32
        %eq3A_145 = arith.constant -1 : i32
        %eq3A_146 = arith.cmpi eq, %select_n3A_144, %eq3A_145 : i32
        %select_n3A_147 = arith.constant 1 : i32
        %select_n3A_148 = arith.select %eq3A_146, %select_n3A_147, %select_n3A_144 : i32
        %add3A_149 = arith.addi %select_n3A_148, %mul3A_6 : i32
        %add3A_150 = arith.constant 1 : i32
        %add3A_151 = arith.addi %scan3A_135, %add3A_150 : i32
        %select_n3A_152 = arith.constant true
        %select_n3A_153 = arith.select %select_n3A_152, %add3A_151, %scan3A_135 : i32
        %eq3A_154 = arith.constant 2 : i32
        %eq3A_155 = arith.cmpi eq, %select_n3A_153, %eq3A_154 : i32
        %select_n3A_156 = arith.constant 0 : i32
        %select_n3A_157 = arith.select %eq3A_155, %select_n3A_156, %select_n3A_153 : i32
        %add3A_158 = arith.addi %select_n3A_157, %mul3A_6 : i32
        %add3A_159 = arith.constant 1 : i32
        %add3A_160 = arith.addi %select_n3A_157, %add3A_159 : i32
        %select_n3A_161 = arith.constant true
        %select_n3A_162 = arith.select %select_n3A_161, %add3A_160, %select_n3A_157 : i32
        %eq3A_163 = arith.constant 2 : i32
        %eq3A_164 = arith.cmpi eq, %select_n3A_162, %eq3A_163 : i32
        %select_n3A_165 = arith.constant 0 : i32
        %select_n3A_166 = arith.select %eq3A_164, %select_n3A_165, %select_n3A_162 : i32
        %add3A_167 = arith.addi %select_n3A_166, %mul3A_6 : i32
        %ne3A = arith.cmpi ne, %add3A_140, %add3A_158 : i32
        %or3A = arith.constant false
        %or3A_168 = arith.ori %or3A, %ne3A : i1
        %ge3A = arith.constant 1 : i32
        %ge3A_169 = arith.cmpi sge, %scan3A_130, %ge3A : i32
        %not3A = arith.constant true
        %not3A_170 = arith.xori %ge3A_169, %not3A : i1
        %and3A = arith.andi %or3A_168, %not3A_170 : i1
        %convert_element_type3A = arith.extui %and3A : i1 to i32
        %cond3A = arith.constant 0 : i32
        %cond3A_171 = arith.cmpi ne, %convert_element_type3A, %cond3A : i32
        scf.if %cond3A_171 {
          "tpu.trace_start"() <{level = 10 : i32, message = "ep_copy_in"}> : () -> ()
          %rem3A_273 = arith.constant 2 : i32
          %rem3A_274 = arith.remui %scan3A_131, %rem3A_273 : i32
          %mul3A_275 = arith.constant 128 : i32
          %mul3A_276 = arith.muli %mul3A_275, %add3A_158 : i32
          %dma_start3A_277 = arith.constant 0 : i32
          %dma_start3A_278 = arith.constant 0 : i32
          %dma_start3A_279 = tpu.memref_slice %run_scoped3A[%rem3A_274, %dma_start3A_277, %dma_start3A_278] : memref<2x1x128xi32, #tpu.memory_space<vmem>> -> memref<1x1x128xi32, #tpu.memory_space<vmem>>
          %dma_start3A_280 = tpu.memref_squeeze %dma_start3A_279 : memref<1x1x128xi32, #tpu.memory_space<vmem>> -> memref<1x128xi32, #tpu.memory_space<vmem>>
          %dma_start3A_281 = arith.constant 0 : i32
          %dma_start3A_282 = tpu.memref_slice %arg4[%dma_start3A_281, %mul3A_276] : memref<1x8192xi32, #tpu.memory_space<hbm>> -> memref<1x128xi32, #tpu.memory_space<hbm>>
          %dma_start3A_283 = tpu.memref_slice %run_scoped3A_16[%rem3A_274] : memref<2x!tpu.dma_semaphore, #tpu.memory_space<semaphore_mem>> -> memref<1x!tpu.dma_semaphore, #tpu.memory_space<semaphore_mem>>
          %dma_start3A_284 = tpu.memref_squeeze %dma_start3A_283 : memref<1x!tpu.dma_semaphore, #tpu.memory_space<semaphore_mem>> -> memref<!tpu.dma_semaphore, #tpu.memory_space<semaphore_mem>>
          %dma_start3A_285 = arith.constant 0 : i32
          %dma_start3A_286 = arith.constant 0 : i32
          %dma_start3A_287 = tpu.memref_slice %run_scoped3A[%rem3A_274, %dma_start3A_285, %dma_start3A_286] : memref<2x1x128xi32, #tpu.memory_space<vmem>> -> memref<1x1x128xi32, #tpu.memory_space<vmem>>
          %dma_start3A_288 = tpu.memref_squeeze %dma_start3A_287 : memref<1x1x128xi32, #tpu.memory_space<vmem>> -> memref<1x128xi32, #tpu.memory_space<vmem>>
          %dma_start3A_289 = arith.constant 0 : i32
          %dma_start3A_290 = tpu.memref_slice %arg4[%dma_start3A_289, %mul3A_276] : memref<1x8192xi32, #tpu.memory_space<hbm>> -> memref<1x128xi32, #tpu.memory_space<hbm>>
          tpu.enqueue_dma source(%dma_start3A_290 : memref<1x128xi32, #tpu.memory_space<hbm>>) target(%dma_start3A_288 : memref<1x128xi32, #tpu.memory_space<vmem>>) target_semaphore(%dma_start3A_284 : memref<!tpu.dma_semaphore, #tpu.memory_space<semaphore_mem>>)
          "tpu.trace_stop"() : () -> ()
        } else {
        }
        %and3A_172 = arith.constant true
        %and3A_173 = arith.andi %and3A, %and3A_172 : i1
        %add3A_174 = arith.constant 1 : i32
        %add3A_175 = arith.addi %scan3A_131, %add3A_174 : i32
        %select_n3A_176 = arith.select %and3A_173, %add3A_175, %scan3A_131 : i32
        %ne3A_177 = arith.cmpi ne, %add3A_140, %add3A_158 : i32
        %or3A_178 = arith.constant false
        %or3A_179 = arith.ori %or3A_178, %ne3A_177 : i1
        %or3A_180 = arith.constant false
        %or3A_181 = arith.ori %or3A_179, %or3A_180 : i1
        %ge3A_182 = arith.constant 1 : i32
        %ge3A_183 = arith.cmpi sge, %scan3A_130, %ge3A_182 : i32
        %not3A_184 = arith.constant true
        %not3A_185 = arith.xori %ge3A_183, %not3A_184 : i1
        %and3A_186 = arith.andi %or3A_181, %not3A_185 : i1
        %ne3A_187 = arith.cmpi ne, %add3A_140, %add3A_149 : i32
        %or3A_188 = arith.constant false
        %or3A_189 = arith.ori %or3A_188, %ne3A_187 : i1
        %or3A_190 = arith.ori %or3A_189, %eq3A_137 : i1
        %convert_element_type3A_191 = arith.extui %or3A_190 : i1 to i32
        %cond3A_192 = arith.constant 0 : i32
        %cond3A_193 = arith.cmpi ne, %convert_element_type3A_191, %cond3A_192 : i32
        scf.if %cond3A_193 {
          "tpu.trace_start"() <{level = 10 : i32, message = "ep_wait_in"}> : () -> ()
          %mul3A_273 = arith.constant 128 : i32
          %mul3A_274 = arith.muli %mul3A_273, %add3A_140 : i32
          %rem3A_275 = arith.constant 2 : i32
          %rem3A_276 = arith.remui %scan3A_132, %rem3A_275 : i32
          %dma_wait3A_277 = arith.constant 0 : i32
          %dma_wait3A_278 = arith.constant 0 : i32
          %dma_wait3A_279 = tpu.memref_slice %run_scoped3A[%rem3A_276, %dma_wait3A_277, %dma_wait3A_278] : memref<2x1x128xi32, #tpu.memory_space<vmem>> -> memref<1x1x128xi32, #tpu.memory_space<vmem>>
          %dma_wait3A_280 = tpu.memref_squeeze %dma_wait3A_279 : memref<1x1x128xi32, #tpu.memory_space<vmem>> -> memref<1x128xi32, #tpu.memory_space<vmem>>
          %dma_wait3A_281 = arith.constant 0 : i32
          %dma_wait3A_282 = tpu.memref_slice %arg4[%dma_wait3A_281, %mul3A_274] : memref<1x8192xi32, #tpu.memory_space<hbm>> -> memref<1x128xi32, #tpu.memory_space<hbm>>
          %dma_wait3A_283 = tpu.memref_slice %run_scoped3A_16[%rem3A_276] : memref<2x!tpu.dma_semaphore, #tpu.memory_space<semaphore_mem>> -> memref<1x!tpu.dma_semaphore, #tpu.memory_space<semaphore_mem>>
          %dma_wait3A_284 = tpu.memref_squeeze %dma_wait3A_283 : memref<1x!tpu.dma_semaphore, #tpu.memory_space<semaphore_mem>> -> memref<!tpu.dma_semaphore, #tpu.memory_space<semaphore_mem>>
          %dma_wait3A_285 = arith.constant 0 : i32
          %dma_wait3A_286 = arith.constant 0 : i32
          %dma_wait3A_287 = tpu.memref_slice %run_scoped3A[%rem3A_276, %dma_wait3A_285, %dma_wait3A_286] : memref<2x1x128xi32, #tpu.memory_space<vmem>> -> memref<1x1x128xi32, #tpu.memory_space<vmem>>
          %dma_wait3A_288 = tpu.memref_squeeze %dma_wait3A_287 : memref<1x1x128xi32, #tpu.memory_space<vmem>> -> memref<1x128xi32, #tpu.memory_space<vmem>>
          %dma_wait3A_289 = arith.constant 0 : i32
          %dma_wait3A_290 = tpu.memref_slice %arg4[%dma_wait3A_289, %mul3A_274] : memref<1x8192xi32, #tpu.memory_space<hbm>> -> memref<1x128xi32, #tpu.memory_space<hbm>>
          tpu.wait_dma2 semaphore(%dma_wait3A_284 : memref<!tpu.dma_semaphore, #tpu.memory_space<semaphore_mem>>) src(%dma_wait3A_290 : memref<1x128xi32, #tpu.memory_space<hbm>>) dst(%dma_wait3A_288 : memref<1x128xi32, #tpu.memory_space<vmem>>)
          "tpu.trace_stop"() : () -> ()
        } else {
        }
        %ne3A_194 = arith.cmpi ne, %add3A_140, %add3A_149 : i32
        %or3A_195 = arith.constant false
        %or3A_196 = arith.ori %or3A_195, %ne3A_194 : i1
        %or3A_197 = arith.constant false
        %or3A_198 = arith.ori %or3A_196, %or3A_197 : i1
        %or3A_199 = arith.ori %or3A_198, %eq3A_137 : i1
        %convert_element_type3A_200 = arith.extui %or3A_199 : i1 to i32
        %cond3A_201 = arith.constant 0 : i32
        %cond3A_202 = arith.cmpi ne, %convert_element_type3A_200, %cond3A_201 : i32
        scf.if %cond3A_202 {
        } else {
        }
        %rem3A_203 = arith.constant 2 : i32
        %rem3A_204 = arith.remui %scan3A_132, %rem3A_203 : i32
        %rem3A_205 = arith.constant 2 : i32
        %rem3A_206 = arith.remui %scan3A_133, %rem3A_205 : i32
        %run_scoped3A_207 = arith.constant 0 : i32
        "tpu.trace_start"() <{level = 10 : i32, message = "ep_run_kernel"}> : () -> ()
        "tpu.region"() ({
          %run_scoped3A_273 = tpu.sem_alloc : memref<!tpu.dma_semaphore, #tpu.memory_space<semaphore_mem>>
          %dma_start3A_274 = arith.constant 0 : i32
          %dma_start3A_275 = arith.constant 0 : i32
          %dma_start3A_276 = tpu.memref_slice %run_scoped3A_17[%rem3A_206, %dma_start3A_274, %dma_start3A_275] : memref<2x128x384xf32, #tpu.memory_space<vmem>> -> memref<1x128x384xf32, #tpu.memory_space<vmem>>
          %dma_start3A_277 = tpu.memref_squeeze %dma_start3A_276 : memref<1x128x384xf32, #tpu.memory_space<vmem>> -> memref<128x384xf32, #tpu.memory_space<vmem>>
          %dma_start3A_278 = arith.constant 0 : i32
          %dma_start3A_279 = arith.constant 0 : i32
          %dma_start3A_280 = tpu.memref_slice %run_scoped3A[%rem3A_204, %dma_start3A_278, %dma_start3A_279] : memref<2x1x128xi32, #tpu.memory_space<vmem>> -> memref<1x1x128xi32, #tpu.memory_space<vmem>>
          %dma_start3A_281 = tpu.memref_squeeze %dma_start3A_280 : memref<1x1x128xi32, #tpu.memory_space<vmem>> -> memref<1x128xi32, #tpu.memory_space<vmem>>
          %dma_start3A_282 = arith.constant 0 : i32
          %dma_start3A_283 = tpu.memref_slice %dma_start3A_281[%run_scoped3A_207, %dma_start3A_282] : memref<1x128xi32, #tpu.memory_space<vmem>> -> memref<1x128xi32, #tpu.memory_space<vmem>>
          %dma_start3A_284 = tpu.memref_squeeze %dma_start3A_283 : memref<1x128xi32, #tpu.memory_space<vmem>> -> memref<128xi32, #tpu.memory_space<vmem>>
          %dma_start3A_285 = arith.constant 0 : i32
          %dma_start3A_286 = arith.constant 0 : i32
          %dma_start3A_287 = tpu.memref_slice %arg2[%dma_start3A_285, %dma_start3A_286] : memref<12288x384xf32, #tpu.memory_space<hbm>> -> memref<12288x384xf32, #tpu.memory_space<hbm>>
          tpu.enqueue_indirect_dma source(%dma_start3A_287 : memref<12288x384xf32, #tpu.memory_space<hbm>>) target(%dma_start3A_277 : memref<128x384xf32, #tpu.memory_space<vmem>>) offsets(%dma_start3A_284 : memref<128xi32, #tpu.memory_space<vmem>>) semaphore(%run_scoped3A_273 : memref<!tpu.dma_semaphore, #tpu.memory_space<semaphore_mem>>)
          %dma_wait3A_288 = arith.constant 0 : i32
          %dma_wait3A_289 = arith.constant 0 : i32
          %dma_wait3A_290 = tpu.memref_slice %run_scoped3A_17[%rem3A_206, %dma_wait3A_288, %dma_wait3A_289] : memref<2x128x384xf32, #tpu.memory_space<vmem>> -> memref<1x128x384xf32, #tpu.memory_space<vmem>>
          %dma_wait3A_291 = tpu.memref_squeeze %dma_wait3A_290 : memref<1x128x384xf32, #tpu.memory_space<vmem>> -> memref<128x384xf32, #tpu.memory_space<vmem>>
          %dma_wait3A_292 = arith.constant 0 : i32
          %dma_wait3A_293 = arith.constant 0 : i32
          %dma_wait3A_294 = tpu.memref_slice %run_scoped3A[%rem3A_204, %dma_wait3A_292, %dma_wait3A_293] : memref<2x1x128xi32, #tpu.memory_space<vmem>> -> memref<1x1x128xi32, #tpu.memory_space<vmem>>
          %dma_wait3A_295 = tpu.memref_squeeze %dma_wait3A_294 : memref<1x1x128xi32, #tpu.memory_space<vmem>> -> memref<1x128xi32, #tpu.memory_space<vmem>>
          %dma_wait3A_296 = arith.constant 0 : i32
          %dma_wait3A_297 = tpu.memref_slice %dma_wait3A_295[%run_scoped3A_207, %dma_wait3A_296] : memref<1x128xi32, #tpu.memory_space<vmem>> -> memref<1x128xi32, #tpu.memory_space<vmem>>
          %dma_wait3A_298 = tpu.memref_squeeze %dma_wait3A_297 : memref<1x128xi32, #tpu.memory_space<vmem>> -> memref<128xi32, #tpu.memory_space<vmem>>
          %dma_wait3A_299 = arith.constant 0 : i32
          %dma_wait3A_300 = arith.constant 0 : i32
          %dma_wait3A_301 = tpu.memref_slice %arg2[%dma_wait3A_299, %dma_wait3A_300] : memref<12288x384xf32, #tpu.memory_space<hbm>> -> memref<12288x384xf32, #tpu.memory_space<hbm>>
          tpu.wait_indirect_dma semaphore(%run_scoped3A_273 : memref<!tpu.dma_semaphore, #tpu.memory_space<semaphore_mem>>) src(%dma_wait3A_301 : memref<12288x384xf32, #tpu.memory_space<hbm>>) dst(%dma_wait3A_291 : memref<128x384xf32, #tpu.memory_space<vmem>>)
          tpu.yield
        }) : () -> ()
        "tpu.trace_stop"() : () -> ()
        %ne3A_208 = arith.cmpi ne, %add3A_140, %add3A_158 : i32
        %or3A_209 = arith.constant false
        %or3A_210 = arith.ori %or3A_209, %ne3A_208 : i1
        %or3A_211 = arith.ori %or3A_210, %eq3A_139 : i1
        %convert_element_type3A_212 = arith.extui %or3A_211 : i1 to i32
        %cond3A_213 = arith.constant 0 : i32
        %cond3A_214 = arith.cmpi ne, %convert_element_type3A_212, %cond3A_213 : i32
        scf.if %cond3A_214 {
        } else {
        }
        %and3A_215 = arith.constant false
        %and3A_216 = arith.andi %or3A_211, %and3A_215 : i1
        %ne3A_217 = arith.cmpi ne, %add3A_140, %add3A_158 : i32
        %or3A_218 = arith.constant false
        %or3A_219 = arith.ori %or3A_218, %ne3A_217 : i1
        %or3A_220 = arith.constant false
        %or3A_221 = arith.ori %or3A_219, %or3A_220 : i1
        %or3A_222 = arith.ori %or3A_221, %eq3A_139 : i1
        %convert_element_type3A_223 = arith.extui %or3A_222 : i1 to i32
        %cond3A_224 = arith.constant 0 : i32
        %cond3A_225 = arith.cmpi ne, %convert_element_type3A_223, %cond3A_224 : i32
        scf.if %cond3A_225 {
          "tpu.trace_start"() <{level = 10 : i32, message = "ep_copy_out"}> : () -> ()
          %rem3A_273 = arith.constant 2 : i32
          %rem3A_274 = arith.remui %scan3A_133, %rem3A_273 : i32
          %mul3A_275 = arith.constant 128 : i32
          %mul3A_276 = arith.muli %mul3A_275, %add3A_140 : i32
          %dma_start3A_277 = arith.constant 0 : i32
          %dma_start3A_278 = arith.constant 0 : i32
          %dma_start3A_279 = tpu.memref_slice %run_scoped3A_17[%rem3A_274, %dma_start3A_277, %dma_start3A_278] : memref<2x128x384xf32, #tpu.memory_space<vmem>> -> memref<1x128x384xf32, #tpu.memory_space<vmem>>
          %dma_start3A_280 = tpu.memref_squeeze %dma_start3A_279 : memref<1x128x384xf32, #tpu.memory_space<vmem>> -> memref<128x384xf32, #tpu.memory_space<vmem>>
          %dma_start3A_281 = arith.constant 0 : i32
          %dma_start3A_282 = tpu.memref_slice %arg5[%mul3A_276, %dma_start3A_281] : memref<8192x384xf32, #tpu.memory_space<hbm>> -> memref<128x384xf32, #tpu.memory_space<hbm>>
          %dma_start3A_283 = tpu.memref_slice %run_scoped3A_18[%rem3A_274] : memref<2x!tpu.dma_semaphore, #tpu.memory_space<semaphore_mem>> -> memref<1x!tpu.dma_semaphore, #tpu.memory_space<semaphore_mem>>
          %dma_start3A_284 = tpu.memref_squeeze %dma_start3A_283 : memref<1x!tpu.dma_semaphore, #tpu.memory_space<semaphore_mem>> -> memref<!tpu.dma_semaphore, #tpu.memory_space<semaphore_mem>>
          %dma_start3A_285 = arith.constant 0 : i32
          %dma_start3A_286 = tpu.memref_slice %arg5[%mul3A_276, %dma_start3A_285] : memref<8192x384xf32, #tpu.memory_space<hbm>> -> memref<128x384xf32, #tpu.memory_space<hbm>>
          %dma_start3A_287 = arith.constant 0 : i32
          %dma_start3A_288 = arith.constant 0 : i32
          %dma_start3A_289 = tpu.memref_slice %run_scoped3A_17[%rem3A_274, %dma_start3A_287, %dma_start3A_288] : memref<2x128x384xf32, #tpu.memory_space<vmem>> -> memref<1x128x384xf32, #tpu.memory_space<vmem>>
          %dma_start3A_290 = tpu.memref_squeeze %dma_start3A_289 : memref<1x128x384xf32, #tpu.memory_space<vmem>> -> memref<128x384xf32, #tpu.memory_space<vmem>>
          tpu.enqueue_dma source(%dma_start3A_290 : memref<128x384xf32, #tpu.memory_space<vmem>>) target(%dma_start3A_286 : memref<128x384xf32, #tpu.memory_space<hbm>>) target_semaphore(%dma_start3A_284 : memref<!tpu.dma_semaphore, #tpu.memory_space<semaphore_mem>>)
          "tpu.trace_stop"() : () -> ()
        } else {
        }
        %and3A_226 = arith.constant true
        %and3A_227 = arith.andi %or3A_222, %and3A_226 : i1
        %add3A_228 = arith.constant 1 : i32
        %add3A_229 = arith.addi %scan3A_133, %add3A_228 : i32
        %select_n3A_230 = arith.select %and3A_227, %add3A_229, %scan3A_133 : i32
        %ne3A_231 = arith.cmpi ne, %add3A_140, %add3A_149 : i32
        %or3A_232 = arith.constant false
        %or3A_233 = arith.ori %or3A_232, %ne3A_231 : i1
        %not3A_234 = arith.constant true
        %not3A_235 = arith.xori %eq3A_137, %not3A_234 : i1
        %and3A_236 = arith.andi %or3A_233, %not3A_235 : i1
        %convert_element_type3A_237 = arith.extui %and3A_236 : i1 to i32
        %cond3A_238 = arith.constant 0 : i32
        %cond3A_239 = arith.cmpi ne, %convert_element_type3A_237, %cond3A_238 : i32
        scf.if %cond3A_239 {
        } else {
        }
        %and3A_240 = arith.constant false
        %and3A_241 = arith.andi %and3A_236, %and3A_240 : i1
        %ne3A_242 = arith.cmpi ne, %add3A_140, %add3A_149 : i32
        %or3A_243 = arith.constant false
        %or3A_244 = arith.ori %or3A_243, %ne3A_242 : i1
        %or3A_245 = arith.constant false
        %or3A_246 = arith.ori %or3A_244, %or3A_245 : i1
        %not3A_247 = arith.constant true
        %not3A_248 = arith.xori %eq3A_137, %not3A_247 : i1
        %and3A_249 = arith.andi %or3A_246, %not3A_248 : i1
        %convert_element_type3A_250 = arith.extui %and3A_249 : i1 to i32
        %cond3A_251 = arith.constant 0 : i32
        %cond3A_252 = arith.cmpi ne, %convert_element_type3A_250, %cond3A_251 : i32
        scf.if %cond3A_252 {
          "tpu.trace_start"() <{level = 10 : i32, message = "ep_wait_out"}> : () -> ()
          %rem3A_273 = arith.constant 2 : i32
          %rem3A_274 = arith.remui %scan3A_134, %rem3A_273 : i32
          %mul3A_275 = arith.constant 128 : i32
          %mul3A_276 = arith.muli %mul3A_275, %add3A_149 : i32
          %dma_wait3A_277 = arith.constant 0 : i32
          %dma_wait3A_278 = arith.constant 0 : i32
          %dma_wait3A_279 = tpu.memref_slice %run_scoped3A_17[%rem3A_274, %dma_wait3A_277, %dma_wait3A_278] : memref<2x128x384xf32, #tpu.memory_space<vmem>> -> memref<1x128x384xf32, #tpu.memory_space<vmem>>
          %dma_wait3A_280 = tpu.memref_squeeze %dma_wait3A_279 : memref<1x128x384xf32, #tpu.memory_space<vmem>> -> memref<128x384xf32, #tpu.memory_space<vmem>>
          %dma_wait3A_281 = arith.constant 0 : i32
          %dma_wait3A_282 = tpu.memref_slice %arg5[%mul3A_276, %dma_wait3A_281] : memref<8192x384xf32, #tpu.memory_space<hbm>> -> memref<128x384xf32, #tpu.memory_space<hbm>>
          %dma_wait3A_283 = tpu.memref_slice %run_scoped3A_18[%rem3A_274] : memref<2x!tpu.dma_semaphore, #tpu.memory_space<semaphore_mem>> -> memref<1x!tpu.dma_semaphore, #tpu.memory_space<semaphore_mem>>
          %dma_wait3A_284 = tpu.memref_squeeze %dma_wait3A_283 : memref<1x!tpu.dma_semaphore, #tpu.memory_space<semaphore_mem>> -> memref<!tpu.dma_semaphore, #tpu.memory_space<semaphore_mem>>
          %dma_wait3A_285 = arith.constant 0 : i32
          %dma_wait3A_286 = tpu.memref_slice %arg5[%mul3A_276, %dma_wait3A_285] : memref<8192x384xf32, #tpu.memory_space<hbm>> -> memref<128x384xf32, #tpu.memory_space<hbm>>
          %dma_wait3A_287 = arith.constant 0 : i32
          %dma_wait3A_288 = arith.constant 0 : i32
          %dma_wait3A_289 = tpu.memref_slice %run_scoped3A_17[%rem3A_274, %dma_wait3A_287, %dma_wait3A_288] : memref<2x128x384xf32, #tpu.memory_space<vmem>> -> memref<1x128x384xf32, #tpu.memory_space<vmem>>
          %dma_wait3A_290 = tpu.memref_squeeze %dma_wait3A_289 : memref<1x128x384xf32, #tpu.memory_space<vmem>> -> memref<128x384xf32, #tpu.memory_space<vmem>>
          tpu.wait_dma2 semaphore(%dma_wait3A_284 : memref<!tpu.dma_semaphore, #tpu.memory_space<semaphore_mem>>) src(%dma_wait3A_290 : memref<128x384xf32, #tpu.memory_space<vmem>>) dst(%dma_wait3A_286 : memref<128x384xf32, #tpu.memory_space<hbm>>)
          "tpu.trace_stop"() : () -> ()
        } else {
        }
        %and3A_253 = arith.constant true
        %and3A_254 = arith.andi %and3A_249, %and3A_253 : i1
        %add3A_255 = arith.constant 1 : i32
        %add3A_256 = arith.addi %scan3A_134, %add3A_255 : i32
        %select_n3A_257 = arith.select %and3A_254, %add3A_256, %scan3A_134 : i32
        %ne3A_258 = arith.cmpi ne, %add3A_140, %add3A_158 : i32
        %or3A_259 = arith.constant false
        %or3A_260 = arith.ori %or3A_259, %ne3A_258 : i1
        %or3A_261 = arith.ori %or3A_260, %eq3A_139 : i1
        %add3A_262 = arith.constant 1 : i32
        %add3A_263 = arith.addi %scan3A_132, %add3A_262 : i32
        %select_n3A_264 = arith.select %or3A_261, %add3A_263, %scan3A_132 : i32
        %add3A_265 = arith.constant 1 : i32
        %add3A_266 = arith.addi %scan3A_135, %add3A_265 : i32
        %select_n3A_267 = arith.constant true
        %select_n3A_268 = arith.select %select_n3A_267, %add3A_266, %scan3A_135 : i32
        %eq3A_269 = arith.constant 2 : i32
        %eq3A_270 = arith.cmpi eq, %select_n3A_268, %eq3A_269 : i32
        %select_n3A_271 = arith.constant 0 : i32
        %select_n3A_272 = arith.select %eq3A_270, %select_n3A_271, %select_n3A_268 : i32
        scf.yield %select_n3A_176, %select_n3A_264, %select_n3A_230, %select_n3A_257, %select_n3A_272 : i32, i32, i32, i32, i32
      }
      %scan3A_77 = arith.constant 2 : i32
      %sub3A = arith.constant 1 : i32
      %sub3A_78 = arith.subi %scan3A_76#4, %sub3A : i32
      %select_n3A_79 = arith.constant true
      %select_n3A_80 = arith.select %select_n3A_79, %sub3A_78, %scan3A_76#4 : i32
      %eq3A_81 = arith.constant -1 : i32
      %eq3A_82 = arith.cmpi eq, %select_n3A_80, %eq3A_81 : i32
      %select_n3A_83 = arith.constant 1 : i32
      %select_n3A_84 = arith.select %eq3A_82, %select_n3A_83, %select_n3A_80 : i32
      %add3A_85 = arith.addi %select_n3A_84, %mul3A_6 : i32
      %sub3A_86 = arith.constant 1 : i32
      %sub3A_87 = arith.subi %select_n3A_84, %sub3A_86 : i32
      %select_n3A_88 = arith.constant true
      %select_n3A_89 = arith.select %select_n3A_88, %sub3A_87, %select_n3A_84 : i32
      %eq3A_90 = arith.constant -1 : i32
      %eq3A_91 = arith.cmpi eq, %select_n3A_89, %eq3A_90 : i32
      %select_n3A_92 = arith.constant 1 : i32
      %select_n3A_93 = arith.select %eq3A_91, %select_n3A_92, %select_n3A_89 : i32
      %add3A_94 = arith.addi %select_n3A_93, %mul3A_6 : i32
      %add3A_95 = arith.constant 1 : i32
      %add3A_96 = arith.addi %select_n3A_84, %add3A_95 : i32
      %select_n3A_97 = arith.constant true
      %select_n3A_98 = arith.select %select_n3A_97, %add3A_96, %select_n3A_84 : i32
      %eq3A_99 = arith.constant 2 : i32
      %eq3A_100 = arith.cmpi eq, %select_n3A_98, %eq3A_99 : i32
      %select_n3A_101 = arith.constant 0 : i32
      %select_n3A_102 = arith.select %eq3A_100, %select_n3A_101, %select_n3A_98 : i32
      %add3A_103 = arith.addi %select_n3A_102, %mul3A_6 : i32
      %add3A_104 = arith.constant 1 : i32
      %add3A_105 = arith.addi %select_n3A_102, %add3A_104 : i32
      %select_n3A_106 = arith.constant true
      %select_n3A_107 = arith.select %select_n3A_106, %add3A_105, %select_n3A_102 : i32
      %eq3A_108 = arith.constant 2 : i32
      %eq3A_109 = arith.cmpi eq, %select_n3A_107, %eq3A_108 : i32
      %select_n3A_110 = arith.constant 0 : i32
      %select_n3A_111 = arith.select %eq3A_109, %select_n3A_110, %select_n3A_107 : i32
      %add3A_112 = arith.addi %select_n3A_111, %mul3A_6 : i32
      "tpu.trace_start"() <{level = 10 : i32, message = "ep_finalize"}> : () -> ()
      %rem3A_113 = arith.constant 2 : i32
      %rem3A_114 = arith.remui %scan3A_76#3, %rem3A_113 : i32
      %mul3A_115 = arith.constant 128 : i32
      %mul3A_116 = arith.muli %mul3A_115, %add3A_85 : i32
      %dma_wait3A = arith.constant 0 : i32
      %dma_wait3A_117 = arith.constant 0 : i32
      %dma_wait3A_118 = tpu.memref_slice %run_scoped3A_17[%rem3A_114, %dma_wait3A, %dma_wait3A_117] : memref<2x128x384xf32, #tpu.memory_space<vmem>> -> memref<1x128x384xf32, #tpu.memory_space<vmem>>
      %dma_wait3A_119 = tpu.memref_squeeze %dma_wait3A_118 : memref<1x128x384xf32, #tpu.memory_space<vmem>> -> memref<128x384xf32, #tpu.memory_space<vmem>>
      %dma_wait3A_120 = arith.constant 0 : i32
      %dma_wait3A_121 = tpu.memref_slice %arg5[%mul3A_116, %dma_wait3A_120] : memref<8192x384xf32, #tpu.memory_space<hbm>> -> memref<128x384xf32, #tpu.memory_space<hbm>>
      %dma_wait3A_122 = tpu.memref_slice %run_scoped3A_18[%rem3A_114] : memref<2x!tpu.dma_semaphore, #tpu.memory_space<semaphore_mem>> -> memref<1x!tpu.dma_semaphore, #tpu.memory_space<semaphore_mem>>
      %dma_wait3A_123 = tpu.memref_squeeze %dma_wait3A_122 : memref<1x!tpu.dma_semaphore, #tpu.memory_space<semaphore_mem>> -> memref<!tpu.dma_semaphore, #tpu.memory_space<semaphore_mem>>
      %dma_wait3A_124 = arith.constant 0 : i32
      %dma_wait3A_125 = tpu.memref_slice %arg5[%mul3A_116, %dma_wait3A_124] : memref<8192x384xf32, #tpu.memory_space<hbm>> -> memref<128x384xf32, #tpu.memory_space<hbm>>
      %dma_wait3A_126 = arith.constant 0 : i32
      %dma_wait3A_127 = arith.constant 0 : i32
      %dma_wait3A_128 = tpu.memref_slice %run_scoped3A_17[%rem3A_114, %dma_wait3A_126, %dma_wait3A_127] : memref<2x128x384xf32, #tpu.memory_space<vmem>> -> memref<1x128x384xf32, #tpu.memory_space<vmem>>
      %dma_wait3A_129 = tpu.memref_squeeze %dma_wait3A_128 : memref<1x128x384xf32, #tpu.memory_space<vmem>> -> memref<128x384xf32, #tpu.memory_space<vmem>>
      tpu.wait_dma2 semaphore(%dma_wait3A_123 : memref<!tpu.dma_semaphore, #tpu.memory_space<semaphore_mem>>) src(%dma_wait3A_129 : memref<128x384xf32, #tpu.memory_space<vmem>>) dst(%dma_wait3A_125 : memref<128x384xf32, #tpu.memory_space<hbm>>)
      "tpu.trace_stop"() : () -> ()
      tpu.yield
    }) : () -> ()
    %mul3A_7 = arith.constant 1 : i32
    %mul3A_8 = arith.muli %arg1, %mul3A_7 : i32
    %add3A_9 = arith.constant 0 : i32
    %add3A_10 = arith.addi %add3A_9, %mul3A_8 : i32
    %mul3A_11 = arith.constant 16 : i32
    %mul3A_12 = arith.muli %arg0, %mul3A_11 : i32
    %add3A_13 = arith.addi %add3A_10, %mul3A_12 : i32
    %mul3A_14 = arith.constant 2 : i32
    %mul3A_15 = arith.muli %add3A_13, %mul3A_14 : i32
    "tpu.region"() ({
      %run_scoped3A = memref.alloca() : memref<2x1x128xi32, #tpu.memory_space<vmem>>
      %run_scoped3A_16 = tpu.sem_alloc : memref<2x!tpu.dma_semaphore, #tpu.memory_space<semaphore_mem>>
      %run_scoped3A_17 = memref.alloca() : memref<2x128x384xf32, #tpu.memory_space<vmem>>
      %run_scoped3A_18 = tpu.sem_alloc : memref<2x!tpu.dma_semaphore, #tpu.memory_space<semaphore_mem>>
      %add3A_19 = arith.constant 0 : i32
      %add3A_20 = arith.addi %add3A_19, %mul3A_15 : i32
      %select_n3A = arith.constant true
      %select_n3A_21 = arith.constant 0 : i32
      %select_n3A_22 = arith.constant -1 : i32
      %select_n3A_23 = arith.select %select_n3A, %select_n3A_22, %select_n3A_21 : i32
      %eq3A = arith.constant -1 : i32
      %eq3A_24 = arith.cmpi eq, %select_n3A_23, %eq3A : i32
      %select_n3A_25 = arith.constant 1 : i32
      %select_n3A_26 = arith.select %eq3A_24, %select_n3A_25, %select_n3A_23 : i32
      %add3A_27 = arith.addi %select_n3A_26, %mul3A_15 : i32
      %select_n3A_28 = arith.constant true
      %select_n3A_29 = arith.constant 0 : i32
      %select_n3A_30 = arith.constant 1 : i32
      %select_n3A_31 = arith.select %select_n3A_28, %select_n3A_30, %select_n3A_29 : i32
      %eq3A_32 = arith.constant 2 : i32
      %eq3A_33 = arith.cmpi eq, %select_n3A_31, %eq3A_32 : i32
      %select_n3A_34 = arith.constant 0 : i32
      %select_n3A_35 = arith.select %eq3A_33, %select_n3A_34, %select_n3A_31 : i32
      %add3A_36 = arith.addi %select_n3A_35, %mul3A_15 : i32
      %add3A_37 = arith.constant 1 : i32
      %add3A_38 = arith.addi %select_n3A_35, %add3A_37 : i32
      %select_n3A_39 = arith.constant true
      %select_n3A_40 = arith.select %select_n3A_39, %add3A_38, %select_n3A_35 : i32
      %eq3A_41 = arith.constant 2 : i32
      %eq3A_42 = arith.cmpi eq, %select_n3A_40, %eq3A_41 : i32
      %select_n3A_43 = arith.constant 0 : i32
      %select_n3A_44 = arith.select %eq3A_42, %select_n3A_43, %select_n3A_40 : i32
      %add3A_45 = arith.addi %select_n3A_44, %mul3A_15 : i32
      "tpu.trace_start"() <{level = 10 : i32, message = "ep_initialize_0"}> : () -> ()
      %rem3A = arith.constant 0 : i32
      %rem3A_46 = arith.constant 2 : i32
      %rem3A_47 = arith.remui %rem3A, %rem3A_46 : i32
      %mul3A_48 = arith.constant 128 : i32
      %mul3A_49 = arith.muli %mul3A_48, %add3A_20 : i32
      %dma_start3A = arith.constant 0 : i32
      %dma_start3A_50 = arith.constant 0 : i32
      %dma_start3A_51 = tpu.memref_slice %run_scoped3A[%rem3A_47, %dma_start3A, %dma_start3A_50] : memref<2x1x128xi32, #tpu.memory_space<vmem>> -> memref<1x1x128xi32, #tpu.memory_space<vmem>>
      %dma_start3A_52 = tpu.memref_squeeze %dma_start3A_51 : memref<1x1x128xi32, #tpu.memory_space<vmem>> -> memref<1x128xi32, #tpu.memory_space<vmem>>
      %dma_start3A_53 = arith.constant 0 : i32
      %dma_start3A_54 = tpu.memref_slice %arg4[%dma_start3A_53, %mul3A_49] : memref<1x8192xi32, #tpu.memory_space<hbm>> -> memref<1x128xi32, #tpu.memory_space<hbm>>
      %dma_start3A_55 = tpu.memref_slice %run_scoped3A_16[%rem3A_47] : memref<2x!tpu.dma_semaphore, #tpu.memory_space<semaphore_mem>> -> memref<1x!tpu.dma_semaphore, #tpu.memory_space<semaphore_mem>>
      %dma_start3A_56 = tpu.memref_squeeze %dma_start3A_55 : memref<1x!tpu.dma_semaphore, #tpu.memory_space<semaphore_mem>> -> memref<!tpu.dma_semaphore, #tpu.memory_space<semaphore_mem>>
      %dma_start3A_57 = arith.constant 0 : i32
      %dma_start3A_58 = arith.constant 0 : i32
      %dma_start3A_59 = tpu.memref_slice %run_scoped3A[%rem3A_47, %dma_start3A_57, %dma_start3A_58] : memref<2x1x128xi32, #tpu.memory_space<vmem>> -> memref<1x1x128xi32, #tpu.memory_space<vmem>>
      %dma_start3A_60 = tpu.memref_squeeze %dma_start3A_59 : memref<1x1x128xi32, #tpu.memory_space<vmem>> -> memref<1x128xi32, #tpu.memory_space<vmem>>
      %dma_start3A_61 = arith.constant 0 : i32
      %dma_start3A_62 = tpu.memref_slice %arg4[%dma_start3A_61, %mul3A_49] : memref<1x8192xi32, #tpu.memory_space<hbm>> -> memref<1x128xi32, #tpu.memory_space<hbm>>
      tpu.enqueue_dma source(%dma_start3A_62 : memref<1x128xi32, #tpu.memory_space<hbm>>) target(%dma_start3A_60 : memref<1x128xi32, #tpu.memory_space<vmem>>) target_semaphore(%dma_start3A_56 : memref<!tpu.dma_semaphore, #tpu.memory_space<semaphore_mem>>)
      %add3A_63 = arith.constant 0 : i32
      %add3A_64 = arith.constant 1 : i32
      %add3A_65 = arith.addi %add3A_63, %add3A_64 : i32
      %select_n3A_66 = arith.constant true
      %select_n3A_67 = arith.constant 0 : i32
      %select_n3A_68 = arith.select %select_n3A_66, %add3A_65, %select_n3A_67 : i32
      "tpu.trace_stop"() : () -> ()
      %scan3A = arith.constant 0 : i32
      %scan3A_69 = arith.constant 0 : i32
      %scan3A_70 = arith.constant 0 : i32
      %scan3A_71 = arith.constant 0 : i32
      %scan3A_72 = arith.constant 0 : i32
      %scan3A_73 = arith.constant 2 : i32
      %scan3A_74 = arith.addi %scan3A_72, %scan3A_73 : i32
      %scan3A_75 = arith.constant 1 : i32
      %scan3A_76:5 = scf.for %scan3A_130 = %scan3A_72 to %scan3A_74 step %scan3A_75 iter_args(%scan3A_131 = %select_n3A_68, %scan3A_132 = %scan3A, %scan3A_133 = %scan3A_69, %scan3A_134 = %scan3A_70, %scan3A_135 = %scan3A_71) -> (i32, i32, i32, i32, i32)  : i32 {
        %eq3A_136 = arith.constant 0 : i32
        %eq3A_137 = arith.cmpi eq, %scan3A_130, %eq3A_136 : i32
        %eq3A_138 = arith.constant 1 : i32
        %eq3A_139 = arith.cmpi eq, %scan3A_130, %eq3A_138 : i32
        %add3A_140 = arith.addi %scan3A_135, %mul3A_15 : i32
        %sub3A_141 = arith.constant 1 : i32
        %sub3A_142 = arith.subi %scan3A_135, %sub3A_141 : i32
        %select_n3A_143 = arith.constant true
        %select_n3A_144 = arith.select %select_n3A_143, %sub3A_142, %scan3A_135 : i32
        %eq3A_145 = arith.constant -1 : i32
        %eq3A_146 = arith.cmpi eq, %select_n3A_144, %eq3A_145 : i32
        %select_n3A_147 = arith.constant 1 : i32
        %select_n3A_148 = arith.select %eq3A_146, %select_n3A_147, %select_n3A_144 : i32
        %add3A_149 = arith.addi %select_n3A_148, %mul3A_15 : i32
        %add3A_150 = arith.constant 1 : i32
        %add3A_151 = arith.addi %scan3A_135, %add3A_150 : i32
        %select_n3A_152 = arith.constant true
        %select_n3A_153 = arith.select %select_n3A_152, %add3A_151, %scan3A_135 : i32
        %eq3A_154 = arith.constant 2 : i32
        %eq3A_155 = arith.cmpi eq, %select_n3A_153, %eq3A_154 : i32
        %select_n3A_156 = arith.constant 0 : i32
        %select_n3A_157 = arith.select %eq3A_155, %select_n3A_156, %select_n3A_153 : i32
        %add3A_158 = arith.addi %select_n3A_157, %mul3A_15 : i32
        %add3A_159 = arith.constant 1 : i32
        %add3A_160 = arith.addi %select_n3A_157, %add3A_159 : i32
        %select_n3A_161 = arith.constant true
        %select_n3A_162 = arith.select %select_n3A_161, %add3A_160, %select_n3A_157 : i32
        %eq3A_163 = arith.constant 2 : i32
        %eq3A_164 = arith.cmpi eq, %select_n3A_162, %eq3A_163 : i32
        %select_n3A_165 = arith.constant 0 : i32
        %select_n3A_166 = arith.select %eq3A_164, %select_n3A_165, %select_n3A_162 : i32
        %add3A_167 = arith.addi %select_n3A_166, %mul3A_15 : i32
        %ne3A = arith.cmpi ne, %add3A_140, %add3A_158 : i32
        %or3A = arith.constant false
        %or3A_168 = arith.ori %or3A, %ne3A : i1
        %ge3A = arith.constant 1 : i32
        %ge3A_169 = arith.cmpi sge, %scan3A_130, %ge3A : i32
        %not3A = arith.constant true
        %not3A_170 = arith.xori %ge3A_169, %not3A : i1
        %and3A = arith.andi %or3A_168, %not3A_170 : i1
        %convert_element_type3A = arith.extui %and3A : i1 to i32
        %cond3A = arith.constant 0 : i32
        %cond3A_171 = arith.cmpi ne, %convert_element_type3A, %cond3A : i32
        scf.if %cond3A_171 {
          "tpu.trace_start"() <{level = 10 : i32, message = "ep_copy_in"}> : () -> ()
          %rem3A_273 = arith.constant 2 : i32
          %rem3A_274 = arith.remui %scan3A_131, %rem3A_273 : i32
          %mul3A_275 = arith.constant 128 : i32
          %mul3A_276 = arith.muli %mul3A_275, %add3A_158 : i32
          %dma_start3A_277 = arith.constant 0 : i32
          %dma_start3A_278 = arith.constant 0 : i32
          %dma_start3A_279 = tpu.memref_slice %run_scoped3A[%rem3A_274, %dma_start3A_277, %dma_start3A_278] : memref<2x1x128xi32, #tpu.memory_space<vmem>> -> memref<1x1x128xi32, #tpu.memory_space<vmem>>
          %dma_start3A_280 = tpu.memref_squeeze %dma_start3A_279 : memref<1x1x128xi32, #tpu.memory_space<vmem>> -> memref<1x128xi32, #tpu.memory_space<vmem>>
          %dma_start3A_281 = arith.constant 0 : i32
          %dma_start3A_282 = tpu.memref_slice %arg4[%dma_start3A_281, %mul3A_276] : memref<1x8192xi32, #tpu.memory_space<hbm>> -> memref<1x128xi32, #tpu.memory_space<hbm>>
          %dma_start3A_283 = tpu.memref_slice %run_scoped3A_16[%rem3A_274] : memref<2x!tpu.dma_semaphore, #tpu.memory_space<semaphore_mem>> -> memref<1x!tpu.dma_semaphore, #tpu.memory_space<semaphore_mem>>
          %dma_start3A_284 = tpu.memref_squeeze %dma_start3A_283 : memref<1x!tpu.dma_semaphore, #tpu.memory_space<semaphore_mem>> -> memref<!tpu.dma_semaphore, #tpu.memory_space<semaphore_mem>>
          %dma_start3A_285 = arith.constant 0 : i32
          %dma_start3A_286 = arith.constant 0 : i32
          %dma_start3A_287 = tpu.memref_slice %run_scoped3A[%rem3A_274, %dma_start3A_285, %dma_start3A_286] : memref<2x1x128xi32, #tpu.memory_space<vmem>> -> memref<1x1x128xi32, #tpu.memory_space<vmem>>
          %dma_start3A_288 = tpu.memref_squeeze %dma_start3A_287 : memref<1x1x128xi32, #tpu.memory_space<vmem>> -> memref<1x128xi32, #tpu.memory_space<vmem>>
          %dma_start3A_289 = arith.constant 0 : i32
          %dma_start3A_290 = tpu.memref_slice %arg4[%dma_start3A_289, %mul3A_276] : memref<1x8192xi32, #tpu.memory_space<hbm>> -> memref<1x128xi32, #tpu.memory_space<hbm>>
          tpu.enqueue_dma source(%dma_start3A_290 : memref<1x128xi32, #tpu.memory_space<hbm>>) target(%dma_start3A_288 : memref<1x128xi32, #tpu.memory_space<vmem>>) target_semaphore(%dma_start3A_284 : memref<!tpu.dma_semaphore, #tpu.memory_space<semaphore_mem>>)
          "tpu.trace_stop"() : () -> ()
        } else {
        }
        %and3A_172 = arith.constant true
        %and3A_173 = arith.andi %and3A, %and3A_172 : i1
        %add3A_174 = arith.constant 1 : i32
        %add3A_175 = arith.addi %scan3A_131, %add3A_174 : i32
        %select_n3A_176 = arith.select %and3A_173, %add3A_175, %scan3A_131 : i32
        %ne3A_177 = arith.cmpi ne, %add3A_140, %add3A_158 : i32
        %or3A_178 = arith.constant false
        %or3A_179 = arith.ori %or3A_178, %ne3A_177 : i1
        %or3A_180 = arith.constant false
        %or3A_181 = arith.ori %or3A_179, %or3A_180 : i1
        %ge3A_182 = arith.constant 1 : i32
        %ge3A_183 = arith.cmpi sge, %scan3A_130, %ge3A_182 : i32
        %not3A_184 = arith.constant true
        %not3A_185 = arith.xori %ge3A_183, %not3A_184 : i1
        %and3A_186 = arith.andi %or3A_181, %not3A_185 : i1
        %ne3A_187 = arith.cmpi ne, %add3A_140, %add3A_149 : i32
        %or3A_188 = arith.constant false
        %or3A_189 = arith.ori %or3A_188, %ne3A_187 : i1
        %or3A_190 = arith.ori %or3A_189, %eq3A_137 : i1
        %convert_element_type3A_191 = arith.extui %or3A_190 : i1 to i32
        %cond3A_192 = arith.constant 0 : i32
        %cond3A_193 = arith.cmpi ne, %convert_element_type3A_191, %cond3A_192 : i32
        scf.if %cond3A_193 {
          "tpu.trace_start"() <{level = 10 : i32, message = "ep_wait_in"}> : () -> ()
          %mul3A_273 = arith.constant 128 : i32
          %mul3A_274 = arith.muli %mul3A_273, %add3A_140 : i32
          %rem3A_275 = arith.constant 2 : i32
          %rem3A_276 = arith.remui %scan3A_132, %rem3A_275 : i32
          %dma_wait3A_277 = arith.constant 0 : i32
          %dma_wait3A_278 = arith.constant 0 : i32
          %dma_wait3A_279 = tpu.memref_slice %run_scoped3A[%rem3A_276, %dma_wait3A_277, %dma_wait3A_278] : memref<2x1x128xi32, #tpu.memory_space<vmem>> -> memref<1x1x128xi32, #tpu.memory_space<vmem>>
          %dma_wait3A_280 = tpu.memref_squeeze %dma_wait3A_279 : memref<1x1x128xi32, #tpu.memory_space<vmem>> -> memref<1x128xi32, #tpu.memory_space<vmem>>
          %dma_wait3A_281 = arith.constant 0 : i32
          %dma_wait3A_282 = tpu.memref_slice %arg4[%dma_wait3A_281, %mul3A_274] : memref<1x8192xi32, #tpu.memory_space<hbm>> -> memref<1x128xi32, #tpu.memory_space<hbm>>
          %dma_wait3A_283 = tpu.memref_slice %run_scoped3A_16[%rem3A_276] : memref<2x!tpu.dma_semaphore, #tpu.memory_space<semaphore_mem>> -> memref<1x!tpu.dma_semaphore, #tpu.memory_space<semaphore_mem>>
          %dma_wait3A_284 = tpu.memref_squeeze %dma_wait3A_283 : memref<1x!tpu.dma_semaphore, #tpu.memory_space<semaphore_mem>> -> memref<!tpu.dma_semaphore, #tpu.memory_space<semaphore_mem>>
          %dma_wait3A_285 = arith.constant 0 : i32
          %dma_wait3A_286 = arith.constant 0 : i32
          %dma_wait3A_287 = tpu.memref_slice %run_scoped3A[%rem3A_276, %dma_wait3A_285, %dma_wait3A_286] : memref<2x1x128xi32, #tpu.memory_space<vmem>> -> memref<1x1x128xi32, #tpu.memory_space<vmem>>
          %dma_wait3A_288 = tpu.memref_squeeze %dma_wait3A_287 : memref<1x1x128xi32, #tpu.memory_space<vmem>> -> memref<1x128xi32, #tpu.memory_space<vmem>>
          %dma_wait3A_289 = arith.constant 0 : i32
          %dma_wait3A_290 = tpu.memref_slice %arg4[%dma_wait3A_289, %mul3A_274] : memref<1x8192xi32, #tpu.memory_space<hbm>> -> memref<1x128xi32, #tpu.memory_space<hbm>>
          tpu.wait_dma2 semaphore(%dma_wait3A_284 : memref<!tpu.dma_semaphore, #tpu.memory_space<semaphore_mem>>) src(%dma_wait3A_290 : memref<1x128xi32, #tpu.memory_space<hbm>>) dst(%dma_wait3A_288 : memref<1x128xi32, #tpu.memory_space<vmem>>)
          "tpu.trace_stop"() : () -> ()
        } else {
        }
        %ne3A_194 = arith.cmpi ne, %add3A_140, %add3A_149 : i32
        %or3A_195 = arith.constant false
        %or3A_196 = arith.ori %or3A_195, %ne3A_194 : i1
        %or3A_197 = arith.constant false
        %or3A_198 = arith.ori %or3A_196, %or3A_197 : i1
        %or3A_199 = arith.ori %or3A_198, %eq3A_137 : i1
        %convert_element_type3A_200 = arith.extui %or3A_199 : i1 to i32
        %cond3A_201 = arith.constant 0 : i32
        %cond3A_202 = arith.cmpi ne, %convert_element_type3A_200, %cond3A_201 : i32
        scf.if %cond3A_202 {
        } else {
        }
        %rem3A_203 = arith.constant 2 : i32
        %rem3A_204 = arith.remui %scan3A_132, %rem3A_203 : i32
        %rem3A_205 = arith.constant 2 : i32
        %rem3A_206 = arith.remui %scan3A_133, %rem3A_205 : i32
        %run_scoped3A_207 = arith.constant 0 : i32
        "tpu.trace_start"() <{level = 10 : i32, message = "ep_run_kernel"}> : () -> ()
        "tpu.region"() ({
          %run_scoped3A_273 = tpu.sem_alloc : memref<!tpu.dma_semaphore, #tpu.memory_space<semaphore_mem>>
          %dma_start3A_274 = arith.constant 0 : i32
          %dma_start3A_275 = arith.constant 0 : i32
          %dma_start3A_276 = tpu.memref_slice %run_scoped3A_17[%rem3A_206, %dma_start3A_274, %dma_start3A_275] : memref<2x128x384xf32, #tpu.memory_space<vmem>> -> memref<1x128x384xf32, #tpu.memory_space<vmem>>
          %dma_start3A_277 = tpu.memref_squeeze %dma_start3A_276 : memref<1x128x384xf32, #tpu.memory_space<vmem>> -> memref<128x384xf32, #tpu.memory_space<vmem>>
          %dma_start3A_278 = arith.constant 0 : i32
          %dma_start3A_279 = arith.constant 0 : i32
          %dma_start3A_280 = tpu.memref_slice %run_scoped3A[%rem3A_204, %dma_start3A_278, %dma_start3A_279] : memref<2x1x128xi32, #tpu.memory_space<vmem>> -> memref<1x1x128xi32, #tpu.memory_space<vmem>>
          %dma_start3A_281 = tpu.memref_squeeze %dma_start3A_280 : memref<1x1x128xi32, #tpu.memory_space<vmem>> -> memref<1x128xi32, #tpu.memory_space<vmem>>
          %dma_start3A_282 = arith.constant 0 : i32
          %dma_start3A_283 = tpu.memref_slice %dma_start3A_281[%run_scoped3A_207, %dma_start3A_282] : memref<1x128xi32, #tpu.memory_space<vmem>> -> memref<1x128xi32, #tpu.memory_space<vmem>>
          %dma_start3A_284 = tpu.memref_squeeze %dma_start3A_283 : memref<1x128xi32, #tpu.memory_space<vmem>> -> memref<128xi32, #tpu.memory_space<vmem>>
          %dma_start3A_285 = arith.constant 0 : i32
          %dma_start3A_286 = arith.constant 0 : i32
          %dma_start3A_287 = tpu.memref_slice %arg3[%dma_start3A_285, %dma_start3A_286] : memref<12288x384xf32, #tpu.memory_space<hbm>> -> memref<12288x384xf32, #tpu.memory_space<hbm>>
          tpu.enqueue_indirect_dma source(%dma_start3A_287 : memref<12288x384xf32, #tpu.memory_space<hbm>>) target(%dma_start3A_277 : memref<128x384xf32, #tpu.memory_space<vmem>>) offsets(%dma_start3A_284 : memref<128xi32, #tpu.memory_space<vmem>>) semaphore(%run_scoped3A_273 : memref<!tpu.dma_semaphore, #tpu.memory_space<semaphore_mem>>)
          %dma_wait3A_288 = arith.constant 0 : i32
          %dma_wait3A_289 = arith.constant 0 : i32
          %dma_wait3A_290 = tpu.memref_slice %run_scoped3A_17[%rem3A_206, %dma_wait3A_288, %dma_wait3A_289] : memref<2x128x384xf32, #tpu.memory_space<vmem>> -> memref<1x128x384xf32, #tpu.memory_space<vmem>>
          %dma_wait3A_291 = tpu.memref_squeeze %dma_wait3A_290 : memref<1x128x384xf32, #tpu.memory_space<vmem>> -> memref<128x384xf32, #tpu.memory_space<vmem>>
          %dma_wait3A_292 = arith.constant 0 : i32
          %dma_wait3A_293 = arith.constant 0 : i32
          %dma_wait3A_294 = tpu.memref_slice %run_scoped3A[%rem3A_204, %dma_wait3A_292, %dma_wait3A_293] : memref<2x1x128xi32, #tpu.memory_space<vmem>> -> memref<1x1x128xi32, #tpu.memory_space<vmem>>
          %dma_wait3A_295 = tpu.memref_squeeze %dma_wait3A_294 : memref<1x1x128xi32, #tpu.memory_space<vmem>> -> memref<1x128xi32, #tpu.memory_space<vmem>>
          %dma_wait3A_296 = arith.constant 0 : i32
          %dma_wait3A_297 = tpu.memref_slice %dma_wait3A_295[%run_scoped3A_207, %dma_wait3A_296] : memref<1x128xi32, #tpu.memory_space<vmem>> -> memref<1x128xi32, #tpu.memory_space<vmem>>
          %dma_wait3A_298 = tpu.memref_squeeze %dma_wait3A_297 : memref<1x128xi32, #tpu.memory_space<vmem>> -> memref<128xi32, #tpu.memory_space<vmem>>
          %dma_wait3A_299 = arith.constant 0 : i32
          %dma_wait3A_300 = arith.constant 0 : i32
          %dma_wait3A_301 = tpu.memref_slice %arg3[%dma_wait3A_299, %dma_wait3A_300] : memref<12288x384xf32, #tpu.memory_space<hbm>> -> memref<12288x384xf32, #tpu.memory_space<hbm>>
          tpu.wait_indirect_dma semaphore(%run_scoped3A_273 : memref<!tpu.dma_semaphore, #tpu.memory_space<semaphore_mem>>) src(%dma_wait3A_301 : memref<12288x384xf32, #tpu.memory_space<hbm>>) dst(%dma_wait3A_291 : memref<128x384xf32, #tpu.memory_space<vmem>>)
          tpu.yield
        }) : () -> ()
        "tpu.trace_stop"() : () -> ()
        %ne3A_208 = arith.cmpi ne, %add3A_140, %add3A_158 : i32
        %or3A_209 = arith.constant false
        %or3A_210 = arith.ori %or3A_209, %ne3A_208 : i1
        %or3A_211 = arith.ori %or3A_210, %eq3A_139 : i1
        %convert_element_type3A_212 = arith.extui %or3A_211 : i1 to i32
        %cond3A_213 = arith.constant 0 : i32
        %cond3A_214 = arith.cmpi ne, %convert_element_type3A_212, %cond3A_213 : i32
        scf.if %cond3A_214 {
        } else {
        }
        %and3A_215 = arith.constant false
        %and3A_216 = arith.andi %or3A_211, %and3A_215 : i1
        %ne3A_217 = arith.cmpi ne, %add3A_140, %add3A_158 : i32
        %or3A_218 = arith.constant false
        %or3A_219 = arith.ori %or3A_218, %ne3A_217 : i1
        %or3A_220 = arith.constant false
        %or3A_221 = arith.ori %or3A_219, %or3A_220 : i1
        %or3A_222 = arith.ori %or3A_221, %eq3A_139 : i1
        %convert_element_type3A_223 = arith.extui %or3A_222 : i1 to i32
        %cond3A_224 = arith.constant 0 : i32
        %cond3A_225 = arith.cmpi ne, %convert_element_type3A_223, %cond3A_224 : i32
        scf.if %cond3A_225 {
          "tpu.trace_start"() <{level = 10 : i32, message = "ep_copy_out"}> : () -> ()
          %rem3A_273 = arith.constant 2 : i32
          %rem3A_274 = arith.remui %scan3A_133, %rem3A_273 : i32
          %mul3A_275 = arith.constant 128 : i32
          %mul3A_276 = arith.muli %mul3A_275, %add3A_140 : i32
          %dma_start3A_277 = arith.constant 0 : i32
          %dma_start3A_278 = arith.constant 0 : i32
          %dma_start3A_279 = tpu.memref_slice %run_scoped3A_17[%rem3A_274, %dma_start3A_277, %dma_start3A_278] : memref<2x128x384xf32, #tpu.memory_space<vmem>> -> memref<1x128x384xf32, #tpu.memory_space<vmem>>
          %dma_start3A_280 = tpu.memref_squeeze %dma_start3A_279 : memref<1x128x384xf32, #tpu.memory_space<vmem>> -> memref<128x384xf32, #tpu.memory_space<vmem>>
          %dma_start3A_281 = arith.constant 0 : i32
          %dma_start3A_282 = tpu.memref_slice %arg6[%mul3A_276, %dma_start3A_281] : memref<8192x384xf32, #tpu.memory_space<hbm>> -> memref<128x384xf32, #tpu.memory_space<hbm>>
          %dma_start3A_283 = tpu.memref_slice %run_scoped3A_18[%rem3A_274] : memref<2x!tpu.dma_semaphore, #tpu.memory_space<semaphore_mem>> -> memref<1x!tpu.dma_semaphore, #tpu.memory_space<semaphore_mem>>
          %dma_start3A_284 = tpu.memref_squeeze %dma_start3A_283 : memref<1x!tpu.dma_semaphore, #tpu.memory_space<semaphore_mem>> -> memref<!tpu.dma_semaphore, #tpu.memory_space<semaphore_mem>>
          %dma_start3A_285 = arith.constant 0 : i32
          %dma_start3A_286 = tpu.memref_slice %arg6[%mul3A_276, %dma_start3A_285] : memref<8192x384xf32, #tpu.memory_space<hbm>> -> memref<128x384xf32, #tpu.memory_space<hbm>>
          %dma_start3A_287 = arith.constant 0 : i32
          %dma_start3A_288 = arith.constant 0 : i32
          %dma_start3A_289 = tpu.memref_slice %run_scoped3A_17[%rem3A_274, %dma_start3A_287, %dma_start3A_288] : memref<2x128x384xf32, #tpu.memory_space<vmem>> -> memref<1x128x384xf32, #tpu.memory_space<vmem>>
          %dma_start3A_290 = tpu.memref_squeeze %dma_start3A_289 : memref<1x128x384xf32, #tpu.memory_space<vmem>> -> memref<128x384xf32, #tpu.memory_space<vmem>>
          tpu.enqueue_dma source(%dma_start3A_290 : memref<128x384xf32, #tpu.memory_space<vmem>>) target(%dma_start3A_286 : memref<128x384xf32, #tpu.memory_space<hbm>>) target_semaphore(%dma_start3A_284 : memref<!tpu.dma_semaphore, #tpu.memory_space<semaphore_mem>>)
          "tpu.trace_stop"() : () -> ()
        } else {
        }
        %and3A_226 = arith.constant true
        %and3A_227 = arith.andi %or3A_222, %and3A_226 : i1
        %add3A_228 = arith.constant 1 : i32
        %add3A_229 = arith.addi %scan3A_133, %add3A_228 : i32
        %select_n3A_230 = arith.select %and3A_227, %add3A_229, %scan3A_133 : i32
        %ne3A_231 = arith.cmpi ne, %add3A_140, %add3A_149 : i32
        %or3A_232 = arith.constant false
        %or3A_233 = arith.ori %or3A_232, %ne3A_231 : i1
        %not3A_234 = arith.constant true
        %not3A_235 = arith.xori %eq3A_137, %not3A_234 : i1
        %and3A_236 = arith.andi %or3A_233, %not3A_235 : i1
        %convert_element_type3A_237 = arith.extui %and3A_236 : i1 to i32
        %cond3A_238 = arith.constant 0 : i32
        %cond3A_239 = arith.cmpi ne, %convert_element_type3A_237, %cond3A_238 : i32
        scf.if %cond3A_239 {
        } else {
        }
        %and3A_240 = arith.constant false
        %and3A_241 = arith.andi %and3A_236, %and3A_240 : i1
        %ne3A_242 = arith.cmpi ne, %add3A_140, %add3A_149 : i32
        %or3A_243 = arith.constant false
        %or3A_244 = arith.ori %or3A_243, %ne3A_242 : i1
        %or3A_245 = arith.constant false
        %or3A_246 = arith.ori %or3A_244, %or3A_245 : i1
        %not3A_247 = arith.constant true
        %not3A_248 = arith.xori %eq3A_137, %not3A_247 : i1
        %and3A_249 = arith.andi %or3A_246, %not3A_248 : i1
        %convert_element_type3A_250 = arith.extui %and3A_249 : i1 to i32
        %cond3A_251 = arith.constant 0 : i32
        %cond3A_252 = arith.cmpi ne, %convert_element_type3A_250, %cond3A_251 : i32
        scf.if %cond3A_252 {
          "tpu.trace_start"() <{level = 10 : i32, message = "ep_wait_out"}> : () -> ()
          %rem3A_273 = arith.constant 2 : i32
          %rem3A_274 = arith.remui %scan3A_134, %rem3A_273 : i32
          %mul3A_275 = arith.constant 128 : i32
          %mul3A_276 = arith.muli %mul3A_275, %add3A_149 : i32
          %dma_wait3A_277 = arith.constant 0 : i32
          %dma_wait3A_278 = arith.constant 0 : i32
          %dma_wait3A_279 = tpu.memref_slice %run_scoped3A_17[%rem3A_274, %dma_wait3A_277, %dma_wait3A_278] : memref<2x128x384xf32, #tpu.memory_space<vmem>> -> memref<1x128x384xf32, #tpu.memory_space<vmem>>
          %dma_wait3A_280 = tpu.memref_squeeze %dma_wait3A_279 : memref<1x128x384xf32, #tpu.memory_space<vmem>> -> memref<128x384xf32, #tpu.memory_space<vmem>>
          %dma_wait3A_281 = arith.constant 0 : i32
          %dma_wait3A_282 = tpu.memref_slice %arg6[%mul3A_276, %dma_wait3A_281] : memref<8192x384xf32, #tpu.memory_space<hbm>> -> memref<128x384xf32, #tpu.memory_space<hbm>>
          %dma_wait3A_283 = tpu.memref_slice %run_scoped3A_18[%rem3A_274] : memref<2x!tpu.dma_semaphore, #tpu.memory_space<semaphore_mem>> -> memref<1x!tpu.dma_semaphore, #tpu.memory_space<semaphore_mem>>
          %dma_wait3A_284 = tpu.memref_squeeze %dma_wait3A_283 : memref<1x!tpu.dma_semaphore, #tpu.memory_space<semaphore_mem>> -> memref<!tpu.dma_semaphore, #tpu.memory_space<semaphore_mem>>
          %dma_wait3A_285 = arith.constant 0 : i32
          %dma_wait3A_286 = tpu.memref_slice %arg6[%mul3A_276, %dma_wait3A_285] : memref<8192x384xf32, #tpu.memory_space<hbm>> -> memref<128x384xf32, #tpu.memory_space<hbm>>
          %dma_wait3A_287 = arith.constant 0 : i32
          %dma_wait3A_288 = arith.constant 0 : i32
          %dma_wait3A_289 = tpu.memref_slice %run_scoped3A_17[%rem3A_274, %dma_wait3A_287, %dma_wait3A_288] : memref<2x128x384xf32, #tpu.memory_space<vmem>> -> memref<1x128x384xf32, #tpu.memory_space<vmem>>
          %dma_wait3A_290 = tpu.memref_squeeze %dma_wait3A_289 : memref<1x128x384xf32, #tpu.memory_space<vmem>> -> memref<128x384xf32, #tpu.memory_space<vmem>>
          tpu.wait_dma2 semaphore(%dma_wait3A_284 : memref<!tpu.dma_semaphore, #tpu.memory_space<semaphore_mem>>) src(%dma_wait3A_290 : memref<128x384xf32, #tpu.memory_space<vmem>>) dst(%dma_wait3A_286 : memref<128x384xf32, #tpu.memory_space<hbm>>)
          "tpu.trace_stop"() : () -> ()
        } else {
        }
        %and3A_253 = arith.constant true
        %and3A_254 = arith.andi %and3A_249, %and3A_253 : i1
        %add3A_255 = arith.constant 1 : i32
        %add3A_256 = arith.addi %scan3A_134, %add3A_255 : i32
        %select_n3A_257 = arith.select %and3A_254, %add3A_256, %scan3A_134 : i32
        %ne3A_258 = arith.cmpi ne, %add3A_140, %add3A_158 : i32
        %or3A_259 = arith.constant false
        %or3A_260 = arith.ori %or3A_259, %ne3A_258 : i1
        %or3A_261 = arith.ori %or3A_260, %eq3A_139 : i1
        %add3A_262 = arith.constant 1 : i32
        %add3A_263 = arith.addi %scan3A_132, %add3A_262 : i32
        %select_n3A_264 = arith.select %or3A_261, %add3A_263, %scan3A_132 : i32
        %add3A_265 = arith.constant 1 : i32
        %add3A_266 = arith.addi %scan3A_135, %add3A_265 : i32
        %select_n3A_267 = arith.constant true
        %select_n3A_268 = arith.select %select_n3A_267, %add3A_266, %scan3A_135 : i32
        %eq3A_269 = arith.constant 2 : i32
        %eq3A_270 = arith.cmpi eq, %select_n3A_268, %eq3A_269 : i32
        %select_n3A_271 = arith.constant 0 : i32
        %select_n3A_272 = arith.select %eq3A_270, %select_n3A_271, %select_n3A_268 : i32
        scf.yield %select_n3A_176, %select_n3A_264, %select_n3A_230, %select_n3A_257, %select_n3A_272 : i32, i32, i32, i32, i32
      }
      %scan3A_77 = arith.constant 2 : i32
      %sub3A = arith.constant 1 : i32
      %sub3A_78 = arith.subi %scan3A_76#4, %sub3A : i32
      %select_n3A_79 = arith.constant true
      %select_n3A_80 = arith.select %select_n3A_79, %sub3A_78, %scan3A_76#4 : i32
      %eq3A_81 = arith.constant -1 : i32
      %eq3A_82 = arith.cmpi eq, %select_n3A_80, %eq3A_81 : i32
      %select_n3A_83 = arith.constant 1 : i32
      %select_n3A_84 = arith.select %eq3A_82, %select_n3A_83, %select_n3A_80 : i32
      %add3A_85 = arith.addi %select_n3A_84, %mul3A_15 : i32
      %sub3A_86 = arith.constant 1 : i32
      %sub3A_87 = arith.subi %select_n3A_84, %sub3A_86 : i32
      %select_n3A_88 = arith.constant true
      %select_n3A_89 = arith.select %select_n3A_88, %sub3A_87, %select_n3A_84 : i32
      %eq3A_90 = arith.constant -1 : i32
      %eq3A_91 = arith.cmpi eq, %select_n3A_89, %eq3A_90 : i32
      %select_n3A_92 = arith.constant 1 : i32
      %select_n3A_93 = arith.select %eq3A_91, %select_n3A_92, %select_n3A_89 : i32
      %add3A_94 = arith.addi %select_n3A_93, %mul3A_15 : i32
      %add3A_95 = arith.constant 1 : i32
      %add3A_96 = arith.addi %select_n3A_84, %add3A_95 : i32
      %select_n3A_97 = arith.constant true
      %select_n3A_98 = arith.select %select_n3A_97, %add3A_96, %select_n3A_84 : i32
      %eq3A_99 = arith.constant 2 : i32
      %eq3A_100 = arith.cmpi eq, %select_n3A_98, %eq3A_99 : i32
      %select_n3A_101 = arith.constant 0 : i32
      %select_n3A_102 = arith.select %eq3A_100, %select_n3A_101, %select_n3A_98 : i32
      %add3A_103 = arith.addi %select_n3A_102, %mul3A_15 : i32
      %add3A_104 = arith.constant 1 : i32
      %add3A_105 = arith.addi %select_n3A_102, %add3A_104 : i32
      %select_n3A_106 = arith.constant true
      %select_n3A_107 = arith.select %select_n3A_106, %add3A_105, %select_n3A_102 : i32
      %eq3A_108 = arith.constant 2 : i32
      %eq3A_109 = arith.cmpi eq, %select_n3A_107, %eq3A_108 : i32
      %select_n3A_110 = arith.constant 0 : i32
      %select_n3A_111 = arith.select %eq3A_109, %select_n3A_110, %select_n3A_107 : i32
      %add3A_112 = arith.addi %select_n3A_111, %mul3A_15 : i32
      "tpu.trace_start"() <{level = 10 : i32, message = "ep_finalize"}> : () -> ()
      %rem3A_113 = arith.constant 2 : i32
      %rem3A_114 = arith.remui %scan3A_76#3, %rem3A_113 : i32
      %mul3A_115 = arith.constant 128 : i32
      %mul3A_116 = arith.muli %mul3A_115, %add3A_85 : i32
      %dma_wait3A = arith.constant 0 : i32
      %dma_wait3A_117 = arith.constant 0 : i32
      %dma_wait3A_118 = tpu.memref_slice %run_scoped3A_17[%rem3A_114, %dma_wait3A, %dma_wait3A_117] : memref<2x128x384xf32, #tpu.memory_space<vmem>> -> memref<1x128x384xf32, #tpu.memory_space<vmem>>
      %dma_wait3A_119 = tpu.memref_squeeze %dma_wait3A_118 : memref<1x128x384xf32, #tpu.memory_space<vmem>> -> memref<128x384xf32, #tpu.memory_space<vmem>>
      %dma_wait3A_120 = arith.constant 0 : i32
      %dma_wait3A_121 = tpu.memref_slice %arg6[%mul3A_116, %dma_wait3A_120] : memref<8192x384xf32, #tpu.memory_space<hbm>> -> memref<128x384xf32, #tpu.memory_space<hbm>>
      %dma_wait3A_122 = tpu.memref_slice %run_scoped3A_18[%rem3A_114] : memref<2x!tpu.dma_semaphore, #tpu.memory_space<semaphore_mem>> -> memref<1x!tpu.dma_semaphore, #tpu.memory_space<semaphore_mem>>
      %dma_wait3A_123 = tpu.memref_squeeze %dma_wait3A_122 : memref<1x!tpu.dma_semaphore, #tpu.memory_space<semaphore_mem>> -> memref<!tpu.dma_semaphore, #tpu.memory_space<semaphore_mem>>
      %dma_wait3A_124 = arith.constant 0 : i32
      %dma_wait3A_125 = tpu.memref_slice %arg6[%mul3A_116, %dma_wait3A_124] : memref<8192x384xf32, #tpu.memory_space<hbm>> -> memref<128x384xf32, #tpu.memory_space<hbm>>
      %dma_wait3A_126 = arith.constant 0 : i32
      %dma_wait3A_127 = arith.constant 0 : i32
      %dma_wait3A_128 = tpu.memref_slice %run_scoped3A_17[%rem3A_114, %dma_wait3A_126, %dma_wait3A_127] : memref<2x128x384xf32, #tpu.memory_space<vmem>> -> memref<1x128x384xf32, #tpu.memory_space<vmem>>
      %dma_wait3A_129 = tpu.memref_squeeze %dma_wait3A_128 : memref<1x128x384xf32, #tpu.memory_space<vmem>> -> memref<128x384xf32, #tpu.memory_space<vmem>>
      tpu.wait_dma2 semaphore(%dma_wait3A_123 : memref<!tpu.dma_semaphore, #tpu.memory_space<semaphore_mem>>) src(%dma_wait3A_129 : memref<128x384xf32, #tpu.memory_space<vmem>>) dst(%dma_wait3A_125 : memref<128x384xf32, #tpu.memory_space<hbm>>)
      "tpu.trace_stop"() : () -> ()
      tpu.yield
    }) : () -> ()
    return
  }
}

#map = affine_map<(d0, d1) -> (0, 0)>
module attributes {stable_mosaic.version = 14 : i64} {
  func.func @k(%arg0: i32, %arg1: i32, %arg2: memref<4096x384xf32, #tpu.memory_space<hbm>>, %arg3: memref<4096x384xf32, #tpu.memory_space<hbm>>, %arg4: memref<1x8192xi32, #tpu.memory_space<hbm>>, %arg5: memref<12288x384xf32, #tpu.memory_space<hbm>>, %arg6: memref<12288x384xf32, #tpu.memory_space<hbm>>) attributes {dimension_semantics = [#tpu.dimension_semantics<core_parallel>, #tpu.dimension_semantics<subcore_parallel>], iteration_bounds = array<i64: 2, 16>, scalar_prefetch = 0 : i64, scratch_operands = 0 : i64, tpu.core_type = #tpu.core_type<sc_vector_subcore>, window_params = [{transform_indices = #map}, {transform_indices = #map}, {transform_indices = #map}, {transform_indices = #map}, {transform_indices = #map}]} {
    %mul3A = arith.constant 1 : i32
    %mul3A_0 = arith.muli %arg1, %mul3A : i32
    %add3A = arith.constant 0 : i32
    %add3A_1 = arith.addi %add3A, %mul3A_0 : i32
    %mul3A_2 = arith.constant 16 : i32
    %mul3A_3 = arith.muli %arg0, %mul3A_2 : i32
    %add3A_4 = arith.addi %add3A_1, %mul3A_3 : i32
    %mul3A_5 = arith.constant 2 : i32
    %mul3A_6 = arith.muli %add3A_4, %mul3A_5 : i32
    "tpu.region"() ({
      %run_scoped3A = memref.alloca() : memref<2x128x384xf32, #tpu.memory_space<vmem>>
      %run_scoped3A_16 = tpu.sem_alloc : memref<2x!tpu.dma_semaphore, #tpu.memory_space<semaphore_mem>>
      %run_scoped3A_17 = memref.alloca() : memref<2x1x128xi32, #tpu.memory_space<vmem>>
      %run_scoped3A_18 = tpu.sem_alloc : memref<2x!tpu.dma_semaphore, #tpu.memory_space<semaphore_mem>>
      %add3A_19 = arith.constant 0 : i32
      %add3A_20 = arith.addi %add3A_19, %mul3A_6 : i32
      %select_n3A = arith.constant true
      %select_n3A_21 = arith.constant 0 : i32
      %select_n3A_22 = arith.constant -1 : i32
      %select_n3A_23 = arith.select %select_n3A, %select_n3A_22, %select_n3A_21 : i32
      %eq3A = arith.constant -1 : i32
      %eq3A_24 = arith.cmpi eq, %select_n3A_23, %eq3A : i32
      %select_n3A_25 = arith.constant 1 : i32
      %select_n3A_26 = arith.select %eq3A_24, %select_n3A_25, %select_n3A_23 : i32
      %add3A_27 = arith.addi %select_n3A_26, %mul3A_6 : i32
      %select_n3A_28 = arith.constant true
      %select_n3A_29 = arith.constant 0 : i32
      %select_n3A_30 = arith.constant 1 : i32
      %select_n3A_31 = arith.select %select_n3A_28, %select_n3A_30, %select_n3A_29 : i32
      %eq3A_32 = arith.constant 2 : i32
      %eq3A_33 = arith.cmpi eq, %select_n3A_31, %eq3A_32 : i32
      %select_n3A_34 = arith.constant 0 : i32
      %select_n3A_35 = arith.select %eq3A_33, %select_n3A_34, %select_n3A_31 : i32
      %add3A_36 = arith.addi %select_n3A_35, %mul3A_6 : i32
      %add3A_37 = arith.constant 1 : i32
      %add3A_38 = arith.addi %select_n3A_35, %add3A_37 : i32
      %select_n3A_39 = arith.constant true
      %select_n3A_40 = arith.select %select_n3A_39, %add3A_38, %select_n3A_35 : i32
      %eq3A_41 = arith.constant 2 : i32
      %eq3A_42 = arith.cmpi eq, %select_n3A_40, %eq3A_41 : i32
      %select_n3A_43 = arith.constant 0 : i32
      %select_n3A_44 = arith.select %eq3A_42, %select_n3A_43, %select_n3A_40 : i32
      %add3A_45 = arith.addi %select_n3A_44, %mul3A_6 : i32
      "tpu.trace_start"() <{level = 10 : i32, message = "ep_initialize_0"}> : () -> ()
      %rem3A = arith.constant 0 : i32
      %rem3A_46 = arith.constant 2 : i32
      %rem3A_47 = arith.remui %rem3A, %rem3A_46 : i32
      %jit3A = arith.constant 32 : i32
      %eq3A_48 = arith.constant 0 : i32
      %eq3A_49 = arith.cmpi eq, %jit3A, %eq3A_48 : i32
      %jit3A_50 = arith.constant 1 : i32
      %select_n3A_51 = arith.select %eq3A_49, %jit3A_50, %jit3A : i32
      %rem3A_52 = arith.remsi %add3A_20, %select_n3A_51 : i32
      %ne3A = arith.constant 0 : i32
      %ne3A_53 = arith.cmpi ne, %rem3A_52, %ne3A : i32
      %lt3A = arith.constant 0 : i32
      %lt3A_54 = arith.cmpi slt, %rem3A_52, %lt3A : i32
      %lt3A_55 = arith.constant 0 : i32
      %lt3A_56 = arith.cmpi slt, %select_n3A_51, %lt3A_55 : i32
      %ne3A_57 = arith.xori %lt3A_54, %lt3A_56 : i1
      %and3A = arith.andi %ne3A_57, %ne3A_53 : i1
      %add3A_58 = arith.addi %rem3A_52, %select_n3A_51 : i32
      %select_n3A_59 = arith.select %and3A, %add3A_58, %rem3A_52 : i32
      %mul3A_60 = arith.constant 128 : i32
      %mul3A_61 = arith.muli %mul3A_60, %select_n3A_59 : i32
      %dma_start3A = arith.constant 0 : i32
      %dma_start3A_62 = arith.constant 0 : i32
      %dma_start3A_63 = tpu.memref_slice %run_scoped3A[%rem3A_47, %dma_start3A, %dma_start3A_62] : memref<2x128x384xf32, #tpu.memory_space<vmem>> -> memref<1x128x384xf32, #tpu.memory_space<vmem>>
      %dma_start3A_64 = tpu.memref_squeeze %dma_start3A_63 : memref<1x128x384xf32, #tpu.memory_space<vmem>> -> memref<128x384xf32, #tpu.memory_space<vmem>>
      %dma_start3A_65 = arith.constant 0 : i32
      %dma_start3A_66 = tpu.memref_slice %arg2[%mul3A_61, %dma_start3A_65] : memref<4096x384xf32, #tpu.memory_space<hbm>> -> memref<128x384xf32, #tpu.memory_space<hbm>>
      %dma_start3A_67 = tpu.memref_slice %run_scoped3A_16[%rem3A_47] : memref<2x!tpu.dma_semaphore, #tpu.memory_space<semaphore_mem>> -> memref<1x!tpu.dma_semaphore, #tpu.memory_space<semaphore_mem>>
      %dma_start3A_68 = tpu.memref_squeeze %dma_start3A_67 : memref<1x!tpu.dma_semaphore, #tpu.memory_space<semaphore_mem>> -> memref<!tpu.dma_semaphore, #tpu.memory_space<semaphore_mem>>
      %dma_start3A_69 = arith.constant 0 : i32
      %dma_start3A_70 = arith.constant 0 : i32
      %dma_start3A_71 = tpu.memref_slice %run_scoped3A[%rem3A_47, %dma_start3A_69, %dma_start3A_70] : memref<2x128x384xf32, #tpu.memory_space<vmem>> -> memref<1x128x384xf32, #tpu.memory_space<vmem>>
      %dma_start3A_72 = tpu.memref_squeeze %dma_start3A_71 : memref<1x128x384xf32, #tpu.memory_space<vmem>> -> memref<128x384xf32, #tpu.memory_space<vmem>>
      %dma_start3A_73 = arith.constant 0 : i32
      %dma_start3A_74 = tpu.memref_slice %arg2[%mul3A_61, %dma_start3A_73] : memref<4096x384xf32, #tpu.memory_space<hbm>> -> memref<128x384xf32, #tpu.memory_space<hbm>>
      tpu.enqueue_dma source(%dma_start3A_74 : memref<128x384xf32, #tpu.memory_space<hbm>>) target(%dma_start3A_72 : memref<128x384xf32, #tpu.memory_space<vmem>>) target_semaphore(%dma_start3A_68 : memref<!tpu.dma_semaphore, #tpu.memory_space<semaphore_mem>>)
      %add3A_75 = arith.constant 0 : i32
      %add3A_76 = arith.constant 1 : i32
      %add3A_77 = arith.addi %add3A_75, %add3A_76 : i32
      %select_n3A_78 = arith.constant true
      %select_n3A_79 = arith.constant 0 : i32
      %select_n3A_80 = arith.select %select_n3A_78, %add3A_77, %select_n3A_79 : i32
      %rem3A_81 = arith.constant 0 : i32
      %rem3A_82 = arith.constant 2 : i32
      %rem3A_83 = arith.remui %rem3A_81, %rem3A_82 : i32
      %mul3A_84 = arith.constant 128 : i32
      %mul3A_85 = arith.muli %mul3A_84, %add3A_20 : i32
      %dma_start3A_86 = arith.constant 0 : i32
      %dma_start3A_87 = arith.constant 0 : i32
      %dma_start3A_88 = tpu.memref_slice %run_scoped3A_17[%rem3A_83, %dma_start3A_86, %dma_start3A_87] : memref<2x1x128xi32, #tpu.memory_space<vmem>> -> memref<1x1x128xi32, #tpu.memory_space<vmem>>
      %dma_start3A_89 = tpu.memref_squeeze %dma_start3A_88 : memref<1x1x128xi32, #tpu.memory_space<vmem>> -> memref<1x128xi32, #tpu.memory_space<vmem>>
      %dma_start3A_90 = arith.constant 0 : i32
      %dma_start3A_91 = tpu.memref_slice %arg4[%dma_start3A_90, %mul3A_85] : memref<1x8192xi32, #tpu.memory_space<hbm>> -> memref<1x128xi32, #tpu.memory_space<hbm>>
      %dma_start3A_92 = tpu.memref_slice %run_scoped3A_18[%rem3A_83] : memref<2x!tpu.dma_semaphore, #tpu.memory_space<semaphore_mem>> -> memref<1x!tpu.dma_semaphore, #tpu.memory_space<semaphore_mem>>
      %dma_start3A_93 = tpu.memref_squeeze %dma_start3A_92 : memref<1x!tpu.dma_semaphore, #tpu.memory_space<semaphore_mem>> -> memref<!tpu.dma_semaphore, #tpu.memory_space<semaphore_mem>>
      %dma_start3A_94 = arith.constant 0 : i32
      %dma_start3A_95 = arith.constant 0 : i32
      %dma_start3A_96 = tpu.memref_slice %run_scoped3A_17[%rem3A_83, %dma_start3A_94, %dma_start3A_95] : memref<2x1x128xi32, #tpu.memory_space<vmem>> -> memref<1x1x128xi32, #tpu.memory_space<vmem>>
      %dma_start3A_97 = tpu.memref_squeeze %dma_start3A_96 : memref<1x1x128xi32, #tpu.memory_space<vmem>> -> memref<1x128xi32, #tpu.memory_space<vmem>>
      %dma_start3A_98 = arith.constant 0 : i32
      %dma_start3A_99 = tpu.memref_slice %arg4[%dma_start3A_98, %mul3A_85] : memref<1x8192xi32, #tpu.memory_space<hbm>> -> memref<1x128xi32, #tpu.memory_space<hbm>>
      tpu.enqueue_dma source(%dma_start3A_99 : memref<1x128xi32, #tpu.memory_space<hbm>>) target(%dma_start3A_97 : memref<1x128xi32, #tpu.memory_space<vmem>>) target_semaphore(%dma_start3A_93 : memref<!tpu.dma_semaphore, #tpu.memory_space<semaphore_mem>>)
      %add3A_100 = arith.constant 0 : i32
      %add3A_101 = arith.constant 1 : i32
      %add3A_102 = arith.addi %add3A_100, %add3A_101 : i32
      %select_n3A_103 = arith.constant true
      %select_n3A_104 = arith.constant 0 : i32
      %select_n3A_105 = arith.select %select_n3A_103, %add3A_102, %select_n3A_104 : i32
      "tpu.trace_stop"() : () -> ()
      %scan3A = arith.constant 0 : i32
      %scan3A_106 = arith.constant 0 : i32
      %scan3A_107 = arith.constant 0 : i32
      %scan3A_108 = arith.constant 0 : i32
      %scan3A_109 = arith.constant 2 : i32
      %scan3A_110 = arith.addi %scan3A_108, %scan3A_109 : i32
      %scan3A_111 = arith.constant 1 : i32
      %scan3A_112:5 = scf.for %scan3A_149 = %scan3A_108 to %scan3A_110 step %scan3A_111 iter_args(%scan3A_150 = %select_n3A_80, %scan3A_151 = %scan3A, %scan3A_152 = %select_n3A_105, %scan3A_153 = %scan3A_106, %scan3A_154 = %scan3A_107) -> (i32, i32, i32, i32, i32)  : i32 {
        %eq3A_155 = arith.constant 0 : i32
        %eq3A_156 = arith.cmpi eq, %scan3A_149, %eq3A_155 : i32
        %eq3A_157 = arith.constant 1 : i32
        %eq3A_158 = arith.cmpi eq, %scan3A_149, %eq3A_157 : i32
        %add3A_159 = arith.addi %scan3A_154, %mul3A_6 : i32
        %sub3A_160 = arith.constant 1 : i32
        %sub3A_161 = arith.subi %scan3A_154, %sub3A_160 : i32
        %select_n3A_162 = arith.constant true
        %select_n3A_163 = arith.select %select_n3A_162, %sub3A_161, %scan3A_154 : i32
        %eq3A_164 = arith.constant -1 : i32
        %eq3A_165 = arith.cmpi eq, %select_n3A_163, %eq3A_164 : i32
        %select_n3A_166 = arith.constant 1 : i32
        %select_n3A_167 = arith.select %eq3A_165, %select_n3A_166, %select_n3A_163 : i32
        %add3A_168 = arith.addi %select_n3A_167, %mul3A_6 : i32
        %add3A_169 = arith.constant 1 : i32
        %add3A_170 = arith.addi %scan3A_154, %add3A_169 : i32
        %select_n3A_171 = arith.constant true
        %select_n3A_172 = arith.select %select_n3A_171, %add3A_170, %scan3A_154 : i32
        %eq3A_173 = arith.constant 2 : i32
        %eq3A_174 = arith.cmpi eq, %select_n3A_172, %eq3A_173 : i32
        %select_n3A_175 = arith.constant 0 : i32
        %select_n3A_176 = arith.select %eq3A_174, %select_n3A_175, %select_n3A_172 : i32
        %add3A_177 = arith.addi %select_n3A_176, %mul3A_6 : i32
        %add3A_178 = arith.constant 1 : i32
        %add3A_179 = arith.addi %select_n3A_176, %add3A_178 : i32
        %select_n3A_180 = arith.constant true
        %select_n3A_181 = arith.select %select_n3A_180, %add3A_179, %select_n3A_176 : i32
        %eq3A_182 = arith.constant 2 : i32
        %eq3A_183 = arith.cmpi eq, %select_n3A_181, %eq3A_182 : i32
        %select_n3A_184 = arith.constant 0 : i32
        %select_n3A_185 = arith.select %eq3A_183, %select_n3A_184, %select_n3A_181 : i32
        %add3A_186 = arith.addi %select_n3A_185, %mul3A_6 : i32
        %jit3A_187 = arith.constant 32 : i32
        %eq3A_188 = arith.constant 0 : i32
        %eq3A_189 = arith.cmpi eq, %jit3A_187, %eq3A_188 : i32
        %jit3A_190 = arith.constant 1 : i32
        %select_n3A_191 = arith.select %eq3A_189, %jit3A_190, %jit3A_187 : i32
        %rem3A_192 = arith.remsi %add3A_159, %select_n3A_191 : i32
        %ne3A_193 = arith.constant 0 : i32
        %ne3A_194 = arith.cmpi ne, %rem3A_192, %ne3A_193 : i32
        %lt3A_195 = arith.constant 0 : i32
        %lt3A_196 = arith.cmpi slt, %rem3A_192, %lt3A_195 : i32
        %lt3A_197 = arith.constant 0 : i32
        %lt3A_198 = arith.cmpi slt, %select_n3A_191, %lt3A_197 : i32
        %ne3A_199 = arith.xori %lt3A_196, %lt3A_198 : i1
        %and3A_200 = arith.andi %ne3A_199, %ne3A_194 : i1
        %add3A_201 = arith.addi %rem3A_192, %select_n3A_191 : i32
        %select_n3A_202 = arith.select %and3A_200, %add3A_201, %rem3A_192 : i32
        %jit3A_203 = arith.constant 32 : i32
        %eq3A_204 = arith.constant 0 : i32
        %eq3A_205 = arith.cmpi eq, %jit3A_203, %eq3A_204 : i32
        %jit3A_206 = arith.constant 1 : i32
        %select_n3A_207 = arith.select %eq3A_205, %jit3A_206, %jit3A_203 : i32
        %rem3A_208 = arith.remsi %add3A_177, %select_n3A_207 : i32
        %ne3A_209 = arith.constant 0 : i32
        %ne3A_210 = arith.cmpi ne, %rem3A_208, %ne3A_209 : i32
        %lt3A_211 = arith.constant 0 : i32
        %lt3A_212 = arith.cmpi slt, %rem3A_208, %lt3A_211 : i32
        %lt3A_213 = arith.constant 0 : i32
        %lt3A_214 = arith.cmpi slt, %select_n3A_207, %lt3A_213 : i32
        %ne3A_215 = arith.xori %lt3A_212, %lt3A_214 : i1
        %and3A_216 = arith.andi %ne3A_215, %ne3A_210 : i1
        %add3A_217 = arith.addi %rem3A_208, %select_n3A_207 : i32
        %select_n3A_218 = arith.select %and3A_216, %add3A_217, %rem3A_208 : i32
        %ne3A_219 = arith.cmpi ne, %select_n3A_202, %select_n3A_218 : i32
        %or3A = arith.constant false
        %or3A_220 = arith.ori %or3A, %ne3A_219 : i1
        %or3A_221 = arith.constant false
        %or3A_222 = arith.ori %or3A_220, %or3A_221 : i1
        %ge3A = arith.constant 1 : i32
        %ge3A_223 = arith.cmpi sge, %scan3A_149, %ge3A : i32
        %not3A = arith.constant true
        %not3A_224 = arith.xori %ge3A_223, %not3A : i1
        %and3A_225 = arith.andi %or3A_222, %not3A_224 : i1
        %convert_element_type3A = arith.extui %and3A_225 : i1 to i32
        %cond3A = arith.constant 0 : i32
        %cond3A_226 = arith.cmpi ne, %convert_element_type3A, %cond3A : i32
        scf.if %cond3A_226 {
          "tpu.trace_start"() <{level = 10 : i32, message = "ep_copy_in"}> : () -> ()
          %rem3A_465 = arith.constant 2 : i32
          %rem3A_466 = arith.remui %scan3A_150, %rem3A_465 : i32
          %jit3A_467 = arith.constant 32 : i32
          %eq3A_468 = arith.constant 0 : i32
          %eq3A_469 = arith.cmpi eq, %jit3A_467, %eq3A_468 : i32
          %jit3A_470 = arith.constant 1 : i32
          %select_n3A_471 = arith.select %eq3A_469, %jit3A_470, %jit3A_467 : i32
          %rem3A_472 = arith.remsi %add3A_177, %select_n3A_471 : i32
          %ne3A_473 = arith.constant 0 : i32
          %ne3A_474 = arith.cmpi ne, %rem3A_472, %ne3A_473 : i32
          %lt3A_475 = arith.constant 0 : i32
          %lt3A_476 = arith.cmpi slt, %rem3A_472, %lt3A_475 : i32
          %lt3A_477 = arith.constant 0 : i32
          %lt3A_478 = arith.cmpi slt, %select_n3A_471, %lt3A_477 : i32
          %ne3A_479 = arith.xori %lt3A_476, %lt3A_478 : i1
          %and3A_480 = arith.andi %ne3A_479, %ne3A_474 : i1
          %add3A_481 = arith.addi %rem3A_472, %select_n3A_471 : i32
          %select_n3A_482 = arith.select %and3A_480, %add3A_481, %rem3A_472 : i32
          %mul3A_483 = arith.constant 128 : i32
          %mul3A_484 = arith.muli %mul3A_483, %select_n3A_482 : i32
          %dma_start3A_485 = arith.constant 0 : i32
          %dma_start3A_486 = arith.constant 0 : i32
          %dma_start3A_487 = tpu.memref_slice %run_scoped3A[%rem3A_466, %dma_start3A_485, %dma_start3A_486] : memref<2x128x384xf32, #tpu.memory_space<vmem>> -> memref<1x128x384xf32, #tpu.memory_space<vmem>>
          %dma_start3A_488 = tpu.memref_squeeze %dma_start3A_487 : memref<1x128x384xf32, #tpu.memory_space<vmem>> -> memref<128x384xf32, #tpu.memory_space<vmem>>
          %dma_start3A_489 = arith.constant 0 : i32
          %dma_start3A_490 = tpu.memref_slice %arg2[%mul3A_484, %dma_start3A_489] : memref<4096x384xf32, #tpu.memory_space<hbm>> -> memref<128x384xf32, #tpu.memory_space<hbm>>
          %dma_start3A_491 = tpu.memref_slice %run_scoped3A_16[%rem3A_466] : memref<2x!tpu.dma_semaphore, #tpu.memory_space<semaphore_mem>> -> memref<1x!tpu.dma_semaphore, #tpu.memory_space<semaphore_mem>>
          %dma_start3A_492 = tpu.memref_squeeze %dma_start3A_491 : memref<1x!tpu.dma_semaphore, #tpu.memory_space<semaphore_mem>> -> memref<!tpu.dma_semaphore, #tpu.memory_space<semaphore_mem>>
          %dma_start3A_493 = arith.constant 0 : i32
          %dma_start3A_494 = arith.constant 0 : i32
          %dma_start3A_495 = tpu.memref_slice %run_scoped3A[%rem3A_466, %dma_start3A_493, %dma_start3A_494] : memref<2x128x384xf32, #tpu.memory_space<vmem>> -> memref<1x128x384xf32, #tpu.memory_space<vmem>>
          %dma_start3A_496 = tpu.memref_squeeze %dma_start3A_495 : memref<1x128x384xf32, #tpu.memory_space<vmem>> -> memref<128x384xf32, #tpu.memory_space<vmem>>
          %dma_start3A_497 = arith.constant 0 : i32
          %dma_start3A_498 = tpu.memref_slice %arg2[%mul3A_484, %dma_start3A_497] : memref<4096x384xf32, #tpu.memory_space<hbm>> -> memref<128x384xf32, #tpu.memory_space<hbm>>
          tpu.enqueue_dma source(%dma_start3A_498 : memref<128x384xf32, #tpu.memory_space<hbm>>) target(%dma_start3A_496 : memref<128x384xf32, #tpu.memory_space<vmem>>) target_semaphore(%dma_start3A_492 : memref<!tpu.dma_semaphore, #tpu.memory_space<semaphore_mem>>)
          "tpu.trace_stop"() : () -> ()
        } else {
        }
        %and3A_227 = arith.constant true
        %and3A_228 = arith.andi %and3A_225, %and3A_227 : i1
        %add3A_229 = arith.constant 1 : i32
        %add3A_230 = arith.addi %scan3A_150, %add3A_229 : i32
        %select_n3A_231 = arith.select %and3A_228, %add3A_230, %scan3A_150 : i32
        %ne3A_232 = arith.cmpi ne, %add3A_159, %add3A_177 : i32
        %or3A_233 = arith.constant false
        %or3A_234 = arith.ori %or3A_233, %ne3A_232 : i1
        %ge3A_235 = arith.constant 1 : i32
        %ge3A_236 = arith.cmpi sge, %scan3A_149, %ge3A_235 : i32
        %not3A_237 = arith.constant true
        %not3A_238 = arith.xori %ge3A_236, %not3A_237 : i1
        %and3A_239 = arith.andi %or3A_234, %not3A_238 : i1
        %convert_element_type3A_240 = arith.extui %and3A_239 : i1 to i32
        %cond3A_241 = arith.constant 0 : i32
        %cond3A_242 = arith.cmpi ne, %convert_element_type3A_240, %cond3A_241 : i32
        scf.if %cond3A_242 {
          "tpu.trace_start"() <{level = 10 : i32, message = "ep_copy_in"}> : () -> ()
          %rem3A_465 = arith.constant 2 : i32
          %rem3A_466 = arith.remui %scan3A_152, %rem3A_465 : i32
          %mul3A_467 = arith.constant 128 : i32
          %mul3A_468 = arith.muli %mul3A_467, %add3A_177 : i32
          %dma_start3A_469 = arith.constant 0 : i32
          %dma_start3A_470 = arith.constant 0 : i32
          %dma_start3A_471 = tpu.memref_slice %run_scoped3A_17[%rem3A_466, %dma_start3A_469, %dma_start3A_470] : memref<2x1x128xi32, #tpu.memory_space<vmem>> -> memref<1x1x128xi32, #tpu.memory_space<vmem>>
          %dma_start3A_472 = tpu.memref_squeeze %dma_start3A_471 : memref<1x1x128xi32, #tpu.memory_space<vmem>> -> memref<1x128xi32, #tpu.memory_space<vmem>>
          %dma_start3A_473 = arith.constant 0 : i32
          %dma_start3A_474 = tpu.memref_slice %arg4[%dma_start3A_473, %mul3A_468] : memref<1x8192xi32, #tpu.memory_space<hbm>> -> memref<1x128xi32, #tpu.memory_space<hbm>>
          %dma_start3A_475 = tpu.memref_slice %run_scoped3A_18[%rem3A_466] : memref<2x!tpu.dma_semaphore, #tpu.memory_space<semaphore_mem>> -> memref<1x!tpu.dma_semaphore, #tpu.memory_space<semaphore_mem>>
          %dma_start3A_476 = tpu.memref_squeeze %dma_start3A_475 : memref<1x!tpu.dma_semaphore, #tpu.memory_space<semaphore_mem>> -> memref<!tpu.dma_semaphore, #tpu.memory_space<semaphore_mem>>
          %dma_start3A_477 = arith.constant 0 : i32
          %dma_start3A_478 = arith.constant 0 : i32
          %dma_start3A_479 = tpu.memref_slice %run_scoped3A_17[%rem3A_466, %dma_start3A_477, %dma_start3A_478] : memref<2x1x128xi32, #tpu.memory_space<vmem>> -> memref<1x1x128xi32, #tpu.memory_space<vmem>>
          %dma_start3A_480 = tpu.memref_squeeze %dma_start3A_479 : memref<1x1x128xi32, #tpu.memory_space<vmem>> -> memref<1x128xi32, #tpu.memory_space<vmem>>
          %dma_start3A_481 = arith.constant 0 : i32
          %dma_start3A_482 = tpu.memref_slice %arg4[%dma_start3A_481, %mul3A_468] : memref<1x8192xi32, #tpu.memory_space<hbm>> -> memref<1x128xi32, #tpu.memory_space<hbm>>
          tpu.enqueue_dma source(%dma_start3A_482 : memref<1x128xi32, #tpu.memory_space<hbm>>) target(%dma_start3A_480 : memref<1x128xi32, #tpu.memory_space<vmem>>) target_semaphore(%dma_start3A_476 : memref<!tpu.dma_semaphore, #tpu.memory_space<semaphore_mem>>)
          "tpu.trace_stop"() : () -> ()
        } else {
        }
        %and3A_243 = arith.constant true
        %and3A_244 = arith.andi %and3A_239, %and3A_243 : i1
        %add3A_245 = arith.constant 1 : i32
        %add3A_246 = arith.addi %scan3A_152, %add3A_245 : i32
        %select_n3A_247 = arith.select %and3A_244, %add3A_246, %scan3A_152 : i32
        %jit3A_248 = arith.constant 32 : i32
        %eq3A_249 = arith.constant 0 : i32
        %eq3A_250 = arith.cmpi eq, %jit3A_248, %eq3A_249 : i32
        %jit3A_251 = arith.constant 1 : i32
        %select_n3A_252 = arith.select %eq3A_250, %jit3A_251, %jit3A_248 : i32
        %rem3A_253 = arith.remsi %add3A_159, %select_n3A_252 : i32
        %ne3A_254 = arith.constant 0 : i32
        %ne3A_255 = arith.cmpi ne, %rem3A_253, %ne3A_254 : i32
        %lt3A_256 = arith.constant 0 : i32
        %lt3A_257 = arith.cmpi slt, %rem3A_253, %lt3A_256 : i32
        %lt3A_258 = arith.constant 0 : i32
        %lt3A_259 = arith.cmpi slt, %select_n3A_252, %lt3A_258 : i32
        %ne3A_260 = arith.xori %lt3A_257, %lt3A_259 : i1
        %and3A_261 = arith.andi %ne3A_260, %ne3A_255 : i1
        %add3A_262 = arith.addi %rem3A_253, %select_n3A_252 : i32
        %select_n3A_263 = arith.select %and3A_261, %add3A_262, %rem3A_253 : i32
        %jit3A_264 = arith.constant 32 : i32
        %eq3A_265 = arith.constant 0 : i32
        %eq3A_266 = arith.cmpi eq, %jit3A_264, %eq3A_265 : i32
        %jit3A_267 = arith.constant 1 : i32
        %select_n3A_268 = arith.select %eq3A_266, %jit3A_267, %jit3A_264 : i32
        %rem3A_269 = arith.remsi %add3A_168, %select_n3A_268 : i32
        %ne3A_270 = arith.constant 0 : i32
        %ne3A_271 = arith.cmpi ne, %rem3A_269, %ne3A_270 : i32
        %lt3A_272 = arith.constant 0 : i32
        %lt3A_273 = arith.cmpi slt, %rem3A_269, %lt3A_272 : i32
        %lt3A_274 = arith.constant 0 : i32
        %lt3A_275 = arith.cmpi slt, %select_n3A_268, %lt3A_274 : i32
        %ne3A_276 = arith.xori %lt3A_273, %lt3A_275 : i1
        %and3A_277 = arith.andi %ne3A_276, %ne3A_271 : i1
        %add3A_278 = arith.addi %rem3A_269, %select_n3A_268 : i32
        %select_n3A_279 = arith.select %and3A_277, %add3A_278, %rem3A_269 : i32
        %ne3A_280 = arith.cmpi ne, %select_n3A_263, %select_n3A_279 : i32
        %or3A_281 = arith.constant false
        %or3A_282 = arith.ori %or3A_281, %ne3A_280 : i1
        %or3A_283 = arith.constant false
        %or3A_284 = arith.ori %or3A_282, %or3A_283 : i1
        %or3A_285 = arith.ori %or3A_284, %eq3A_156 : i1
        %convert_element_type3A_286 = arith.extui %or3A_285 : i1 to i32
        %cond3A_287 = arith.constant 0 : i32
        %cond3A_288 = arith.cmpi ne, %convert_element_type3A_286, %cond3A_287 : i32
        scf.if %cond3A_288 {
          %jit3A_465 = arith.constant 32 : i32
          "tpu.trace_start"() <{level = 10 : i32, message = "ep_wait_in"}> : () -> ()
          %eq3A_466 = arith.constant 0 : i32
          %eq3A_467 = arith.cmpi eq, %jit3A_465, %eq3A_466 : i32
          %jit3A_468 = arith.constant 1 : i32
          %select_n3A_469 = arith.select %eq3A_467, %jit3A_468, %jit3A_465 : i32
          %rem3A_470 = arith.remsi %add3A_159, %select_n3A_469 : i32
          %ne3A_471 = arith.constant 0 : i32
          %ne3A_472 = arith.cmpi ne, %rem3A_470, %ne3A_471 : i32
          %lt3A_473 = arith.constant 0 : i32
          %lt3A_474 = arith.cmpi slt, %rem3A_470, %lt3A_473 : i32
          %lt3A_475 = arith.constant 0 : i32
          %lt3A_476 = arith.cmpi slt, %select_n3A_469, %lt3A_475 : i32
          %ne3A_477 = arith.xori %lt3A_474, %lt3A_476 : i1
          %and3A_478 = arith.andi %ne3A_477, %ne3A_472 : i1
          %add3A_479 = arith.addi %rem3A_470, %select_n3A_469 : i32
          %select_n3A_480 = arith.select %and3A_478, %add3A_479, %rem3A_470 : i32
          %mul3A_481 = arith.constant 128 : i32
          %mul3A_482 = arith.muli %mul3A_481, %select_n3A_480 : i32
          %rem3A_483 = arith.constant 2 : i32
          %rem3A_484 = arith.remui %scan3A_151, %rem3A_483 : i32
          %dma_wait3A = arith.constant 0 : i32
          %dma_wait3A_485 = arith.constant 0 : i32
          %dma_wait3A_486 = tpu.memref_slice %run_scoped3A[%rem3A_484, %dma_wait3A, %dma_wait3A_485] : memref<2x128x384xf32, #tpu.memory_space<vmem>> -> memref<1x128x384xf32, #tpu.memory_space<vmem>>
          %dma_wait3A_487 = tpu.memref_squeeze %dma_wait3A_486 : memref<1x128x384xf32, #tpu.memory_space<vmem>> -> memref<128x384xf32, #tpu.memory_space<vmem>>
          %dma_wait3A_488 = arith.constant 0 : i32
          %dma_wait3A_489 = tpu.memref_slice %arg2[%mul3A_482, %dma_wait3A_488] : memref<4096x384xf32, #tpu.memory_space<hbm>> -> memref<128x384xf32, #tpu.memory_space<hbm>>
          %dma_wait3A_490 = tpu.memref_slice %run_scoped3A_16[%rem3A_484] : memref<2x!tpu.dma_semaphore, #tpu.memory_space<semaphore_mem>> -> memref<1x!tpu.dma_semaphore, #tpu.memory_space<semaphore_mem>>
          %dma_wait3A_491 = tpu.memref_squeeze %dma_wait3A_490 : memref<1x!tpu.dma_semaphore, #tpu.memory_space<semaphore_mem>> -> memref<!tpu.dma_semaphore, #tpu.memory_space<semaphore_mem>>
          %dma_wait3A_492 = arith.constant 0 : i32
          %dma_wait3A_493 = arith.constant 0 : i32
          %dma_wait3A_494 = tpu.memref_slice %run_scoped3A[%rem3A_484, %dma_wait3A_492, %dma_wait3A_493] : memref<2x128x384xf32, #tpu.memory_space<vmem>> -> memref<1x128x384xf32, #tpu.memory_space<vmem>>
          %dma_wait3A_495 = tpu.memref_squeeze %dma_wait3A_494 : memref<1x128x384xf32, #tpu.memory_space<vmem>> -> memref<128x384xf32, #tpu.memory_space<vmem>>
          %dma_wait3A_496 = arith.constant 0 : i32
          %dma_wait3A_497 = tpu.memref_slice %arg2[%mul3A_482, %dma_wait3A_496] : memref<4096x384xf32, #tpu.memory_space<hbm>> -> memref<128x384xf32, #tpu.memory_space<hbm>>
          tpu.wait_dma2 semaphore(%dma_wait3A_491 : memref<!tpu.dma_semaphore, #tpu.memory_space<semaphore_mem>>) src(%dma_wait3A_497 : memref<128x384xf32, #tpu.memory_space<hbm>>) dst(%dma_wait3A_495 : memref<128x384xf32, #tpu.memory_space<vmem>>)
          "tpu.trace_stop"() : () -> ()
        } else {
        }
        %ne3A_289 = arith.cmpi ne, %add3A_159, %add3A_168 : i32
        %or3A_290 = arith.constant false
        %or3A_291 = arith.ori %or3A_290, %ne3A_289 : i1
        %or3A_292 = arith.ori %or3A_291, %eq3A_156 : i1
        %convert_element_type3A_293 = arith.extui %or3A_292 : i1 to i32
        %cond3A_294 = arith.constant 0 : i32
        %cond3A_295 = arith.cmpi ne, %convert_element_type3A_293, %cond3A_294 : i32
        scf.if %cond3A_295 {
          "tpu.trace_start"() <{level = 10 : i32, message = "ep_wait_in"}> : () -> ()
          %mul3A_465 = arith.constant 128 : i32
          %mul3A_466 = arith.muli %mul3A_465, %add3A_159 : i32
          %rem3A_467 = arith.constant 2 : i32
          %rem3A_468 = arith.remui %scan3A_153, %rem3A_467 : i32
          %dma_wait3A = arith.constant 0 : i32
          %dma_wait3A_469 = arith.constant 0 : i32
          %dma_wait3A_470 = tpu.memref_slice %run_scoped3A_17[%rem3A_468, %dma_wait3A, %dma_wait3A_469] : memref<2x1x128xi32, #tpu.memory_space<vmem>> -> memref<1x1x128xi32, #tpu.memory_space<vmem>>
          %dma_wait3A_471 = tpu.memref_squeeze %dma_wait3A_470 : memref<1x1x128xi32, #tpu.memory_space<vmem>> -> memref<1x128xi32, #tpu.memory_space<vmem>>
          %dma_wait3A_472 = arith.constant 0 : i32
          %dma_wait3A_473 = tpu.memref_slice %arg4[%dma_wait3A_472, %mul3A_466] : memref<1x8192xi32, #tpu.memory_space<hbm>> -> memref<1x128xi32, #tpu.memory_space<hbm>>
          %dma_wait3A_474 = tpu.memref_slice %run_scoped3A_18[%rem3A_468] : memref<2x!tpu.dma_semaphore, #tpu.memory_space<semaphore_mem>> -> memref<1x!tpu.dma_semaphore, #tpu.memory_space<semaphore_mem>>
          %dma_wait3A_475 = tpu.memref_squeeze %dma_wait3A_474 : memref<1x!tpu.dma_semaphore, #tpu.memory_space<semaphore_mem>> -> memref<!tpu.dma_semaphore, #tpu.memory_space<semaphore_mem>>
          %dma_wait3A_476 = arith.constant 0 : i32
          %dma_wait3A_477 = arith.constant 0 : i32
          %dma_wait3A_478 = tpu.memref_slice %run_scoped3A_17[%rem3A_468, %dma_wait3A_476, %dma_wait3A_477] : memref<2x1x128xi32, #tpu.memory_space<vmem>> -> memref<1x1x128xi32, #tpu.memory_space<vmem>>
          %dma_wait3A_479 = tpu.memref_squeeze %dma_wait3A_478 : memref<1x1x128xi32, #tpu.memory_space<vmem>> -> memref<1x128xi32, #tpu.memory_space<vmem>>
          %dma_wait3A_480 = arith.constant 0 : i32
          %dma_wait3A_481 = tpu.memref_slice %arg4[%dma_wait3A_480, %mul3A_466] : memref<1x8192xi32, #tpu.memory_space<hbm>> -> memref<1x128xi32, #tpu.memory_space<hbm>>
          tpu.wait_dma2 semaphore(%dma_wait3A_475 : memref<!tpu.dma_semaphore, #tpu.memory_space<semaphore_mem>>) src(%dma_wait3A_481 : memref<1x128xi32, #tpu.memory_space<hbm>>) dst(%dma_wait3A_479 : memref<1x128xi32, #tpu.memory_space<vmem>>)
          "tpu.trace_stop"() : () -> ()
        } else {
        }
        %rem3A_296 = arith.constant 2 : i32
        %rem3A_297 = arith.remui %scan3A_151, %rem3A_296 : i32
        %rem3A_298 = arith.constant 2 : i32
        %rem3A_299 = arith.remui %scan3A_153, %rem3A_298 : i32
        %run_scoped3A_300 = arith.constant 0 : i32
        "tpu.trace_start"() <{level = 10 : i32, message = "ep_run_kernel"}> : () -> ()
        "tpu.region"() ({
          %run_scoped3A_465 = tpu.sem_alloc : memref<!tpu.dma_semaphore, #tpu.memory_space<semaphore_mem>>
          %dma_start3A_466 = arith.constant 0 : i32
          %dma_start3A_467 = arith.constant 0 : i32
          %dma_start3A_468 = tpu.memref_slice %run_scoped3A[%rem3A_297, %dma_start3A_466, %dma_start3A_467] : memref<2x128x384xf32, #tpu.memory_space<vmem>> -> memref<1x128x384xf32, #tpu.memory_space<vmem>>
          %dma_start3A_469 = tpu.memref_squeeze %dma_start3A_468 : memref<1x128x384xf32, #tpu.memory_space<vmem>> -> memref<128x384xf32, #tpu.memory_space<vmem>>
          %dma_start3A_470 = arith.constant 0 : i32
          %dma_start3A_471 = arith.constant 0 : i32
          %dma_start3A_472 = tpu.memref_slice %run_scoped3A_17[%rem3A_299, %dma_start3A_470, %dma_start3A_471] : memref<2x1x128xi32, #tpu.memory_space<vmem>> -> memref<1x1x128xi32, #tpu.memory_space<vmem>>
          %dma_start3A_473 = tpu.memref_squeeze %dma_start3A_472 : memref<1x1x128xi32, #tpu.memory_space<vmem>> -> memref<1x128xi32, #tpu.memory_space<vmem>>
          %dma_start3A_474 = arith.constant 0 : i32
          %dma_start3A_475 = tpu.memref_slice %dma_start3A_473[%run_scoped3A_300, %dma_start3A_474] : memref<1x128xi32, #tpu.memory_space<vmem>> -> memref<1x128xi32, #tpu.memory_space<vmem>>
          %dma_start3A_476 = tpu.memref_squeeze %dma_start3A_475 : memref<1x128xi32, #tpu.memory_space<vmem>> -> memref<128xi32, #tpu.memory_space<vmem>>
          %dma_start3A_477 = arith.constant 0 : i32
          %dma_start3A_478 = arith.constant 0 : i32
          %dma_start3A_479 = tpu.memref_slice %arg5[%dma_start3A_477, %dma_start3A_478] : memref<12288x384xf32, #tpu.memory_space<hbm>> -> memref<12288x384xf32, #tpu.memory_space<hbm>>
          tpu.enqueue_indirect_dma source(%dma_start3A_469 : memref<128x384xf32, #tpu.memory_space<vmem>>) target(%dma_start3A_479 : memref<12288x384xf32, #tpu.memory_space<hbm>>) offsets(%dma_start3A_476 : memref<128xi32, #tpu.memory_space<vmem>>) semaphore(%run_scoped3A_465 : memref<!tpu.dma_semaphore, #tpu.memory_space<semaphore_mem>>)
          %dma_wait3A = arith.constant 0 : i32
          %dma_wait3A_480 = arith.constant 0 : i32
          %dma_wait3A_481 = tpu.memref_slice %run_scoped3A[%rem3A_297, %dma_wait3A, %dma_wait3A_480] : memref<2x128x384xf32, #tpu.memory_space<vmem>> -> memref<1x128x384xf32, #tpu.memory_space<vmem>>
          %dma_wait3A_482 = tpu.memref_squeeze %dma_wait3A_481 : memref<1x128x384xf32, #tpu.memory_space<vmem>> -> memref<128x384xf32, #tpu.memory_space<vmem>>
          %dma_wait3A_483 = arith.constant 0 : i32
          %dma_wait3A_484 = arith.constant 0 : i32
          %dma_wait3A_485 = tpu.memref_slice %run_scoped3A_17[%rem3A_299, %dma_wait3A_483, %dma_wait3A_484] : memref<2x1x128xi32, #tpu.memory_space<vmem>> -> memref<1x1x128xi32, #tpu.memory_space<vmem>>
          %dma_wait3A_486 = tpu.memref_squeeze %dma_wait3A_485 : memref<1x1x128xi32, #tpu.memory_space<vmem>> -> memref<1x128xi32, #tpu.memory_space<vmem>>
          %dma_wait3A_487 = arith.constant 0 : i32
          %dma_wait3A_488 = tpu.memref_slice %dma_wait3A_486[%run_scoped3A_300, %dma_wait3A_487] : memref<1x128xi32, #tpu.memory_space<vmem>> -> memref<1x128xi32, #tpu.memory_space<vmem>>
          %dma_wait3A_489 = tpu.memref_squeeze %dma_wait3A_488 : memref<1x128xi32, #tpu.memory_space<vmem>> -> memref<128xi32, #tpu.memory_space<vmem>>
          %dma_wait3A_490 = arith.constant 0 : i32
          %dma_wait3A_491 = arith.constant 0 : i32
          %dma_wait3A_492 = tpu.memref_slice %arg5[%dma_wait3A_490, %dma_wait3A_491] : memref<12288x384xf32, #tpu.memory_space<hbm>> -> memref<12288x384xf32, #tpu.memory_space<hbm>>
          tpu.wait_indirect_dma semaphore(%run_scoped3A_465 : memref<!tpu.dma_semaphore, #tpu.memory_space<semaphore_mem>>) src(%dma_wait3A_482 : memref<128x384xf32, #tpu.memory_space<vmem>>) dst(%dma_wait3A_492 : memref<12288x384xf32, #tpu.memory_space<hbm>>)
          tpu.yield
        }) : () -> ()
        %jit3A_301 = arith.constant 32 : i32
        "tpu.trace_stop"() : () -> ()
        %eq3A_302 = arith.constant 0 : i32
        %eq3A_303 = arith.cmpi eq, %jit3A_301, %eq3A_302 : i32
        %jit3A_304 = arith.constant 1 : i32
        %select_n3A_305 = arith.select %eq3A_303, %jit3A_304, %jit3A_301 : i32
        %rem3A_306 = arith.remsi %add3A_159, %select_n3A_305 : i32
        %ne3A_307 = arith.constant 0 : i32
        %ne3A_308 = arith.cmpi ne, %rem3A_306, %ne3A_307 : i32
        %lt3A_309 = arith.constant 0 : i32
        %lt3A_310 = arith.cmpi slt, %rem3A_306, %lt3A_309 : i32
        %lt3A_311 = arith.constant 0 : i32
        %lt3A_312 = arith.cmpi slt, %select_n3A_305, %lt3A_311 : i32
        %ne3A_313 = arith.xori %lt3A_310, %lt3A_312 : i1
        %and3A_314 = arith.andi %ne3A_313, %ne3A_308 : i1
        %add3A_315 = arith.addi %rem3A_306, %select_n3A_305 : i32
        %select_n3A_316 = arith.select %and3A_314, %add3A_315, %rem3A_306 : i32
        %jit3A_317 = arith.constant 32 : i32
        %eq3A_318 = arith.constant 0 : i32
        %eq3A_319 = arith.cmpi eq, %jit3A_317, %eq3A_318 : i32
        %jit3A_320 = arith.constant 1 : i32
        %select_n3A_321 = arith.select %eq3A_319, %jit3A_320, %jit3A_317 : i32
        %rem3A_322 = arith.remsi %add3A_177, %select_n3A_321 : i32
        %ne3A_323 = arith.constant 0 : i32
        %ne3A_324 = arith.cmpi ne, %rem3A_322, %ne3A_323 : i32
        %lt3A_325 = arith.constant 0 : i32
        %lt3A_326 = arith.cmpi slt, %rem3A_322, %lt3A_325 : i32
        %lt3A_327 = arith.constant 0 : i32
        %lt3A_328 = arith.cmpi slt, %select_n3A_321, %lt3A_327 : i32
        %ne3A_329 = arith.xori %lt3A_326, %lt3A_328 : i1
        %and3A_330 = arith.andi %ne3A_329, %ne3A_324 : i1
        %add3A_331 = arith.addi %rem3A_322, %select_n3A_321 : i32
        %select_n3A_332 = arith.select %and3A_330, %add3A_331, %rem3A_322 : i32
        %ne3A_333 = arith.cmpi ne, %select_n3A_316, %select_n3A_332 : i32
        %or3A_334 = arith.constant false
        %or3A_335 = arith.ori %or3A_334, %ne3A_333 : i1
        %or3A_336 = arith.constant false
        %or3A_337 = arith.ori %or3A_335, %or3A_336 : i1
        %or3A_338 = arith.ori %or3A_337, %eq3A_158 : i1
        %convert_element_type3A_339 = arith.extui %or3A_338 : i1 to i32
        %cond3A_340 = arith.constant 0 : i32
        %cond3A_341 = arith.cmpi ne, %convert_element_type3A_339, %cond3A_340 : i32
        scf.if %cond3A_341 {
        } else {
        }
        %and3A_342 = arith.constant false
        %and3A_343 = arith.andi %or3A_338, %and3A_342 : i1
        %ne3A_344 = arith.cmpi ne, %add3A_159, %add3A_177 : i32
        %or3A_345 = arith.constant false
        %or3A_346 = arith.ori %or3A_345, %ne3A_344 : i1
        %or3A_347 = arith.ori %or3A_346, %eq3A_158 : i1
        %convert_element_type3A_348 = arith.extui %or3A_347 : i1 to i32
        %cond3A_349 = arith.constant 0 : i32
        %cond3A_350 = arith.cmpi ne, %convert_element_type3A_348, %cond3A_349 : i32
        scf.if %cond3A_350 {
        } else {
        }
        %and3A_351 = arith.constant false
        %and3A_352 = arith.andi %or3A_347, %and3A_351 : i1
        %jit3A_353 = arith.constant 32 : i32
        %eq3A_354 = arith.constant 0 : i32
        %eq3A_355 = arith.cmpi eq, %jit3A_353, %eq3A_354 : i32
        %jit3A_356 = arith.constant 1 : i32
        %select_n3A_357 = arith.select %eq3A_355, %jit3A_356, %jit3A_353 : i32
        %rem3A_358 = arith.remsi %add3A_159, %select_n3A_357 : i32
        %ne3A_359 = arith.constant 0 : i32
        %ne3A_360 = arith.cmpi ne, %rem3A_358, %ne3A_359 : i32
        %lt3A_361 = arith.constant 0 : i32
        %lt3A_362 = arith.cmpi slt, %rem3A_358, %lt3A_361 : i32
        %lt3A_363 = arith.constant 0 : i32
        %lt3A_364 = arith.cmpi slt, %select_n3A_357, %lt3A_363 : i32
        %ne3A_365 = arith.xori %lt3A_362, %lt3A_364 : i1
        %and3A_366 = arith.andi %ne3A_365, %ne3A_360 : i1
        %add3A_367 = arith.addi %rem3A_358, %select_n3A_357 : i32
        %select_n3A_368 = arith.select %and3A_366, %add3A_367, %rem3A_358 : i32
        %jit3A_369 = arith.constant 32 : i32
        %eq3A_370 = arith.constant 0 : i32
        %eq3A_371 = arith.cmpi eq, %jit3A_369, %eq3A_370 : i32
        %jit3A_372 = arith.constant 1 : i32
        %select_n3A_373 = arith.select %eq3A_371, %jit3A_372, %jit3A_369 : i32
        %rem3A_374 = arith.remsi %add3A_168, %select_n3A_373 : i32
        %ne3A_375 = arith.constant 0 : i32
        %ne3A_376 = arith.cmpi ne, %rem3A_374, %ne3A_375 : i32
        %lt3A_377 = arith.constant 0 : i32
        %lt3A_378 = arith.cmpi slt, %rem3A_374, %lt3A_377 : i32
        %lt3A_379 = arith.constant 0 : i32
        %lt3A_380 = arith.cmpi slt, %select_n3A_373, %lt3A_379 : i32
        %ne3A_381 = arith.xori %lt3A_378, %lt3A_380 : i1
        %and3A_382 = arith.andi %ne3A_381, %ne3A_376 : i1
        %add3A_383 = arith.addi %rem3A_374, %select_n3A_373 : i32
        %select_n3A_384 = arith.select %and3A_382, %add3A_383, %rem3A_374 : i32
        %ne3A_385 = arith.cmpi ne, %select_n3A_368, %select_n3A_384 : i32
        %or3A_386 = arith.constant false
        %or3A_387 = arith.ori %or3A_386, %ne3A_385 : i1
        %or3A_388 = arith.constant false
        %or3A_389 = arith.ori %or3A_387, %or3A_388 : i1
        %not3A_390 = arith.constant true
        %not3A_391 = arith.xori %eq3A_156, %not3A_390 : i1
        %and3A_392 = arith.andi %or3A_389, %not3A_391 : i1
        %convert_element_type3A_393 = arith.extui %and3A_392 : i1 to i32
        %cond3A_394 = arith.constant 0 : i32
        %cond3A_395 = arith.cmpi ne, %convert_element_type3A_393, %cond3A_394 : i32
        scf.if %cond3A_395 {
        } else {
        }
        %and3A_396 = arith.constant false
        %and3A_397 = arith.andi %and3A_392, %and3A_396 : i1
        %ne3A_398 = arith.cmpi ne, %add3A_159, %add3A_168 : i32
        %or3A_399 = arith.constant false
        %or3A_400 = arith.ori %or3A_399, %ne3A_398 : i1
        %not3A_401 = arith.constant true
        %not3A_402 = arith.xori %eq3A_156, %not3A_401 : i1
        %and3A_403 = arith.andi %or3A_400, %not3A_402 : i1
        %convert_element_type3A_404 = arith.extui %and3A_403 : i1 to i32
        %cond3A_405 = arith.constant 0 : i32
        %cond3A_406 = arith.cmpi ne, %convert_element_type3A_404, %cond3A_405 : i32
        scf.if %cond3A_406 {
        } else {
        }
        %and3A_407 = arith.constant false
        %and3A_408 = arith.andi %and3A_403, %and3A_407 : i1
        %jit3A_409 = arith.constant 32 : i32
        %eq3A_410 = arith.constant 0 : i32
        %eq3A_411 = arith.cmpi eq, %jit3A_409, %eq3A_410 : i32
        %jit3A_412 = arith.constant 1 : i32
        %select_n3A_413 = arith.select %eq3A_411, %jit3A_412, %jit3A_409 : i32
        %rem3A_414 = arith.remsi %add3A_159, %select_n3A_413 : i32
        %ne3A_415 = arith.constant 0 : i32
        %ne3A_416 = arith.cmpi ne, %rem3A_414, %ne3A_415 : i32
        %lt3A_417 = arith.constant 0 : i32
        %lt3A_418 = arith.cmpi slt, %rem3A_414, %lt3A_417 : i32
        %lt3A_419 = arith.constant 0 : i32
        %lt3A_420 = arith.cmpi slt, %select_n3A_413, %lt3A_419 : i32
        %ne3A_421 = arith.xori %lt3A_418, %lt3A_420 : i1
        %and3A_422 = arith.andi %ne3A_421, %ne3A_416 : i1
        %add3A_423 = arith.addi %rem3A_414, %select_n3A_413 : i32
        %select_n3A_424 = arith.select %and3A_422, %add3A_423, %rem3A_414 : i32
        %jit3A_425 = arith.constant 32 : i32
        %eq3A_426 = arith.constant 0 : i32
        %eq3A_427 = arith.cmpi eq, %jit3A_425, %eq3A_426 : i32
        %jit3A_428 = arith.constant 1 : i32
        %select_n3A_429 = arith.select %eq3A_427, %jit3A_428, %jit3A_425 : i32
        %rem3A_430 = arith.remsi %add3A_177, %select_n3A_429 : i32
        %ne3A_431 = arith.constant 0 : i32
        %ne3A_432 = arith.cmpi ne, %rem3A_430, %ne3A_431 : i32
        %lt3A_433 = arith.constant 0 : i32
        %lt3A_434 = arith.cmpi slt, %rem3A_430, %lt3A_433 : i32
        %lt3A_435 = arith.constant 0 : i32
        %lt3A_436 = arith.cmpi slt, %select_n3A_429, %lt3A_435 : i32
        %ne3A_437 = arith.xori %lt3A_434, %lt3A_436 : i1
        %and3A_438 = arith.andi %ne3A_437, %ne3A_432 : i1
        %add3A_439 = arith.addi %rem3A_430, %select_n3A_429 : i32
        %select_n3A_440 = arith.select %and3A_438, %add3A_439, %rem3A_430 : i32
        %ne3A_441 = arith.cmpi ne, %select_n3A_424, %select_n3A_440 : i32
        %or3A_442 = arith.constant false
        %or3A_443 = arith.ori %or3A_442, %ne3A_441 : i1
        %or3A_444 = arith.constant false
        %or3A_445 = arith.ori %or3A_443, %or3A_444 : i1
        %or3A_446 = arith.ori %or3A_445, %eq3A_158 : i1
        %add3A_447 = arith.constant 1 : i32
        %add3A_448 = arith.addi %scan3A_151, %add3A_447 : i32
        %select_n3A_449 = arith.select %or3A_446, %add3A_448, %scan3A_151 : i32
        %ne3A_450 = arith.cmpi ne, %add3A_159, %add3A_177 : i32
        %or3A_451 = arith.constant false
        %or3A_452 = arith.ori %or3A_451, %ne3A_450 : i1
        %or3A_453 = arith.ori %or3A_452, %eq3A_158 : i1
        %add3A_454 = arith.constant 1 : i32
        %add3A_455 = arith.addi %scan3A_153, %add3A_454 : i32
        %select_n3A_456 = arith.select %or3A_453, %add3A_455, %scan3A_153 : i32
        %add3A_457 = arith.constant 1 : i32
        %add3A_458 = arith.addi %scan3A_154, %add3A_457 : i32
        %select_n3A_459 = arith.constant true
        %select_n3A_460 = arith.select %select_n3A_459, %add3A_458, %scan3A_154 : i32
        %eq3A_461 = arith.constant 2 : i32
        %eq3A_462 = arith.cmpi eq, %select_n3A_460, %eq3A_461 : i32
        %select_n3A_463 = arith.constant 0 : i32
        %select_n3A_464 = arith.select %eq3A_462, %select_n3A_463, %select_n3A_460 : i32
        scf.yield %select_n3A_231, %select_n3A_449, %select_n3A_247, %select_n3A_456, %select_n3A_464 : i32, i32, i32, i32, i32
      }
      %scan3A_113 = arith.constant 2 : i32
      %sub3A = arith.constant 1 : i32
      %sub3A_114 = arith.subi %scan3A_112#4, %sub3A : i32
      %select_n3A_115 = arith.constant true
      %select_n3A_116 = arith.select %select_n3A_115, %sub3A_114, %scan3A_112#4 : i32
      %eq3A_117 = arith.constant -1 : i32
      %eq3A_118 = arith.cmpi eq, %select_n3A_116, %eq3A_117 : i32
      %select_n3A_119 = arith.constant 1 : i32
      %select_n3A_120 = arith.select %eq3A_118, %select_n3A_119, %select_n3A_116 : i32
      %add3A_121 = arith.addi %select_n3A_120, %mul3A_6 : i32
      %sub3A_122 = arith.constant 1 : i32
      %sub3A_123 = arith.subi %select_n3A_120, %sub3A_122 : i32
      %select_n3A_124 = arith.constant true
      %select_n3A_125 = arith.select %select_n3A_124, %sub3A_123, %select_n3A_120 : i32
      %eq3A_126 = arith.constant -1 : i32
      %eq3A_127 = arith.cmpi eq, %select_n3A_125, %eq3A_126 : i32
      %select_n3A_128 = arith.constant 1 : i32
      %select_n3A_129 = arith.select %eq3A_127, %select_n3A_128, %select_n3A_125 : i32
      %add3A_130 = arith.addi %select_n3A_129, %mul3A_6 : i32
      %add3A_131 = arith.constant 1 : i32
      %add3A_132 = arith.addi %select_n3A_120, %add3A_131 : i32
      %select_n3A_133 = arith.constant true
      %select_n3A_134 = arith.select %select_n3A_133, %add3A_132, %select_n3A_120 : i32
      %eq3A_135 = arith.constant 2 : i32
      %eq3A_136 = arith.cmpi eq, %select_n3A_134, %eq3A_135 : i32
      %select_n3A_137 = arith.constant 0 : i32
      %select_n3A_138 = arith.select %eq3A_136, %select_n3A_137, %select_n3A_134 : i32
      %add3A_139 = arith.addi %select_n3A_138, %mul3A_6 : i32
      %add3A_140 = arith.constant 1 : i32
      %add3A_141 = arith.addi %select_n3A_138, %add3A_140 : i32
      %select_n3A_142 = arith.constant true
      %select_n3A_143 = arith.select %select_n3A_142, %add3A_141, %select_n3A_138 : i32
      %eq3A_144 = arith.constant 2 : i32
      %eq3A_145 = arith.cmpi eq, %select_n3A_143, %eq3A_144 : i32
      %select_n3A_146 = arith.constant 0 : i32
      %select_n3A_147 = arith.select %eq3A_145, %select_n3A_146, %select_n3A_143 : i32
      %add3A_148 = arith.addi %select_n3A_147, %mul3A_6 : i32
      tpu.yield
    }) : () -> ()
    %mul3A_7 = arith.constant 1 : i32
    %mul3A_8 = arith.muli %arg1, %mul3A_7 : i32
    %add3A_9 = arith.constant 0 : i32
    %add3A_10 = arith.addi %add3A_9, %mul3A_8 : i32
    %mul3A_11 = arith.constant 16 : i32
    %mul3A_12 = arith.muli %arg0, %mul3A_11 : i32
    %add3A_13 = arith.addi %add3A_10, %mul3A_12 : i32
    %mul3A_14 = arith.constant 2 : i32
    %mul3A_15 = arith.muli %add3A_13, %mul3A_14 : i32
    "tpu.region"() ({
      %run_scoped3A = memref.alloca() : memref<2x128x384xf32, #tpu.memory_space<vmem>>
      %run_scoped3A_16 = tpu.sem_alloc : memref<2x!tpu.dma_semaphore, #tpu.memory_space<semaphore_mem>>
      %run_scoped3A_17 = memref.alloca() : memref<2x1x128xi32, #tpu.memory_space<vmem>>
      %run_scoped3A_18 = tpu.sem_alloc : memref<2x!tpu.dma_semaphore, #tpu.memory_space<semaphore_mem>>
      %add3A_19 = arith.constant 0 : i32
      %add3A_20 = arith.addi %add3A_19, %mul3A_15 : i32
      %select_n3A = arith.constant true
      %select_n3A_21 = arith.constant 0 : i32
      %select_n3A_22 = arith.constant -1 : i32
      %select_n3A_23 = arith.select %select_n3A, %select_n3A_22, %select_n3A_21 : i32
      %eq3A = arith.constant -1 : i32
      %eq3A_24 = arith.cmpi eq, %select_n3A_23, %eq3A : i32
      %select_n3A_25 = arith.constant 1 : i32
      %select_n3A_26 = arith.select %eq3A_24, %select_n3A_25, %select_n3A_23 : i32
      %add3A_27 = arith.addi %select_n3A_26, %mul3A_15 : i32
      %select_n3A_28 = arith.constant true
      %select_n3A_29 = arith.constant 0 : i32
      %select_n3A_30 = arith.constant 1 : i32
      %select_n3A_31 = arith.select %select_n3A_28, %select_n3A_30, %select_n3A_29 : i32
      %eq3A_32 = arith.constant 2 : i32
      %eq3A_33 = arith.cmpi eq, %select_n3A_31, %eq3A_32 : i32
      %select_n3A_34 = arith.constant 0 : i32
      %select_n3A_35 = arith.select %eq3A_33, %select_n3A_34, %select_n3A_31 : i32
      %add3A_36 = arith.addi %select_n3A_35, %mul3A_15 : i32
      %add3A_37 = arith.constant 1 : i32
      %add3A_38 = arith.addi %select_n3A_35, %add3A_37 : i32
      %select_n3A_39 = arith.constant true
      %select_n3A_40 = arith.select %select_n3A_39, %add3A_38, %select_n3A_35 : i32
      %eq3A_41 = arith.constant 2 : i32
      %eq3A_42 = arith.cmpi eq, %select_n3A_40, %eq3A_41 : i32
      %select_n3A_43 = arith.constant 0 : i32
      %select_n3A_44 = arith.select %eq3A_42, %select_n3A_43, %select_n3A_40 : i32
      %add3A_45 = arith.addi %select_n3A_44, %mul3A_15 : i32
      "tpu.trace_start"() <{level = 10 : i32, message = "ep_initialize_0"}> : () -> ()
      %rem3A = arith.constant 0 : i32
      %rem3A_46 = arith.constant 2 : i32
      %rem3A_47 = arith.remui %rem3A, %rem3A_46 : i32
      %jit3A = arith.constant 32 : i32
      %eq3A_48 = arith.constant 0 : i32
      %eq3A_49 = arith.cmpi eq, %jit3A, %eq3A_48 : i32
      %jit3A_50 = arith.constant 1 : i32
      %select_n3A_51 = arith.select %eq3A_49, %jit3A_50, %jit3A : i32
      %rem3A_52 = arith.remsi %add3A_20, %select_n3A_51 : i32
      %ne3A = arith.constant 0 : i32
      %ne3A_53 = arith.cmpi ne, %rem3A_52, %ne3A : i32
      %lt3A = arith.constant 0 : i32
      %lt3A_54 = arith.cmpi slt, %rem3A_52, %lt3A : i32
      %lt3A_55 = arith.constant 0 : i32
      %lt3A_56 = arith.cmpi slt, %select_n3A_51, %lt3A_55 : i32
      %ne3A_57 = arith.xori %lt3A_54, %lt3A_56 : i1
      %and3A = arith.andi %ne3A_57, %ne3A_53 : i1
      %add3A_58 = arith.addi %rem3A_52, %select_n3A_51 : i32
      %select_n3A_59 = arith.select %and3A, %add3A_58, %rem3A_52 : i32
      %mul3A_60 = arith.constant 128 : i32
      %mul3A_61 = arith.muli %mul3A_60, %select_n3A_59 : i32
      %dma_start3A = arith.constant 0 : i32
      %dma_start3A_62 = arith.constant 0 : i32
      %dma_start3A_63 = tpu.memref_slice %run_scoped3A[%rem3A_47, %dma_start3A, %dma_start3A_62] : memref<2x128x384xf32, #tpu.memory_space<vmem>> -> memref<1x128x384xf32, #tpu.memory_space<vmem>>
      %dma_start3A_64 = tpu.memref_squeeze %dma_start3A_63 : memref<1x128x384xf32, #tpu.memory_space<vmem>> -> memref<128x384xf32, #tpu.memory_space<vmem>>
      %dma_start3A_65 = arith.constant 0 : i32
      %dma_start3A_66 = tpu.memref_slice %arg3[%mul3A_61, %dma_start3A_65] : memref<4096x384xf32, #tpu.memory_space<hbm>> -> memref<128x384xf32, #tpu.memory_space<hbm>>
      %dma_start3A_67 = tpu.memref_slice %run_scoped3A_16[%rem3A_47] : memref<2x!tpu.dma_semaphore, #tpu.memory_space<semaphore_mem>> -> memref<1x!tpu.dma_semaphore, #tpu.memory_space<semaphore_mem>>
      %dma_start3A_68 = tpu.memref_squeeze %dma_start3A_67 : memref<1x!tpu.dma_semaphore, #tpu.memory_space<semaphore_mem>> -> memref<!tpu.dma_semaphore, #tpu.memory_space<semaphore_mem>>
      %dma_start3A_69 = arith.constant 0 : i32
      %dma_start3A_70 = arith.constant 0 : i32
      %dma_start3A_71 = tpu.memref_slice %run_scoped3A[%rem3A_47, %dma_start3A_69, %dma_start3A_70] : memref<2x128x384xf32, #tpu.memory_space<vmem>> -> memref<1x128x384xf32, #tpu.memory_space<vmem>>
      %dma_start3A_72 = tpu.memref_squeeze %dma_start3A_71 : memref<1x128x384xf32, #tpu.memory_space<vmem>> -> memref<128x384xf32, #tpu.memory_space<vmem>>
      %dma_start3A_73 = arith.constant 0 : i32
      %dma_start3A_74 = tpu.memref_slice %arg3[%mul3A_61, %dma_start3A_73] : memref<4096x384xf32, #tpu.memory_space<hbm>> -> memref<128x384xf32, #tpu.memory_space<hbm>>
      tpu.enqueue_dma source(%dma_start3A_74 : memref<128x384xf32, #tpu.memory_space<hbm>>) target(%dma_start3A_72 : memref<128x384xf32, #tpu.memory_space<vmem>>) target_semaphore(%dma_start3A_68 : memref<!tpu.dma_semaphore, #tpu.memory_space<semaphore_mem>>)
      %add3A_75 = arith.constant 0 : i32
      %add3A_76 = arith.constant 1 : i32
      %add3A_77 = arith.addi %add3A_75, %add3A_76 : i32
      %select_n3A_78 = arith.constant true
      %select_n3A_79 = arith.constant 0 : i32
      %select_n3A_80 = arith.select %select_n3A_78, %add3A_77, %select_n3A_79 : i32
      %rem3A_81 = arith.constant 0 : i32
      %rem3A_82 = arith.constant 2 : i32
      %rem3A_83 = arith.remui %rem3A_81, %rem3A_82 : i32
      %mul3A_84 = arith.constant 128 : i32
      %mul3A_85 = arith.muli %mul3A_84, %add3A_20 : i32
      %dma_start3A_86 = arith.constant 0 : i32
      %dma_start3A_87 = arith.constant 0 : i32
      %dma_start3A_88 = tpu.memref_slice %run_scoped3A_17[%rem3A_83, %dma_start3A_86, %dma_start3A_87] : memref<2x1x128xi32, #tpu.memory_space<vmem>> -> memref<1x1x128xi32, #tpu.memory_space<vmem>>
      %dma_start3A_89 = tpu.memref_squeeze %dma_start3A_88 : memref<1x1x128xi32, #tpu.memory_space<vmem>> -> memref<1x128xi32, #tpu.memory_space<vmem>>
      %dma_start3A_90 = arith.constant 0 : i32
      %dma_start3A_91 = tpu.memref_slice %arg4[%dma_start3A_90, %mul3A_85] : memref<1x8192xi32, #tpu.memory_space<hbm>> -> memref<1x128xi32, #tpu.memory_space<hbm>>
      %dma_start3A_92 = tpu.memref_slice %run_scoped3A_18[%rem3A_83] : memref<2x!tpu.dma_semaphore, #tpu.memory_space<semaphore_mem>> -> memref<1x!tpu.dma_semaphore, #tpu.memory_space<semaphore_mem>>
      %dma_start3A_93 = tpu.memref_squeeze %dma_start3A_92 : memref<1x!tpu.dma_semaphore, #tpu.memory_space<semaphore_mem>> -> memref<!tpu.dma_semaphore, #tpu.memory_space<semaphore_mem>>
      %dma_start3A_94 = arith.constant 0 : i32
      %dma_start3A_95 = arith.constant 0 : i32
      %dma_start3A_96 = tpu.memref_slice %run_scoped3A_17[%rem3A_83, %dma_start3A_94, %dma_start3A_95] : memref<2x1x128xi32, #tpu.memory_space<vmem>> -> memref<1x1x128xi32, #tpu.memory_space<vmem>>
      %dma_start3A_97 = tpu.memref_squeeze %dma_start3A_96 : memref<1x1x128xi32, #tpu.memory_space<vmem>> -> memref<1x128xi32, #tpu.memory_space<vmem>>
      %dma_start3A_98 = arith.constant 0 : i32
      %dma_start3A_99 = tpu.memref_slice %arg4[%dma_start3A_98, %mul3A_85] : memref<1x8192xi32, #tpu.memory_space<hbm>> -> memref<1x128xi32, #tpu.memory_space<hbm>>
      tpu.enqueue_dma source(%dma_start3A_99 : memref<1x128xi32, #tpu.memory_space<hbm>>) target(%dma_start3A_97 : memref<1x128xi32, #tpu.memory_space<vmem>>) target_semaphore(%dma_start3A_93 : memref<!tpu.dma_semaphore, #tpu.memory_space<semaphore_mem>>)
      %add3A_100 = arith.constant 0 : i32
      %add3A_101 = arith.constant 1 : i32
      %add3A_102 = arith.addi %add3A_100, %add3A_101 : i32
      %select_n3A_103 = arith.constant true
      %select_n3A_104 = arith.constant 0 : i32
      %select_n3A_105 = arith.select %select_n3A_103, %add3A_102, %select_n3A_104 : i32
      "tpu.trace_stop"() : () -> ()
      %scan3A = arith.constant 0 : i32
      %scan3A_106 = arith.constant 0 : i32
      %scan3A_107 = arith.constant 0 : i32
      %scan3A_108 = arith.constant 0 : i32
      %scan3A_109 = arith.constant 2 : i32
      %scan3A_110 = arith.addi %scan3A_108, %scan3A_109 : i32
      %scan3A_111 = arith.constant 1 : i32
      %scan3A_112:5 = scf.for %scan3A_149 = %scan3A_108 to %scan3A_110 step %scan3A_111 iter_args(%scan3A_150 = %select_n3A_80, %scan3A_151 = %scan3A, %scan3A_152 = %select_n3A_105, %scan3A_153 = %scan3A_106, %scan3A_154 = %scan3A_107) -> (i32, i32, i32, i32, i32)  : i32 {
        %eq3A_155 = arith.constant 0 : i32
        %eq3A_156 = arith.cmpi eq, %scan3A_149, %eq3A_155 : i32
        %eq3A_157 = arith.constant 1 : i32
        %eq3A_158 = arith.cmpi eq, %scan3A_149, %eq3A_157 : i32
        %add3A_159 = arith.addi %scan3A_154, %mul3A_15 : i32
        %sub3A_160 = arith.constant 1 : i32
        %sub3A_161 = arith.subi %scan3A_154, %sub3A_160 : i32
        %select_n3A_162 = arith.constant true
        %select_n3A_163 = arith.select %select_n3A_162, %sub3A_161, %scan3A_154 : i32
        %eq3A_164 = arith.constant -1 : i32
        %eq3A_165 = arith.cmpi eq, %select_n3A_163, %eq3A_164 : i32
        %select_n3A_166 = arith.constant 1 : i32
        %select_n3A_167 = arith.select %eq3A_165, %select_n3A_166, %select_n3A_163 : i32
        %add3A_168 = arith.addi %select_n3A_167, %mul3A_15 : i32
        %add3A_169 = arith.constant 1 : i32
        %add3A_170 = arith.addi %scan3A_154, %add3A_169 : i32
        %select_n3A_171 = arith.constant true
        %select_n3A_172 = arith.select %select_n3A_171, %add3A_170, %scan3A_154 : i32
        %eq3A_173 = arith.constant 2 : i32
        %eq3A_174 = arith.cmpi eq, %select_n3A_172, %eq3A_173 : i32
        %select_n3A_175 = arith.constant 0 : i32
        %select_n3A_176 = arith.select %eq3A_174, %select_n3A_175, %select_n3A_172 : i32
        %add3A_177 = arith.addi %select_n3A_176, %mul3A_15 : i32
        %add3A_178 = arith.constant 1 : i32
        %add3A_179 = arith.addi %select_n3A_176, %add3A_178 : i32
        %select_n3A_180 = arith.constant true
        %select_n3A_181 = arith.select %select_n3A_180, %add3A_179, %select_n3A_176 : i32
        %eq3A_182 = arith.constant 2 : i32
        %eq3A_183 = arith.cmpi eq, %select_n3A_181, %eq3A_182 : i32
        %select_n3A_184 = arith.constant 0 : i32
        %select_n3A_185 = arith.select %eq3A_183, %select_n3A_184, %select_n3A_181 : i32
        %add3A_186 = arith.addi %select_n3A_185, %mul3A_15 : i32
        %jit3A_187 = arith.constant 32 : i32
        %eq3A_188 = arith.constant 0 : i32
        %eq3A_189 = arith.cmpi eq, %jit3A_187, %eq3A_188 : i32
        %jit3A_190 = arith.constant 1 : i32
        %select_n3A_191 = arith.select %eq3A_189, %jit3A_190, %jit3A_187 : i32
        %rem3A_192 = arith.remsi %add3A_159, %select_n3A_191 : i32
        %ne3A_193 = arith.constant 0 : i32
        %ne3A_194 = arith.cmpi ne, %rem3A_192, %ne3A_193 : i32
        %lt3A_195 = arith.constant 0 : i32
        %lt3A_196 = arith.cmpi slt, %rem3A_192, %lt3A_195 : i32
        %lt3A_197 = arith.constant 0 : i32
        %lt3A_198 = arith.cmpi slt, %select_n3A_191, %lt3A_197 : i32
        %ne3A_199 = arith.xori %lt3A_196, %lt3A_198 : i1
        %and3A_200 = arith.andi %ne3A_199, %ne3A_194 : i1
        %add3A_201 = arith.addi %rem3A_192, %select_n3A_191 : i32
        %select_n3A_202 = arith.select %and3A_200, %add3A_201, %rem3A_192 : i32
        %jit3A_203 = arith.constant 32 : i32
        %eq3A_204 = arith.constant 0 : i32
        %eq3A_205 = arith.cmpi eq, %jit3A_203, %eq3A_204 : i32
        %jit3A_206 = arith.constant 1 : i32
        %select_n3A_207 = arith.select %eq3A_205, %jit3A_206, %jit3A_203 : i32
        %rem3A_208 = arith.remsi %add3A_177, %select_n3A_207 : i32
        %ne3A_209 = arith.constant 0 : i32
        %ne3A_210 = arith.cmpi ne, %rem3A_208, %ne3A_209 : i32
        %lt3A_211 = arith.constant 0 : i32
        %lt3A_212 = arith.cmpi slt, %rem3A_208, %lt3A_211 : i32
        %lt3A_213 = arith.constant 0 : i32
        %lt3A_214 = arith.cmpi slt, %select_n3A_207, %lt3A_213 : i32
        %ne3A_215 = arith.xori %lt3A_212, %lt3A_214 : i1
        %and3A_216 = arith.andi %ne3A_215, %ne3A_210 : i1
        %add3A_217 = arith.addi %rem3A_208, %select_n3A_207 : i32
        %select_n3A_218 = arith.select %and3A_216, %add3A_217, %rem3A_208 : i32
        %ne3A_219 = arith.cmpi ne, %select_n3A_202, %select_n3A_218 : i32
        %or3A = arith.constant false
        %or3A_220 = arith.ori %or3A, %ne3A_219 : i1
        %or3A_221 = arith.constant false
        %or3A_222 = arith.ori %or3A_220, %or3A_221 : i1
        %ge3A = arith.constant 1 : i32
        %ge3A_223 = arith.cmpi sge, %scan3A_149, %ge3A : i32
        %not3A = arith.constant true
        %not3A_224 = arith.xori %ge3A_223, %not3A : i1
        %and3A_225 = arith.andi %or3A_222, %not3A_224 : i1
        %convert_element_type3A = arith.extui %and3A_225 : i1 to i32
        %cond3A = arith.constant 0 : i32
        %cond3A_226 = arith.cmpi ne, %convert_element_type3A, %cond3A : i32
        scf.if %cond3A_226 {
          "tpu.trace_start"() <{level = 10 : i32, message = "ep_copy_in"}> : () -> ()
          %rem3A_465 = arith.constant 2 : i32
          %rem3A_466 = arith.remui %scan3A_150, %rem3A_465 : i32
          %jit3A_467 = arith.constant 32 : i32
          %eq3A_468 = arith.constant 0 : i32
          %eq3A_469 = arith.cmpi eq, %jit3A_467, %eq3A_468 : i32
          %jit3A_470 = arith.constant 1 : i32
          %select_n3A_471 = arith.select %eq3A_469, %jit3A_470, %jit3A_467 : i32
          %rem3A_472 = arith.remsi %add3A_177, %select_n3A_471 : i32
          %ne3A_473 = arith.constant 0 : i32
          %ne3A_474 = arith.cmpi ne, %rem3A_472, %ne3A_473 : i32
          %lt3A_475 = arith.constant 0 : i32
          %lt3A_476 = arith.cmpi slt, %rem3A_472, %lt3A_475 : i32
          %lt3A_477 = arith.constant 0 : i32
          %lt3A_478 = arith.cmpi slt, %select_n3A_471, %lt3A_477 : i32
          %ne3A_479 = arith.xori %lt3A_476, %lt3A_478 : i1
          %and3A_480 = arith.andi %ne3A_479, %ne3A_474 : i1
          %add3A_481 = arith.addi %rem3A_472, %select_n3A_471 : i32
          %select_n3A_482 = arith.select %and3A_480, %add3A_481, %rem3A_472 : i32
          %mul3A_483 = arith.constant 128 : i32
          %mul3A_484 = arith.muli %mul3A_483, %select_n3A_482 : i32
          %dma_start3A_485 = arith.constant 0 : i32
          %dma_start3A_486 = arith.constant 0 : i32
          %dma_start3A_487 = tpu.memref_slice %run_scoped3A[%rem3A_466, %dma_start3A_485, %dma_start3A_486] : memref<2x128x384xf32, #tpu.memory_space<vmem>> -> memref<1x128x384xf32, #tpu.memory_space<vmem>>
          %dma_start3A_488 = tpu.memref_squeeze %dma_start3A_487 : memref<1x128x384xf32, #tpu.memory_space<vmem>> -> memref<128x384xf32, #tpu.memory_space<vmem>>
          %dma_start3A_489 = arith.constant 0 : i32
          %dma_start3A_490 = tpu.memref_slice %arg3[%mul3A_484, %dma_start3A_489] : memref<4096x384xf32, #tpu.memory_space<hbm>> -> memref<128x384xf32, #tpu.memory_space<hbm>>
          %dma_start3A_491 = tpu.memref_slice %run_scoped3A_16[%rem3A_466] : memref<2x!tpu.dma_semaphore, #tpu.memory_space<semaphore_mem>> -> memref<1x!tpu.dma_semaphore, #tpu.memory_space<semaphore_mem>>
          %dma_start3A_492 = tpu.memref_squeeze %dma_start3A_491 : memref<1x!tpu.dma_semaphore, #tpu.memory_space<semaphore_mem>> -> memref<!tpu.dma_semaphore, #tpu.memory_space<semaphore_mem>>
          %dma_start3A_493 = arith.constant 0 : i32
          %dma_start3A_494 = arith.constant 0 : i32
          %dma_start3A_495 = tpu.memref_slice %run_scoped3A[%rem3A_466, %dma_start3A_493, %dma_start3A_494] : memref<2x128x384xf32, #tpu.memory_space<vmem>> -> memref<1x128x384xf32, #tpu.memory_space<vmem>>
          %dma_start3A_496 = tpu.memref_squeeze %dma_start3A_495 : memref<1x128x384xf32, #tpu.memory_space<vmem>> -> memref<128x384xf32, #tpu.memory_space<vmem>>
          %dma_start3A_497 = arith.constant 0 : i32
          %dma_start3A_498 = tpu.memref_slice %arg3[%mul3A_484, %dma_start3A_497] : memref<4096x384xf32, #tpu.memory_space<hbm>> -> memref<128x384xf32, #tpu.memory_space<hbm>>
          tpu.enqueue_dma source(%dma_start3A_498 : memref<128x384xf32, #tpu.memory_space<hbm>>) target(%dma_start3A_496 : memref<128x384xf32, #tpu.memory_space<vmem>>) target_semaphore(%dma_start3A_492 : memref<!tpu.dma_semaphore, #tpu.memory_space<semaphore_mem>>)
          "tpu.trace_stop"() : () -> ()
        } else {
        }
        %and3A_227 = arith.constant true
        %and3A_228 = arith.andi %and3A_225, %and3A_227 : i1
        %add3A_229 = arith.constant 1 : i32
        %add3A_230 = arith.addi %scan3A_150, %add3A_229 : i32
        %select_n3A_231 = arith.select %and3A_228, %add3A_230, %scan3A_150 : i32
        %ne3A_232 = arith.cmpi ne, %add3A_159, %add3A_177 : i32
        %or3A_233 = arith.constant false
        %or3A_234 = arith.ori %or3A_233, %ne3A_232 : i1
        %ge3A_235 = arith.constant 1 : i32
        %ge3A_236 = arith.cmpi sge, %scan3A_149, %ge3A_235 : i32
        %not3A_237 = arith.constant true
        %not3A_238 = arith.xori %ge3A_236, %not3A_237 : i1
        %and3A_239 = arith.andi %or3A_234, %not3A_238 : i1
        %convert_element_type3A_240 = arith.extui %and3A_239 : i1 to i32
        %cond3A_241 = arith.constant 0 : i32
        %cond3A_242 = arith.cmpi ne, %convert_element_type3A_240, %cond3A_241 : i32
        scf.if %cond3A_242 {
          "tpu.trace_start"() <{level = 10 : i32, message = "ep_copy_in"}> : () -> ()
          %rem3A_465 = arith.constant 2 : i32
          %rem3A_466 = arith.remui %scan3A_152, %rem3A_465 : i32
          %mul3A_467 = arith.constant 128 : i32
          %mul3A_468 = arith.muli %mul3A_467, %add3A_177 : i32
          %dma_start3A_469 = arith.constant 0 : i32
          %dma_start3A_470 = arith.constant 0 : i32
          %dma_start3A_471 = tpu.memref_slice %run_scoped3A_17[%rem3A_466, %dma_start3A_469, %dma_start3A_470] : memref<2x1x128xi32, #tpu.memory_space<vmem>> -> memref<1x1x128xi32, #tpu.memory_space<vmem>>
          %dma_start3A_472 = tpu.memref_squeeze %dma_start3A_471 : memref<1x1x128xi32, #tpu.memory_space<vmem>> -> memref<1x128xi32, #tpu.memory_space<vmem>>
          %dma_start3A_473 = arith.constant 0 : i32
          %dma_start3A_474 = tpu.memref_slice %arg4[%dma_start3A_473, %mul3A_468] : memref<1x8192xi32, #tpu.memory_space<hbm>> -> memref<1x128xi32, #tpu.memory_space<hbm>>
          %dma_start3A_475 = tpu.memref_slice %run_scoped3A_18[%rem3A_466] : memref<2x!tpu.dma_semaphore, #tpu.memory_space<semaphore_mem>> -> memref<1x!tpu.dma_semaphore, #tpu.memory_space<semaphore_mem>>
          %dma_start3A_476 = tpu.memref_squeeze %dma_start3A_475 : memref<1x!tpu.dma_semaphore, #tpu.memory_space<semaphore_mem>> -> memref<!tpu.dma_semaphore, #tpu.memory_space<semaphore_mem>>
          %dma_start3A_477 = arith.constant 0 : i32
          %dma_start3A_478 = arith.constant 0 : i32
          %dma_start3A_479 = tpu.memref_slice %run_scoped3A_17[%rem3A_466, %dma_start3A_477, %dma_start3A_478] : memref<2x1x128xi32, #tpu.memory_space<vmem>> -> memref<1x1x128xi32, #tpu.memory_space<vmem>>
          %dma_start3A_480 = tpu.memref_squeeze %dma_start3A_479 : memref<1x1x128xi32, #tpu.memory_space<vmem>> -> memref<1x128xi32, #tpu.memory_space<vmem>>
          %dma_start3A_481 = arith.constant 0 : i32
          %dma_start3A_482 = tpu.memref_slice %arg4[%dma_start3A_481, %mul3A_468] : memref<1x8192xi32, #tpu.memory_space<hbm>> -> memref<1x128xi32, #tpu.memory_space<hbm>>
          tpu.enqueue_dma source(%dma_start3A_482 : memref<1x128xi32, #tpu.memory_space<hbm>>) target(%dma_start3A_480 : memref<1x128xi32, #tpu.memory_space<vmem>>) target_semaphore(%dma_start3A_476 : memref<!tpu.dma_semaphore, #tpu.memory_space<semaphore_mem>>)
          "tpu.trace_stop"() : () -> ()
        } else {
        }
        %and3A_243 = arith.constant true
        %and3A_244 = arith.andi %and3A_239, %and3A_243 : i1
        %add3A_245 = arith.constant 1 : i32
        %add3A_246 = arith.addi %scan3A_152, %add3A_245 : i32
        %select_n3A_247 = arith.select %and3A_244, %add3A_246, %scan3A_152 : i32
        %jit3A_248 = arith.constant 32 : i32
        %eq3A_249 = arith.constant 0 : i32
        %eq3A_250 = arith.cmpi eq, %jit3A_248, %eq3A_249 : i32
        %jit3A_251 = arith.constant 1 : i32
        %select_n3A_252 = arith.select %eq3A_250, %jit3A_251, %jit3A_248 : i32
        %rem3A_253 = arith.remsi %add3A_159, %select_n3A_252 : i32
        %ne3A_254 = arith.constant 0 : i32
        %ne3A_255 = arith.cmpi ne, %rem3A_253, %ne3A_254 : i32
        %lt3A_256 = arith.constant 0 : i32
        %lt3A_257 = arith.cmpi slt, %rem3A_253, %lt3A_256 : i32
        %lt3A_258 = arith.constant 0 : i32
        %lt3A_259 = arith.cmpi slt, %select_n3A_252, %lt3A_258 : i32
        %ne3A_260 = arith.xori %lt3A_257, %lt3A_259 : i1
        %and3A_261 = arith.andi %ne3A_260, %ne3A_255 : i1
        %add3A_262 = arith.addi %rem3A_253, %select_n3A_252 : i32
        %select_n3A_263 = arith.select %and3A_261, %add3A_262, %rem3A_253 : i32
        %jit3A_264 = arith.constant 32 : i32
        %eq3A_265 = arith.constant 0 : i32
        %eq3A_266 = arith.cmpi eq, %jit3A_264, %eq3A_265 : i32
        %jit3A_267 = arith.constant 1 : i32
        %select_n3A_268 = arith.select %eq3A_266, %jit3A_267, %jit3A_264 : i32
        %rem3A_269 = arith.remsi %add3A_168, %select_n3A_268 : i32
        %ne3A_270 = arith.constant 0 : i32
        %ne3A_271 = arith.cmpi ne, %rem3A_269, %ne3A_270 : i32
        %lt3A_272 = arith.constant 0 : i32
        %lt3A_273 = arith.cmpi slt, %rem3A_269, %lt3A_272 : i32
        %lt3A_274 = arith.constant 0 : i32
        %lt3A_275 = arith.cmpi slt, %select_n3A_268, %lt3A_274 : i32
        %ne3A_276 = arith.xori %lt3A_273, %lt3A_275 : i1
        %and3A_277 = arith.andi %ne3A_276, %ne3A_271 : i1
        %add3A_278 = arith.addi %rem3A_269, %select_n3A_268 : i32
        %select_n3A_279 = arith.select %and3A_277, %add3A_278, %rem3A_269 : i32
        %ne3A_280 = arith.cmpi ne, %select_n3A_263, %select_n3A_279 : i32
        %or3A_281 = arith.constant false
        %or3A_282 = arith.ori %or3A_281, %ne3A_280 : i1
        %or3A_283 = arith.constant false
        %or3A_284 = arith.ori %or3A_282, %or3A_283 : i1
        %or3A_285 = arith.ori %or3A_284, %eq3A_156 : i1
        %convert_element_type3A_286 = arith.extui %or3A_285 : i1 to i32
        %cond3A_287 = arith.constant 0 : i32
        %cond3A_288 = arith.cmpi ne, %convert_element_type3A_286, %cond3A_287 : i32
        scf.if %cond3A_288 {
          %jit3A_465 = arith.constant 32 : i32
          "tpu.trace_start"() <{level = 10 : i32, message = "ep_wait_in"}> : () -> ()
          %eq3A_466 = arith.constant 0 : i32
          %eq3A_467 = arith.cmpi eq, %jit3A_465, %eq3A_466 : i32
          %jit3A_468 = arith.constant 1 : i32
          %select_n3A_469 = arith.select %eq3A_467, %jit3A_468, %jit3A_465 : i32
          %rem3A_470 = arith.remsi %add3A_159, %select_n3A_469 : i32
          %ne3A_471 = arith.constant 0 : i32
          %ne3A_472 = arith.cmpi ne, %rem3A_470, %ne3A_471 : i32
          %lt3A_473 = arith.constant 0 : i32
          %lt3A_474 = arith.cmpi slt, %rem3A_470, %lt3A_473 : i32
          %lt3A_475 = arith.constant 0 : i32
          %lt3A_476 = arith.cmpi slt, %select_n3A_469, %lt3A_475 : i32
          %ne3A_477 = arith.xori %lt3A_474, %lt3A_476 : i1
          %and3A_478 = arith.andi %ne3A_477, %ne3A_472 : i1
          %add3A_479 = arith.addi %rem3A_470, %select_n3A_469 : i32
          %select_n3A_480 = arith.select %and3A_478, %add3A_479, %rem3A_470 : i32
          %mul3A_481 = arith.constant 128 : i32
          %mul3A_482 = arith.muli %mul3A_481, %select_n3A_480 : i32
          %rem3A_483 = arith.constant 2 : i32
          %rem3A_484 = arith.remui %scan3A_151, %rem3A_483 : i32
          %dma_wait3A = arith.constant 0 : i32
          %dma_wait3A_485 = arith.constant 0 : i32
          %dma_wait3A_486 = tpu.memref_slice %run_scoped3A[%rem3A_484, %dma_wait3A, %dma_wait3A_485] : memref<2x128x384xf32, #tpu.memory_space<vmem>> -> memref<1x128x384xf32, #tpu.memory_space<vmem>>
          %dma_wait3A_487 = tpu.memref_squeeze %dma_wait3A_486 : memref<1x128x384xf32, #tpu.memory_space<vmem>> -> memref<128x384xf32, #tpu.memory_space<vmem>>
          %dma_wait3A_488 = arith.constant 0 : i32
          %dma_wait3A_489 = tpu.memref_slice %arg3[%mul3A_482, %dma_wait3A_488] : memref<4096x384xf32, #tpu.memory_space<hbm>> -> memref<128x384xf32, #tpu.memory_space<hbm>>
          %dma_wait3A_490 = tpu.memref_slice %run_scoped3A_16[%rem3A_484] : memref<2x!tpu.dma_semaphore, #tpu.memory_space<semaphore_mem>> -> memref<1x!tpu.dma_semaphore, #tpu.memory_space<semaphore_mem>>
          %dma_wait3A_491 = tpu.memref_squeeze %dma_wait3A_490 : memref<1x!tpu.dma_semaphore, #tpu.memory_space<semaphore_mem>> -> memref<!tpu.dma_semaphore, #tpu.memory_space<semaphore_mem>>
          %dma_wait3A_492 = arith.constant 0 : i32
          %dma_wait3A_493 = arith.constant 0 : i32
          %dma_wait3A_494 = tpu.memref_slice %run_scoped3A[%rem3A_484, %dma_wait3A_492, %dma_wait3A_493] : memref<2x128x384xf32, #tpu.memory_space<vmem>> -> memref<1x128x384xf32, #tpu.memory_space<vmem>>
          %dma_wait3A_495 = tpu.memref_squeeze %dma_wait3A_494 : memref<1x128x384xf32, #tpu.memory_space<vmem>> -> memref<128x384xf32, #tpu.memory_space<vmem>>
          %dma_wait3A_496 = arith.constant 0 : i32
          %dma_wait3A_497 = tpu.memref_slice %arg3[%mul3A_482, %dma_wait3A_496] : memref<4096x384xf32, #tpu.memory_space<hbm>> -> memref<128x384xf32, #tpu.memory_space<hbm>>
          tpu.wait_dma2 semaphore(%dma_wait3A_491 : memref<!tpu.dma_semaphore, #tpu.memory_space<semaphore_mem>>) src(%dma_wait3A_497 : memref<128x384xf32, #tpu.memory_space<hbm>>) dst(%dma_wait3A_495 : memref<128x384xf32, #tpu.memory_space<vmem>>)
          "tpu.trace_stop"() : () -> ()
        } else {
        }
        %ne3A_289 = arith.cmpi ne, %add3A_159, %add3A_168 : i32
        %or3A_290 = arith.constant false
        %or3A_291 = arith.ori %or3A_290, %ne3A_289 : i1
        %or3A_292 = arith.ori %or3A_291, %eq3A_156 : i1
        %convert_element_type3A_293 = arith.extui %or3A_292 : i1 to i32
        %cond3A_294 = arith.constant 0 : i32
        %cond3A_295 = arith.cmpi ne, %convert_element_type3A_293, %cond3A_294 : i32
        scf.if %cond3A_295 {
          "tpu.trace_start"() <{level = 10 : i32, message = "ep_wait_in"}> : () -> ()
          %mul3A_465 = arith.constant 128 : i32
          %mul3A_466 = arith.muli %mul3A_465, %add3A_159 : i32
          %rem3A_467 = arith.constant 2 : i32
          %rem3A_468 = arith.remui %scan3A_153, %rem3A_467 : i32
          %dma_wait3A = arith.constant 0 : i32
          %dma_wait3A_469 = arith.constant 0 : i32
          %dma_wait3A_470 = tpu.memref_slice %run_scoped3A_17[%rem3A_468, %dma_wait3A, %dma_wait3A_469] : memref<2x1x128xi32, #tpu.memory_space<vmem>> -> memref<1x1x128xi32, #tpu.memory_space<vmem>>
          %dma_wait3A_471 = tpu.memref_squeeze %dma_wait3A_470 : memref<1x1x128xi32, #tpu.memory_space<vmem>> -> memref<1x128xi32, #tpu.memory_space<vmem>>
          %dma_wait3A_472 = arith.constant 0 : i32
          %dma_wait3A_473 = tpu.memref_slice %arg4[%dma_wait3A_472, %mul3A_466] : memref<1x8192xi32, #tpu.memory_space<hbm>> -> memref<1x128xi32, #tpu.memory_space<hbm>>
          %dma_wait3A_474 = tpu.memref_slice %run_scoped3A_18[%rem3A_468] : memref<2x!tpu.dma_semaphore, #tpu.memory_space<semaphore_mem>> -> memref<1x!tpu.dma_semaphore, #tpu.memory_space<semaphore_mem>>
          %dma_wait3A_475 = tpu.memref_squeeze %dma_wait3A_474 : memref<1x!tpu.dma_semaphore, #tpu.memory_space<semaphore_mem>> -> memref<!tpu.dma_semaphore, #tpu.memory_space<semaphore_mem>>
          %dma_wait3A_476 = arith.constant 0 : i32
          %dma_wait3A_477 = arith.constant 0 : i32
          %dma_wait3A_478 = tpu.memref_slice %run_scoped3A_17[%rem3A_468, %dma_wait3A_476, %dma_wait3A_477] : memref<2x1x128xi32, #tpu.memory_space<vmem>> -> memref<1x1x128xi32, #tpu.memory_space<vmem>>
          %dma_wait3A_479 = tpu.memref_squeeze %dma_wait3A_478 : memref<1x1x128xi32, #tpu.memory_space<vmem>> -> memref<1x128xi32, #tpu.memory_space<vmem>>
          %dma_wait3A_480 = arith.constant 0 : i32
          %dma_wait3A_481 = tpu.memref_slice %arg4[%dma_wait3A_480, %mul3A_466] : memref<1x8192xi32, #tpu.memory_space<hbm>> -> memref<1x128xi32, #tpu.memory_space<hbm>>
          tpu.wait_dma2 semaphore(%dma_wait3A_475 : memref<!tpu.dma_semaphore, #tpu.memory_space<semaphore_mem>>) src(%dma_wait3A_481 : memref<1x128xi32, #tpu.memory_space<hbm>>) dst(%dma_wait3A_479 : memref<1x128xi32, #tpu.memory_space<vmem>>)
          "tpu.trace_stop"() : () -> ()
        } else {
        }
        %rem3A_296 = arith.constant 2 : i32
        %rem3A_297 = arith.remui %scan3A_151, %rem3A_296 : i32
        %rem3A_298 = arith.constant 2 : i32
        %rem3A_299 = arith.remui %scan3A_153, %rem3A_298 : i32
        %run_scoped3A_300 = arith.constant 0 : i32
        "tpu.trace_start"() <{level = 10 : i32, message = "ep_run_kernel"}> : () -> ()
        "tpu.region"() ({
          %run_scoped3A_465 = tpu.sem_alloc : memref<!tpu.dma_semaphore, #tpu.memory_space<semaphore_mem>>
          %dma_start3A_466 = arith.constant 0 : i32
          %dma_start3A_467 = arith.constant 0 : i32
          %dma_start3A_468 = tpu.memref_slice %run_scoped3A[%rem3A_297, %dma_start3A_466, %dma_start3A_467] : memref<2x128x384xf32, #tpu.memory_space<vmem>> -> memref<1x128x384xf32, #tpu.memory_space<vmem>>
          %dma_start3A_469 = tpu.memref_squeeze %dma_start3A_468 : memref<1x128x384xf32, #tpu.memory_space<vmem>> -> memref<128x384xf32, #tpu.memory_space<vmem>>
          %dma_start3A_470 = arith.constant 0 : i32
          %dma_start3A_471 = arith.constant 0 : i32
          %dma_start3A_472 = tpu.memref_slice %run_scoped3A_17[%rem3A_299, %dma_start3A_470, %dma_start3A_471] : memref<2x1x128xi32, #tpu.memory_space<vmem>> -> memref<1x1x128xi32, #tpu.memory_space<vmem>>
          %dma_start3A_473 = tpu.memref_squeeze %dma_start3A_472 : memref<1x1x128xi32, #tpu.memory_space<vmem>> -> memref<1x128xi32, #tpu.memory_space<vmem>>
          %dma_start3A_474 = arith.constant 0 : i32
          %dma_start3A_475 = tpu.memref_slice %dma_start3A_473[%run_scoped3A_300, %dma_start3A_474] : memref<1x128xi32, #tpu.memory_space<vmem>> -> memref<1x128xi32, #tpu.memory_space<vmem>>
          %dma_start3A_476 = tpu.memref_squeeze %dma_start3A_475 : memref<1x128xi32, #tpu.memory_space<vmem>> -> memref<128xi32, #tpu.memory_space<vmem>>
          %dma_start3A_477 = arith.constant 0 : i32
          %dma_start3A_478 = arith.constant 0 : i32
          %dma_start3A_479 = tpu.memref_slice %arg6[%dma_start3A_477, %dma_start3A_478] : memref<12288x384xf32, #tpu.memory_space<hbm>> -> memref<12288x384xf32, #tpu.memory_space<hbm>>
          tpu.enqueue_indirect_dma source(%dma_start3A_469 : memref<128x384xf32, #tpu.memory_space<vmem>>) target(%dma_start3A_479 : memref<12288x384xf32, #tpu.memory_space<hbm>>) offsets(%dma_start3A_476 : memref<128xi32, #tpu.memory_space<vmem>>) semaphore(%run_scoped3A_465 : memref<!tpu.dma_semaphore, #tpu.memory_space<semaphore_mem>>)
          %dma_wait3A = arith.constant 0 : i32
          %dma_wait3A_480 = arith.constant 0 : i32
          %dma_wait3A_481 = tpu.memref_slice %run_scoped3A[%rem3A_297, %dma_wait3A, %dma_wait3A_480] : memref<2x128x384xf32, #tpu.memory_space<vmem>> -> memref<1x128x384xf32, #tpu.memory_space<vmem>>
          %dma_wait3A_482 = tpu.memref_squeeze %dma_wait3A_481 : memref<1x128x384xf32, #tpu.memory_space<vmem>> -> memref<128x384xf32, #tpu.memory_space<vmem>>
          %dma_wait3A_483 = arith.constant 0 : i32
          %dma_wait3A_484 = arith.constant 0 : i32
          %dma_wait3A_485 = tpu.memref_slice %run_scoped3A_17[%rem3A_299, %dma_wait3A_483, %dma_wait3A_484] : memref<2x1x128xi32, #tpu.memory_space<vmem>> -> memref<1x1x128xi32, #tpu.memory_space<vmem>>
          %dma_wait3A_486 = tpu.memref_squeeze %dma_wait3A_485 : memref<1x1x128xi32, #tpu.memory_space<vmem>> -> memref<1x128xi32, #tpu.memory_space<vmem>>
          %dma_wait3A_487 = arith.constant 0 : i32
          %dma_wait3A_488 = tpu.memref_slice %dma_wait3A_486[%run_scoped3A_300, %dma_wait3A_487] : memref<1x128xi32, #tpu.memory_space<vmem>> -> memref<1x128xi32, #tpu.memory_space<vmem>>
          %dma_wait3A_489 = tpu.memref_squeeze %dma_wait3A_488 : memref<1x128xi32, #tpu.memory_space<vmem>> -> memref<128xi32, #tpu.memory_space<vmem>>
          %dma_wait3A_490 = arith.constant 0 : i32
          %dma_wait3A_491 = arith.constant 0 : i32
          %dma_wait3A_492 = tpu.memref_slice %arg6[%dma_wait3A_490, %dma_wait3A_491] : memref<12288x384xf32, #tpu.memory_space<hbm>> -> memref<12288x384xf32, #tpu.memory_space<hbm>>
          tpu.wait_indirect_dma semaphore(%run_scoped3A_465 : memref<!tpu.dma_semaphore, #tpu.memory_space<semaphore_mem>>) src(%dma_wait3A_482 : memref<128x384xf32, #tpu.memory_space<vmem>>) dst(%dma_wait3A_492 : memref<12288x384xf32, #tpu.memory_space<hbm>>)
          tpu.yield
        }) : () -> ()
        %jit3A_301 = arith.constant 32 : i32
        "tpu.trace_stop"() : () -> ()
        %eq3A_302 = arith.constant 0 : i32
        %eq3A_303 = arith.cmpi eq, %jit3A_301, %eq3A_302 : i32
        %jit3A_304 = arith.constant 1 : i32
        %select_n3A_305 = arith.select %eq3A_303, %jit3A_304, %jit3A_301 : i32
        %rem3A_306 = arith.remsi %add3A_159, %select_n3A_305 : i32
        %ne3A_307 = arith.constant 0 : i32
        %ne3A_308 = arith.cmpi ne, %rem3A_306, %ne3A_307 : i32
        %lt3A_309 = arith.constant 0 : i32
        %lt3A_310 = arith.cmpi slt, %rem3A_306, %lt3A_309 : i32
        %lt3A_311 = arith.constant 0 : i32
        %lt3A_312 = arith.cmpi slt, %select_n3A_305, %lt3A_311 : i32
        %ne3A_313 = arith.xori %lt3A_310, %lt3A_312 : i1
        %and3A_314 = arith.andi %ne3A_313, %ne3A_308 : i1
        %add3A_315 = arith.addi %rem3A_306, %select_n3A_305 : i32
        %select_n3A_316 = arith.select %and3A_314, %add3A_315, %rem3A_306 : i32
        %jit3A_317 = arith.constant 32 : i32
        %eq3A_318 = arith.constant 0 : i32
        %eq3A_319 = arith.cmpi eq, %jit3A_317, %eq3A_318 : i32
        %jit3A_320 = arith.constant 1 : i32
        %select_n3A_321 = arith.select %eq3A_319, %jit3A_320, %jit3A_317 : i32
        %rem3A_322 = arith.remsi %add3A_177, %select_n3A_321 : i32
        %ne3A_323 = arith.constant 0 : i32
        %ne3A_324 = arith.cmpi ne, %rem3A_322, %ne3A_323 : i32
        %lt3A_325 = arith.constant 0 : i32
        %lt3A_326 = arith.cmpi slt, %rem3A_322, %lt3A_325 : i32
        %lt3A_327 = arith.constant 0 : i32
        %lt3A_328 = arith.cmpi slt, %select_n3A_321, %lt3A_327 : i32
        %ne3A_329 = arith.xori %lt3A_326, %lt3A_328 : i1
        %and3A_330 = arith.andi %ne3A_329, %ne3A_324 : i1
        %add3A_331 = arith.addi %rem3A_322, %select_n3A_321 : i32
        %select_n3A_332 = arith.select %and3A_330, %add3A_331, %rem3A_322 : i32
        %ne3A_333 = arith.cmpi ne, %select_n3A_316, %select_n3A_332 : i32
        %or3A_334 = arith.constant false
        %or3A_335 = arith.ori %or3A_334, %ne3A_333 : i1
        %or3A_336 = arith.constant false
        %or3A_337 = arith.ori %or3A_335, %or3A_336 : i1
        %or3A_338 = arith.ori %or3A_337, %eq3A_158 : i1
        %convert_element_type3A_339 = arith.extui %or3A_338 : i1 to i32
        %cond3A_340 = arith.constant 0 : i32
        %cond3A_341 = arith.cmpi ne, %convert_element_type3A_339, %cond3A_340 : i32
        scf.if %cond3A_341 {
        } else {
        }
        %and3A_342 = arith.constant false
        %and3A_343 = arith.andi %or3A_338, %and3A_342 : i1
        %ne3A_344 = arith.cmpi ne, %add3A_159, %add3A_177 : i32
        %or3A_345 = arith.constant false
        %or3A_346 = arith.ori %or3A_345, %ne3A_344 : i1
        %or3A_347 = arith.ori %or3A_346, %eq3A_158 : i1
        %convert_element_type3A_348 = arith.extui %or3A_347 : i1 to i32
        %cond3A_349 = arith.constant 0 : i32
        %cond3A_350 = arith.cmpi ne, %convert_element_type3A_348, %cond3A_349 : i32
        scf.if %cond3A_350 {
        } else {
        }
        %and3A_351 = arith.constant false
        %and3A_352 = arith.andi %or3A_347, %and3A_351 : i1
        %jit3A_353 = arith.constant 32 : i32
        %eq3A_354 = arith.constant 0 : i32
        %eq3A_355 = arith.cmpi eq, %jit3A_353, %eq3A_354 : i32
        %jit3A_356 = arith.constant 1 : i32
        %select_n3A_357 = arith.select %eq3A_355, %jit3A_356, %jit3A_353 : i32
        %rem3A_358 = arith.remsi %add3A_159, %select_n3A_357 : i32
        %ne3A_359 = arith.constant 0 : i32
        %ne3A_360 = arith.cmpi ne, %rem3A_358, %ne3A_359 : i32
        %lt3A_361 = arith.constant 0 : i32
        %lt3A_362 = arith.cmpi slt, %rem3A_358, %lt3A_361 : i32
        %lt3A_363 = arith.constant 0 : i32
        %lt3A_364 = arith.cmpi slt, %select_n3A_357, %lt3A_363 : i32
        %ne3A_365 = arith.xori %lt3A_362, %lt3A_364 : i1
        %and3A_366 = arith.andi %ne3A_365, %ne3A_360 : i1
        %add3A_367 = arith.addi %rem3A_358, %select_n3A_357 : i32
        %select_n3A_368 = arith.select %and3A_366, %add3A_367, %rem3A_358 : i32
        %jit3A_369 = arith.constant 32 : i32
        %eq3A_370 = arith.constant 0 : i32
        %eq3A_371 = arith.cmpi eq, %jit3A_369, %eq3A_370 : i32
        %jit3A_372 = arith.constant 1 : i32
        %select_n3A_373 = arith.select %eq3A_371, %jit3A_372, %jit3A_369 : i32
        %rem3A_374 = arith.remsi %add3A_168, %select_n3A_373 : i32
        %ne3A_375 = arith.constant 0 : i32
        %ne3A_376 = arith.cmpi ne, %rem3A_374, %ne3A_375 : i32
        %lt3A_377 = arith.constant 0 : i32
        %lt3A_378 = arith.cmpi slt, %rem3A_374, %lt3A_377 : i32
        %lt3A_379 = arith.constant 0 : i32
        %lt3A_380 = arith.cmpi slt, %select_n3A_373, %lt3A_379 : i32
        %ne3A_381 = arith.xori %lt3A_378, %lt3A_380 : i1
        %and3A_382 = arith.andi %ne3A_381, %ne3A_376 : i1
        %add3A_383 = arith.addi %rem3A_374, %select_n3A_373 : i32
        %select_n3A_384 = arith.select %and3A_382, %add3A_383, %rem3A_374 : i32
        %ne3A_385 = arith.cmpi ne, %select_n3A_368, %select_n3A_384 : i32
        %or3A_386 = arith.constant false
        %or3A_387 = arith.ori %or3A_386, %ne3A_385 : i1
        %or3A_388 = arith.constant false
        %or3A_389 = arith.ori %or3A_387, %or3A_388 : i1
        %not3A_390 = arith.constant true
        %not3A_391 = arith.xori %eq3A_156, %not3A_390 : i1
        %and3A_392 = arith.andi %or3A_389, %not3A_391 : i1
        %convert_element_type3A_393 = arith.extui %and3A_392 : i1 to i32
        %cond3A_394 = arith.constant 0 : i32
        %cond3A_395 = arith.cmpi ne, %convert_element_type3A_393, %cond3A_394 : i32
        scf.if %cond3A_395 {
        } else {
        }
        %and3A_396 = arith.constant false
        %and3A_397 = arith.andi %and3A_392, %and3A_396 : i1
        %ne3A_398 = arith.cmpi ne, %add3A_159, %add3A_168 : i32
        %or3A_399 = arith.constant false
        %or3A_400 = arith.ori %or3A_399, %ne3A_398 : i1
        %not3A_401 = arith.constant true
        %not3A_402 = arith.xori %eq3A_156, %not3A_401 : i1
        %and3A_403 = arith.andi %or3A_400, %not3A_402 : i1
        %convert_element_type3A_404 = arith.extui %and3A_403 : i1 to i32
        %cond3A_405 = arith.constant 0 : i32
        %cond3A_406 = arith.cmpi ne, %convert_element_type3A_404, %cond3A_405 : i32
        scf.if %cond3A_406 {
        } else {
        }
        %and3A_407 = arith.constant false
        %and3A_408 = arith.andi %and3A_403, %and3A_407 : i1
        %jit3A_409 = arith.constant 32 : i32
        %eq3A_410 = arith.constant 0 : i32
        %eq3A_411 = arith.cmpi eq, %jit3A_409, %eq3A_410 : i32
        %jit3A_412 = arith.constant 1 : i32
        %select_n3A_413 = arith.select %eq3A_411, %jit3A_412, %jit3A_409 : i32
        %rem3A_414 = arith.remsi %add3A_159, %select_n3A_413 : i32
        %ne3A_415 = arith.constant 0 : i32
        %ne3A_416 = arith.cmpi ne, %rem3A_414, %ne3A_415 : i32
        %lt3A_417 = arith.constant 0 : i32
        %lt3A_418 = arith.cmpi slt, %rem3A_414, %lt3A_417 : i32
        %lt3A_419 = arith.constant 0 : i32
        %lt3A_420 = arith.cmpi slt, %select_n3A_413, %lt3A_419 : i32
        %ne3A_421 = arith.xori %lt3A_418, %lt3A_420 : i1
        %and3A_422 = arith.andi %ne3A_421, %ne3A_416 : i1
        %add3A_423 = arith.addi %rem3A_414, %select_n3A_413 : i32
        %select_n3A_424 = arith.select %and3A_422, %add3A_423, %rem3A_414 : i32
        %jit3A_425 = arith.constant 32 : i32
        %eq3A_426 = arith.constant 0 : i32
        %eq3A_427 = arith.cmpi eq, %jit3A_425, %eq3A_426 : i32
        %jit3A_428 = arith.constant 1 : i32
        %select_n3A_429 = arith.select %eq3A_427, %jit3A_428, %jit3A_425 : i32
        %rem3A_430 = arith.remsi %add3A_177, %select_n3A_429 : i32
        %ne3A_431 = arith.constant 0 : i32
        %ne3A_432 = arith.cmpi ne, %rem3A_430, %ne3A_431 : i32
        %lt3A_433 = arith.constant 0 : i32
        %lt3A_434 = arith.cmpi slt, %rem3A_430, %lt3A_433 : i32
        %lt3A_435 = arith.constant 0 : i32
        %lt3A_436 = arith.cmpi slt, %select_n3A_429, %lt3A_435 : i32
        %ne3A_437 = arith.xori %lt3A_434, %lt3A_436 : i1
        %and3A_438 = arith.andi %ne3A_437, %ne3A_432 : i1
        %add3A_439 = arith.addi %rem3A_430, %select_n3A_429 : i32
        %select_n3A_440 = arith.select %and3A_438, %add3A_439, %rem3A_430 : i32
        %ne3A_441 = arith.cmpi ne, %select_n3A_424, %select_n3A_440 : i32
        %or3A_442 = arith.constant false
        %or3A_443 = arith.ori %or3A_442, %ne3A_441 : i1
        %or3A_444 = arith.constant false
        %or3A_445 = arith.ori %or3A_443, %or3A_444 : i1
        %or3A_446 = arith.ori %or3A_445, %eq3A_158 : i1
        %add3A_447 = arith.constant 1 : i32
        %add3A_448 = arith.addi %scan3A_151, %add3A_447 : i32
        %select_n3A_449 = arith.select %or3A_446, %add3A_448, %scan3A_151 : i32
        %ne3A_450 = arith.cmpi ne, %add3A_159, %add3A_177 : i32
        %or3A_451 = arith.constant false
        %or3A_452 = arith.ori %or3A_451, %ne3A_450 : i1
        %or3A_453 = arith.ori %or3A_452, %eq3A_158 : i1
        %add3A_454 = arith.constant 1 : i32
        %add3A_455 = arith.addi %scan3A_153, %add3A_454 : i32
        %select_n3A_456 = arith.select %or3A_453, %add3A_455, %scan3A_153 : i32
        %add3A_457 = arith.constant 1 : i32
        %add3A_458 = arith.addi %scan3A_154, %add3A_457 : i32
        %select_n3A_459 = arith.constant true
        %select_n3A_460 = arith.select %select_n3A_459, %add3A_458, %scan3A_154 : i32
        %eq3A_461 = arith.constant 2 : i32
        %eq3A_462 = arith.cmpi eq, %select_n3A_460, %eq3A_461 : i32
        %select_n3A_463 = arith.constant 0 : i32
        %select_n3A_464 = arith.select %eq3A_462, %select_n3A_463, %select_n3A_460 : i32
        scf.yield %select_n3A_231, %select_n3A_449, %select_n3A_247, %select_n3A_456, %select_n3A_464 : i32, i32, i32, i32, i32
      }
      %scan3A_113 = arith.constant 2 : i32
      %sub3A = arith.constant 1 : i32
      %sub3A_114 = arith.subi %scan3A_112#4, %sub3A : i32
      %select_n3A_115 = arith.constant true
      %select_n3A_116 = arith.select %select_n3A_115, %sub3A_114, %scan3A_112#4 : i32
      %eq3A_117 = arith.constant -1 : i32
      %eq3A_118 = arith.cmpi eq, %select_n3A_116, %eq3A_117 : i32
      %select_n3A_119 = arith.constant 1 : i32
      %select_n3A_120 = arith.select %eq3A_118, %select_n3A_119, %select_n3A_116 : i32
      %add3A_121 = arith.addi %select_n3A_120, %mul3A_15 : i32
      %sub3A_122 = arith.constant 1 : i32
      %sub3A_123 = arith.subi %select_n3A_120, %sub3A_122 : i32
      %select_n3A_124 = arith.constant true
      %select_n3A_125 = arith.select %select_n3A_124, %sub3A_123, %select_n3A_120 : i32
      %eq3A_126 = arith.constant -1 : i32
      %eq3A_127 = arith.cmpi eq, %select_n3A_125, %eq3A_126 : i32
      %select_n3A_128 = arith.constant 1 : i32
      %select_n3A_129 = arith.select %eq3A_127, %select_n3A_128, %select_n3A_125 : i32
      %add3A_130 = arith.addi %select_n3A_129, %mul3A_15 : i32
      %add3A_131 = arith.constant 1 : i32
      %add3A_132 = arith.addi %select_n3A_120, %add3A_131 : i32
      %select_n3A_133 = arith.constant true
      %select_n3A_134 = arith.select %select_n3A_133, %add3A_132, %select_n3A_120 : i32
      %eq3A_135 = arith.constant 2 : i32
      %eq3A_136 = arith.cmpi eq, %select_n3A_134, %eq3A_135 : i32
      %select_n3A_137 = arith.constant 0 : i32
      %select_n3A_138 = arith.select %eq3A_136, %select_n3A_137, %select_n3A_134 : i32
      %add3A_139 = arith.addi %select_n3A_138, %mul3A_15 : i32
      %add3A_140 = arith.constant 1 : i32
      %add3A_141 = arith.addi %select_n3A_138, %add3A_140 : i32
      %select_n3A_142 = arith.constant true
      %select_n3A_143 = arith.select %select_n3A_142, %add3A_141, %select_n3A_138 : i32
      %eq3A_144 = arith.constant 2 : i32
      %eq3A_145 = arith.cmpi eq, %select_n3A_143, %eq3A_144 : i32
      %select_n3A_146 = arith.constant 0 : i32
      %select_n3A_147 = arith.select %eq3A_145, %select_n3A_146, %select_n3A_143 : i32
      %add3A_148 = arith.addi %select_n3A_147, %mul3A_15 : i32
      tpu.yield
    }) : () -> ()
    return
  }
}

module attributes {stable_mosaic.version = 14 : i64} {
  func.func @_route_kernel(%arg0: i32, %arg1: memref<4096x768xf32, #tpu.memory_space<vmem>>, %arg2: memref<8x768xf32, #tpu.memory_space<vmem>>, %arg3: memref<4096x1xf32, #tpu.memory_space<vmem>>, %arg4: memref<4096x1xf32, #tpu.memory_space<vmem>>, %arg5: memref<8192x1xi32, #tpu.memory_space<vmem>>, %arg6: memref<24x1xi32, #tpu.memory_space<vmem>>, %arg7: memref<1x8xi32, #tpu.memory_space<vmem>>, %arg8: memref<4096x384xf32, #tpu.memory_space<vmem>>, %arg9: memref<4096x384xf32, #tpu.memory_space<vmem>>, %arg10: memref<4096x8xbf16, #tpu.memory_space<vmem>>, %arg11: memref<4096x1xi32, #tpu.memory_space<vmem>>, %arg12: memref<4096x1xi32, #tpu.memory_space<vmem>>, %arg13: memref<512x512xbf16, #tpu.memory_space<vmem>>) attributes {dimension_semantics = [#tpu.dimension_semantics<arbitrary>], iteration_bounds = array<i64: 1>, scalar_prefetch = 0 : i64, scratch_operands = 4 : i64, tpu.core_type = #tpu.core_type<tc>, window_params = [{pipeline_mode = #tpu.pipeline_mode<synchronous>, transform_indices = @transform_0, window_bounds = array<i64: 4096, 768>}, {pipeline_mode = #tpu.pipeline_mode<synchronous>, transform_indices = @transform_1, window_bounds = array<i64: 8, 768>}, {pipeline_mode = #tpu.pipeline_mode<synchronous>, transform_indices = @transform_2, window_bounds = array<i64: 4096, 1>}, {pipeline_mode = #tpu.pipeline_mode<synchronous>, transform_indices = @transform_3, window_bounds = array<i64: 4096, 1>}, {pipeline_mode = #tpu.pipeline_mode<synchronous>, transform_indices = @transform_4, window_bounds = array<i64: 8192, 1>}, {pipeline_mode = #tpu.pipeline_mode<synchronous>, transform_indices = @transform_5, window_bounds = array<i64: 24, 1>}, {pipeline_mode = #tpu.pipeline_mode<synchronous>, transform_indices = @transform_6, window_bounds = array<i64: 1, 8>}, {pipeline_mode = #tpu.pipeline_mode<synchronous>, transform_indices = @transform_7, window_bounds = array<i64: 4096, 384>}, {pipeline_mode = #tpu.pipeline_mode<synchronous>, transform_indices = @transform_8, window_bounds = array<i64: 4096, 384>}]} {
    %iota3A = tpu.iota {dimensions = array<i32: 0>} : vector<512x512xi32>
    %iota3A_0 = tpu.iota {dimensions = array<i32: 1>} : vector<512x512xi32>
    %gt3A = arith.cmpi sgt, %iota3A, %iota3A_0 : vector<512x512xi32>
    %jit3A = arith.constant 1.000000e+00 : f32
    %jit3A_1 = arith.constant 0.000000e+00 : f32
    %broadcast_in_dim3A = vector.broadcast %jit3A : f32 to vector<512x512xf32>
    %broadcast_in_dim3A_2 = vector.broadcast %jit3A_1 : f32 to vector<512x512xf32>
    %select_n3A = arith.select %gt3A, %broadcast_in_dim3A, %broadcast_in_dim3A_2 : vector<512x512xi1>, vector<512x512xf32>
    %convert_element_type3A = arith.truncf %select_n3A : vector<512x512xf32> to vector<512x512xbf16>
    %swap3A = arith.constant 0 : index
    %swap3A_3 = arith.constant 0 : index
    %swap3A_4 = vector.load %arg13[%swap3A, %swap3A_3] : memref<512x512xbf16, #tpu.memory_space<vmem>>, vector<512x512xbf16>
    tpu.vector_store %arg13[%swap3A, %swap3A_3], %convert_element_type3A {strides = array<i32>} : memref<512x512xbf16, #tpu.memory_space<vmem>>, vector<512x512xbf16>,
    %broadcast_in_dim3A_5 = arith.constant 0.000000e+00 : f32
    %broadcast_in_dim3A_6 = vector.broadcast %broadcast_in_dim3A_5 : f32 to vector<1x8xf32>
    %scan3A = arith.constant 0 : i32
    %scan3A_7 = arith.constant 8 : i32
    %scan3A_8 = arith.addi %scan3A, %scan3A_7 : i32
    %scan3A_9 = arith.constant 1 : i32
    %scan3A_10 = scf.for %scan3A_62 = %scan3A to %scan3A_8 step %scan3A_9 iter_args(%scan3A_63 = %broadcast_in_dim3A_6) -> (vector<1x8xf32>)  : i32 {
      %mul3A_64 = arith.constant 512 : i32
      %mul3A_65 = arith.muli %scan3A_62, %mul3A_64 : i32
      %get3A = arith.index_cast %mul3A_65 : i32 to index
      %get3A_66 = arith.constant 0 : index
      %get3A_67 = vector.load %arg1[%get3A, %get3A_66] : memref<4096x768xf32, #tpu.memory_space<vmem>>, vector<512x768xf32>
      %get3A_68 = arith.constant 0 : index
      %get3A_69 = arith.constant 0 : index
      %get3A_70 = vector.load %arg2[%get3A_68, %get3A_69] : memref<8x768xf32, #tpu.memory_space<vmem>>, vector<8x768xf32>
      %dot_general3A_71 = arith.constant dense<0.000000e+00> : vector<512x8xf32>
      %dot_general3A_72 = tpu.matmul %get3A_67, %get3A_70, %dot_general3A_71 {dimension_numbers = #tpu.dot_dimension_numbers<[1], [1], [0], [0], [0, 0, 1, 0], [], []>, transpose_lhs_hint = false} : vector<512x768xf32>, vector<8x768xf32>, vector<512x8xf32> -> vector<512x8xf32>
      %get3A_73 = arith.index_cast %mul3A_65 : i32 to index
      %get3A_74 = arith.constant 0 : index
      %get3A_75 = vector.load %arg1[%get3A_73, %get3A_74] : memref<4096x768xf32, #tpu.memory_space<vmem>>, vector<512x384xf32>
      %swap3A_76 = arith.index_cast %mul3A_65 : i32 to index
      %swap3A_77 = arith.constant 0 : index
      %swap3A_78 = vector.load %arg8[%swap3A_76, %swap3A_77] : memref<4096x384xf32, #tpu.memory_space<vmem>>, vector<512x384xf32>
      tpu.vector_store %arg8[%swap3A_76, %swap3A_77], %get3A_75 {strides = array<i32>} : memref<4096x384xf32, #tpu.memory_space<vmem>>, vector<512x384xf32>,
      %get3A_79 = arith.index_cast %mul3A_65 : i32 to index
      %get3A_80 = arith.constant 384 : index
      %get3A_81 = vector.load %arg1[%get3A_79, %get3A_80] : memref<4096x768xf32, #tpu.memory_space<vmem>>, vector<512x384xf32>
      %swap3A_82 = arith.index_cast %mul3A_65 : i32 to index
      %swap3A_83 = arith.constant 0 : index
      %swap3A_84 = vector.load %arg9[%swap3A_82, %swap3A_83] : memref<4096x384xf32, #tpu.memory_space<vmem>>, vector<512x384xf32>
      tpu.vector_store %arg9[%swap3A_82, %swap3A_83], %get3A_81 {strides = array<i32>} : memref<4096x384xf32, #tpu.memory_space<vmem>>, vector<512x384xf32>,
      %iota3A_85 = tpu.iota {dimensions = array<i32: 1>} : vector<512x8xi32>
      %reduce_max3A = arith.constant dense<0xFF800000> : vector<512xf32>
      %reduce_max3A_86 = vector.multi_reduction <maximumf>, %dot_general3A_72, %reduce_max3A [1] : vector<512x8xf32> to vector<512xf32>
      %broadcast_in_dim3A_87 = vector.shape_cast %reduce_max3A_86 : vector<512xf32> to vector<512x1xf32>
      %eq3A = vector.broadcast %broadcast_in_dim3A_87 : vector<512x1xf32> to vector<512x8xf32>
      %eq3A_88 = arith.cmpf oeq, %dot_general3A_72, %eq3A : vector<512x8xf32>
      %jit3A_89 = arith.constant 8 : i32
      %broadcast_in_dim3A_90 = vector.broadcast %jit3A_89 : i32 to vector<512x8xi32>
      %select_n3A_91 = arith.select %eq3A_88, %iota3A_85, %broadcast_in_dim3A_90 : vector<512x8xi1>, vector<512x8xi32>
      %reduce_min3A = arith.constant dense<2147483647> : vector<512xi32>
      %reduce_min3A_92 = vector.multi_reduction <minsi>, %select_n3A_91, %reduce_min3A [1] : vector<512x8xi32> to vector<512xi32>
      %broadcast_in_dim3A_93 = vector.shape_cast %reduce_min3A_92 : vector<512xi32> to vector<512x1xi32>
      %eq3A_94 = vector.broadcast %broadcast_in_dim3A_93 : vector<512x1xi32> to vector<512x8xi32>
      %eq3A_95 = arith.cmpi eq, %iota3A_85, %eq3A_94 : vector<512x8xi32>
      %jit3A_96 = arith.constant 0xFF800000 : f32
      %broadcast_in_dim3A_97 = vector.broadcast %jit3A_96 : f32 to vector<512x8xf32>
      %select_n3A_98 = arith.select %eq3A_95, %broadcast_in_dim3A_97, %dot_general3A_72 : vector<512x8xi1>, vector<512x8xf32>
      %reduce_max3A_99 = arith.constant dense<0xFF800000> : vector<512xf32>
      %reduce_max3A_100 = vector.multi_reduction <maximumf>, %select_n3A_98, %reduce_max3A_99 [1] : vector<512x8xf32> to vector<512xf32>
      %broadcast_in_dim3A_101 = vector.shape_cast %reduce_max3A_100 : vector<512xf32> to vector<512x1xf32>
      %eq3A_102 = vector.broadcast %broadcast_in_dim3A_101 : vector<512x1xf32> to vector<512x8xf32>
      %eq3A_103 = arith.cmpf oeq, %select_n3A_98, %eq3A_102 : vector<512x8xf32>
      %jit3A_104 = arith.constant 8 : i32
      %broadcast_in_dim3A_105 = vector.broadcast %jit3A_104 : i32 to vector<512x8xi32>
      %select_n3A_106 = arith.select %eq3A_103, %iota3A_85, %broadcast_in_dim3A_105 : vector<512x8xi1>, vector<512x8xi32>
      %reduce_min3A_107 = arith.constant dense<2147483647> : vector<512xi32>
      %reduce_min3A_108 = vector.multi_reduction <minsi>, %select_n3A_106, %reduce_min3A_107 [1] : vector<512x8xi32> to vector<512xi32>
      %broadcast_in_dim3A_109 = vector.shape_cast %reduce_min3A_108 : vector<512xi32> to vector<512x1xi32>
      %sub3A = arith.subf %broadcast_in_dim3A_101, %broadcast_in_dim3A_87 : vector<512x1xf32>
      %exp3A = math.exp %sub3A : vector<512x1xf32>
      %add3A_110 = arith.constant 1.000000e+00 : f32
      %add3A_111 = vector.broadcast %add3A_110 : f32 to vector<512x1xf32>
      %add3A_112 = arith.addf %add3A_111, %exp3A : vector<512x1xf32>
      %div3A = arith.constant 1.000000e+00 : f32
      %div3A_113 = vector.broadcast %div3A : f32 to vector<512x1xf32>
      %div3A_114 = arith.divf %div3A_113, %add3A_112 : vector<512x1xf32>
      %swap3A_115 = arith.index_cast %mul3A_65 : i32 to index
      %swap3A_116 = arith.constant 0 : index
      %swap3A_117 = vector.load %arg3[%swap3A_115, %swap3A_116] : memref<4096x1xf32, #tpu.memory_space<vmem>>, vector<512x1xf32>
      tpu.vector_store %arg3[%swap3A_115, %swap3A_116], %div3A_114 {strides = array<i32>} : memref<4096x1xf32, #tpu.memory_space<vmem>>, vector<512x1xf32>,
      %add3A_118 = arith.constant 1.000000e+00 : f32
      %add3A_119 = vector.broadcast %add3A_118 : f32 to vector<512x1xf32>
      %add3A_120 = arith.addf %add3A_119, %exp3A : vector<512x1xf32>
      %div3A_121 = arith.divf %exp3A, %add3A_120 : vector<512x1xf32>
      %swap3A_122 = arith.index_cast %mul3A_65 : i32 to index
      %swap3A_123 = arith.constant 0 : index
      %swap3A_124 = vector.load %arg4[%swap3A_122, %swap3A_123] : memref<4096x1xf32, #tpu.memory_space<vmem>>, vector<512x1xf32>
      tpu.vector_store %arg4[%swap3A_122, %swap3A_123], %div3A_121 {strides = array<i32>} : memref<4096x1xf32, #tpu.memory_space<vmem>>, vector<512x1xf32>,
      %eq3A_125 = vector.broadcast %broadcast_in_dim3A_93 : vector<512x1xi32> to vector<512x8xi32>
      %eq3A_126 = arith.cmpi eq, %iota3A_85, %eq3A_125 : vector<512x8xi32>
      %jit3A_127 = arith.constant 1.000000e+00 : f32
      %jit3A_128 = arith.constant 0.000000e+00 : f32
      %broadcast_in_dim3A_129 = vector.broadcast %jit3A_127 : f32 to vector<512x8xf32>
      %broadcast_in_dim3A_130 = vector.broadcast %jit3A_128 : f32 to vector<512x8xf32>
      %select_n3A_131 = arith.select %eq3A_126, %broadcast_in_dim3A_129, %broadcast_in_dim3A_130 : vector<512x8xi1>, vector<512x8xf32>
      %eq3A_132 = vector.broadcast %broadcast_in_dim3A_109 : vector<512x1xi32> to vector<512x8xi32>
      %eq3A_133 = arith.cmpi eq, %iota3A_85, %eq3A_132 : vector<512x8xi32>
      %jit3A_134 = arith.constant 1.000000e+00 : f32
      %jit3A_135 = arith.constant 0.000000e+00 : f32
      %broadcast_in_dim3A_136 = vector.broadcast %jit3A_134 : f32 to vector<512x8xf32>
      %broadcast_in_dim3A_137 = vector.broadcast %jit3A_135 : f32 to vector<512x8xf32>
      %select_n3A_138 = arith.select %eq3A_133, %broadcast_in_dim3A_136, %broadcast_in_dim3A_137 : vector<512x8xi1>, vector<512x8xf32>
      %add3A_139 = arith.addf %select_n3A_131, %select_n3A_138 : vector<512x8xf32>
      %convert_element_type3A_140 = arith.truncf %add3A_139 : vector<512x8xf32> to vector<512x8xbf16>
      %swap3A_141 = arith.index_cast %mul3A_65 : i32 to index
      %swap3A_142 = arith.constant 0 : index
      %swap3A_143 = vector.load %arg10[%swap3A_141, %swap3A_142] : memref<4096x8xbf16, #tpu.memory_space<vmem>>, vector<512x8xbf16>
      tpu.vector_store %arg10[%swap3A_141, %swap3A_142], %convert_element_type3A_140 {strides = array<i32>} : memref<4096x8xbf16, #tpu.memory_space<vmem>>, vector<512x8xbf16>,
      %swap3A_144 = arith.index_cast %mul3A_65 : i32 to index
      %swap3A_145 = arith.constant 0 : index
      %swap3A_146 = vector.load %arg11[%swap3A_144, %swap3A_145] : memref<4096x1xi32, #tpu.memory_space<vmem>>, vector<512x1xi32>
      tpu.vector_store %arg11[%swap3A_144, %swap3A_145], %broadcast_in_dim3A_93 {strides = array<i32>} : memref<4096x1xi32, #tpu.memory_space<vmem>>, vector<512x1xi32>,
      %swap3A_147 = arith.index_cast %mul3A_65 : i32 to index
      %swap3A_148 = arith.constant 0 : index
      %swap3A_149 = vector.load %arg12[%swap3A_147, %swap3A_148] : memref<4096x1xi32, #tpu.memory_space<vmem>>, vector<512x1xi32>
      tpu.vector_store %arg12[%swap3A_147, %swap3A_148], %broadcast_in_dim3A_109 {strides = array<i32>} : memref<4096x1xi32, #tpu.memory_space<vmem>>, vector<512x1xi32>,
      %reduce_sum3A_150 = arith.constant dense<0.000000e+00> : vector<8xf32>
      %reduce_sum3A_151 = vector.multi_reduction <add>, %add3A_139, %reduce_sum3A_150 [0] : vector<512x8xf32> to vector<8xf32>
      %broadcast_in_dim3A_152 = vector.shape_cast %reduce_sum3A_151 : vector<8xf32> to vector<1x8xf32>
      %add3A_153 = arith.addf %scan3A_63, %broadcast_in_dim3A_152 : vector<1x8xf32>
      scf.yield %add3A_153 : vector<1x8xf32>
    }
    %scan3A_11 = arith.constant 8 : i32
    %mul3A = arith.constant 0.001953125 : f32
    %mul3A_12 = vector.broadcast %mul3A : f32 to vector<1x8xf32>
    %mul3A_13 = arith.mulf %scan3A_10, %mul3A_12 : vector<1x8xf32>
    %ceil3A = math.ceil %mul3A_13 : vector<1x8xf32>
    %mul3A_14 = arith.constant 5.120000e+02 : f32
    %mul3A_15 = vector.broadcast %mul3A_14 : f32 to vector<1x8xf32>
    %mul3A_16 = arith.mulf %ceil3A, %mul3A_15 : vector<1x8xf32>
    %broadcast_in_dim3A_17 = vector.shape_cast %mul3A_16 : vector<1x8xf32> to vector<1x8xf32>
    %broadcast_in_dim3A_18 = vector.broadcast %broadcast_in_dim3A_17 : vector<1x8xf32> to vector<8x8xf32>
    %iota3A_19 = tpu.iota {dimensions = array<i32: 0>} : vector<8x128xi32>
    %iota3A_20 = tpu.iota {dimensions = array<i32: 1>} : vector<8x128xi32>
    %lt3A = arith.cmpi slt, %iota3A_19, %iota3A_20 : vector<8x128xi32>
    %jit3A_21 = arith.constant 1.000000e+00 : f32
    %jit3A_22 = arith.constant 0.000000e+00 : f32
    %broadcast_in_dim3A_23 = vector.broadcast %jit3A_21 : f32 to vector<8x128xf32>
    %broadcast_in_dim3A_24 = vector.broadcast %jit3A_22 : f32 to vector<8x128xf32>
    %select_n3A_25 = arith.select %lt3A, %broadcast_in_dim3A_23, %broadcast_in_dim3A_24 : vector<8x128xi1>, vector<8x128xf32>
    %dot_general3A = arith.constant dense<0.000000e+00> : vector<8x128xf32>
    %dot_general3A_26 = tpu.matmul %broadcast_in_dim3A_18, %select_n3A_25, %dot_general3A {dimension_numbers = #tpu.dot_dimension_numbers<[1], [0], [0], [1], [0, 0, 1, 1], [], []>, transpose_lhs_hint = false} : vector<8x8xf32>, vector<8x128xf32>, vector<8x128xf32> -> vector<8x128xf32>
    %slice3A = vector.extract_strided_slice %dot_general3A_26 {offsets = [0, 0], sizes = [1, 8], strides = [1, 1]} : vector<8x128xf32> to vector<1x8xf32>
    %add3A = arith.addf %slice3A, %mul3A_16 : vector<1x8xf32>
    %mul3A_27 = arith.constant 0.001953125 : f32
    %mul3A_28 = vector.broadcast %mul3A_27 : f32 to vector<1x8xf32>
    %mul3A_29 = arith.mulf %mul3A_16, %mul3A_28 : vector<1x8xf32>
    %convert_element_type3A_30 = arith.fptosi %mul3A_29 : vector<1x8xf32> to vector<1x8xi32>
    %swap3A_31 = arith.constant 0 : index
    %swap3A_32 = arith.constant 0 : index
    %swap3A_33 = vector.load %arg7[%swap3A_31, %swap3A_32] : memref<1x8xi32, #tpu.memory_space<vmem>>, vector<1x8xi32>
    tpu.vector_store %arg7[%swap3A_31, %swap3A_32], %convert_element_type3A_30 {strides = array<i32>} : memref<1x8xi32, #tpu.memory_space<vmem>>, vector<1x8xi32>,
    %broadcast_in_dim3A_34 = vector.shape_cast %add3A : vector<1x8xf32> to vector<1x8xf32>
    %broadcast_in_dim3A_35 = vector.broadcast %broadcast_in_dim3A_34 : vector<1x8xf32> to vector<24x8xf32>
    %iota3A_36 = tpu.iota {dimensions = array<i32: 0>} : vector<24x8xi32>
    %mul3A_37 = arith.constant 512 : i32
    %mul3A_38 = vector.broadcast %mul3A_37 : i32 to vector<24x8xi32>
    %mul3A_39 = arith.muli %iota3A_36, %mul3A_38 : vector<24x8xi32>
    %convert_element_type3A_40 = arith.sitofp %mul3A_39 : vector<24x8xi32> to vector<24x8xf32>
    %le3A = arith.cmpf ole, %broadcast_in_dim3A_35, %convert_element_type3A_40 : vector<24x8xf32>
    %jit3A_41 = arith.constant 1.000000e+00 : f32
    %jit3A_42 = arith.constant 0.000000e+00 : f32
    %broadcast_in_dim3A_43 = vector.broadcast %jit3A_41 : f32 to vector<24x8xf32>
    %broadcast_in_dim3A_44 = vector.broadcast %jit3A_42 : f32 to vector<24x8xf32>
    %select_n3A_45 = arith.select %le3A, %broadcast_in_dim3A_43, %broadcast_in_dim3A_44 : vector<24x8xi1>, vector<24x8xf32>
    %reduce_sum3A = arith.constant dense<0.000000e+00> : vector<24xf32>
    %reduce_sum3A_46 = vector.multi_reduction <add>, %select_n3A_45, %reduce_sum3A [1] : vector<24x8xf32> to vector<24xf32>
    %broadcast_in_dim3A_47 = vector.shape_cast %reduce_sum3A_46 : vector<24xf32> to vector<24x1xf32>
    %min3A = arith.constant 7.000000e+00 : f32
    %min3A_48 = vector.broadcast %min3A : f32 to vector<24x1xf32>
    %min3A_49 = arith.minimumf %broadcast_in_dim3A_47, %min3A_48 : vector<24x1xf32>
    %convert_element_type3A_50 = arith.fptosi %min3A_49 : vector<24x1xf32> to vector<24x1xi32>
    %swap3A_51 = arith.constant 0 : index
    %swap3A_52 = arith.constant 0 : index
    %swap3A_53 = vector.load %arg6[%swap3A_51, %swap3A_52] : memref<24x1xi32, #tpu.memory_space<vmem>>, vector<24x1xi32>
    tpu.vector_store %arg6[%swap3A_51, %swap3A_52], %convert_element_type3A_50 {strides = array<i32>} : memref<24x1xi32, #tpu.memory_space<vmem>>, vector<24x1xi32>,
    %broadcast_in_dim3A_54 = arith.constant 0.000000e+00 : f32
    %broadcast_in_dim3A_55 = vector.broadcast %broadcast_in_dim3A_54 : f32 to vector<1x8xf32>
    %scan3A_56 = arith.constant 0 : i32
    %scan3A_57 = arith.constant 8 : i32
    %scan3A_58 = arith.addi %scan3A_56, %scan3A_57 : i32
    %scan3A_59 = arith.constant 1 : i32
    %scan3A_60 = scf.for %scan3A_62 = %scan3A_56 to %scan3A_58 step %scan3A_59 iter_args(%scan3A_63 = %broadcast_in_dim3A_55) -> (vector<1x8xf32>)  : i32 {
      %mul3A_64 = arith.constant 512 : i32
      %mul3A_65 = arith.muli %scan3A_62, %mul3A_64 : i32
      %get3A = arith.index_cast %mul3A_65 : i32 to index
      %get3A_66 = arith.constant 0 : index
      %get3A_67 = vector.load %arg10[%get3A, %get3A_66] : memref<4096x8xbf16, #tpu.memory_space<vmem>>, vector<512x8xbf16>
      %get3A_68 = arith.index_cast %mul3A_65 : i32 to index
      %get3A_69 = arith.constant 0 : index
      %get3A_70 = vector.load %arg11[%get3A_68, %get3A_69] : memref<4096x1xi32, #tpu.memory_space<vmem>>, vector<512x1xi32>
      %get3A_71 = arith.index_cast %mul3A_65 : i32 to index
      %get3A_72 = arith.constant 0 : index
      %get3A_73 = vector.load %arg12[%get3A_71, %get3A_72] : memref<4096x1xi32, #tpu.memory_space<vmem>>, vector<512x1xi32>
      %iota3A_74 = tpu.iota {dimensions = array<i32: 1>} : vector<512x8xi32>
      %get3A_75 = arith.constant 0 : index
      %get3A_76 = arith.constant 0 : index
      %get3A_77 = vector.load %arg13[%get3A_75, %get3A_76] : memref<512x512xbf16, #tpu.memory_space<vmem>>, vector<512x512xbf16>
      %dot_general3A_78 = arith.constant dense<0.000000e+00> : vector<512x8xf32>
      %dot_general3A_79 = tpu.matmul %get3A_77, %get3A_67, %dot_general3A_78 {dimension_numbers = #tpu.dot_dimension_numbers<[1], [0], [0], [1], [0, 0, 1, 1], [], []>, transpose_lhs_hint = false} : vector<512x512xbf16>, vector<512x8xbf16>, vector<512x8xf32> -> vector<512x8xf32>
      %add3A_80 = vector.broadcast %scan3A_63 : vector<1x8xf32> to vector<512x8xf32>
      %add3A_81 = arith.addf %dot_general3A_79, %add3A_80 : vector<512x8xf32>
      %broadcast_in_dim3A_82 = vector.shape_cast %slice3A : vector<1x8xf32> to vector<1x8xf32>
      %broadcast_in_dim3A_83 = vector.broadcast %broadcast_in_dim3A_82 : vector<1x8xf32> to vector<512x8xf32>
      %eq3A = vector.broadcast %get3A_70 : vector<512x1xi32> to vector<512x8xi32>
      %eq3A_84 = arith.cmpi eq, %iota3A_74, %eq3A : vector<512x8xi32>
      %add3A_85 = arith.addf %add3A_81, %broadcast_in_dim3A_83 : vector<512x8xf32>
      %jit3A_86 = arith.constant 0.000000e+00 : f32
      %broadcast_in_dim3A_87 = vector.broadcast %jit3A_86 : f32 to vector<512x8xf32>
      %select_n3A_88 = arith.select %eq3A_84, %add3A_85, %broadcast_in_dim3A_87 : vector<512x8xi1>, vector<512x8xf32>
      %reduce_sum3A_89 = arith.constant dense<0.000000e+00> : vector<512xf32>
      %reduce_sum3A_90 = vector.multi_reduction <add>, %select_n3A_88, %reduce_sum3A_89 [1] : vector<512x8xf32> to vector<512xf32>
      %broadcast_in_dim3A_91 = vector.shape_cast %reduce_sum3A_90 : vector<512xf32> to vector<512x1xf32>
      %eq3A_92 = vector.broadcast %get3A_73 : vector<512x1xi32> to vector<512x8xi32>
      %eq3A_93 = arith.cmpi eq, %iota3A_74, %eq3A_92 : vector<512x8xi32>
      %add3A_94 = arith.addf %add3A_81, %broadcast_in_dim3A_83 : vector<512x8xf32>
      %jit3A_95 = arith.constant 0.000000e+00 : f32
      %broadcast_in_dim3A_96 = vector.broadcast %jit3A_95 : f32 to vector<512x8xf32>
      %select_n3A_97 = arith.select %eq3A_93, %add3A_94, %broadcast_in_dim3A_96 : vector<512x8xi1>, vector<512x8xf32>
      %reduce_sum3A_98 = arith.constant dense<0.000000e+00> : vector<512xf32>
      %reduce_sum3A_99 = vector.multi_reduction <add>, %select_n3A_97, %reduce_sum3A_98 [1] : vector<512x8xf32> to vector<512xf32>
      %broadcast_in_dim3A_100 = vector.shape_cast %reduce_sum3A_99 : vector<512xf32> to vector<512x1xf32>
      %convert_element_type3A_101 = arith.fptosi %broadcast_in_dim3A_91 : vector<512x1xf32> to vector<512x1xi32>
      %swap3A_102 = arith.index_cast %mul3A_65 : i32 to index
      %swap3A_103 = arith.constant 0 : index
      %swap3A_104 = vector.load %arg5[%swap3A_102, %swap3A_103] : memref<8192x1xi32, #tpu.memory_space<vmem>>, vector<512x1xi32>
      tpu.vector_store %arg5[%swap3A_102, %swap3A_103], %convert_element_type3A_101 {strides = array<i32>} : memref<8192x1xi32, #tpu.memory_space<vmem>>, vector<512x1xi32>,
      %convert_element_type3A_105 = arith.fptosi %broadcast_in_dim3A_100 : vector<512x1xf32> to vector<512x1xi32>
      %mul3A_106 = arith.constant 512 : i32
      %mul3A_107 = arith.muli %scan3A_62, %mul3A_106 : i32
      %add3A_108 = arith.constant 4096 : i32
      %add3A_109 = arith.addi %add3A_108, %mul3A_107 : i32
      %swap3A_110 = arith.index_cast %add3A_109 : i32 to index
      %swap3A_111 = arith.constant 0 : index
      %swap3A_112 = vector.load %arg5[%swap3A_110, %swap3A_111] : memref<8192x1xi32, #tpu.memory_space<vmem>>, vector<512x1xi32>
      tpu.vector_store %arg5[%swap3A_110, %swap3A_111], %convert_element_type3A_105 {strides = array<i32>} : memref<8192x1xi32, #tpu.memory_space<vmem>>, vector<512x1xi32>,
      %convert_element_type3A_113 = arith.extf %get3A_67 : vector<512x8xbf16> to vector<512x8xf32>
      %reduce_sum3A_114 = arith.constant dense<0.000000e+00> : vector<8xf32>
      %reduce_sum3A_115 = vector.multi_reduction <add>, %convert_element_type3A_113, %reduce_sum3A_114 [0] : vector<512x8xf32> to vector<8xf32>
      %broadcast_in_dim3A_116 = vector.shape_cast %reduce_sum3A_115 : vector<8xf32> to vector<1x8xf32>
      %add3A_117 = arith.addf %scan3A_63, %broadcast_in_dim3A_116 : vector<1x8xf32>
      scf.yield %add3A_117 : vector<1x8xf32>
    }
    %scan3A_61 = arith.constant 8 : i32
    return
  }
  func.func @transform_0(%arg0: i32) -> (i32, i32) {
    %c0_i32 = arith.constant 0 : i32
    %c0_i32_0 = arith.constant 0 : i32
    %c0_i32_1 = arith.constant 0 : i32
    return %c0_i32, %c0_i32_0 : i32, i32
  }
  func.func @transform_1(%arg0: i32) -> (i32, i32) {
    %c0_i32 = arith.constant 0 : i32
    %c0_i32_0 = arith.constant 0 : i32
    %c0_i32_1 = arith.constant 0 : i32
    return %c0_i32, %c0_i32_0 : i32, i32
  }
  func.func @transform_2(%arg0: i32) -> (i32, i32) {
    %c0_i32 = arith.constant 0 : i32
    %c0_i32_0 = arith.constant 0 : i32
    %c0_i32_1 = arith.constant 0 : i32
    return %c0_i32, %c0_i32_0 : i32, i32
  }
  func.func @transform_3(%arg0: i32) -> (i32, i32) {
    %c0_i32 = arith.constant 0 : i32
    %c0_i32_0 = arith.constant 0 : i32
    %c0_i32_1 = arith.constant 0 : i32
    return %c0_i32, %c0_i32_0 : i32, i32
  }
  func.func @transform_4(%arg0: i32) -> (i32, i32) {
    %c0_i32 = arith.constant 0 : i32
    %c0_i32_0 = arith.constant 0 : i32
    %c0_i32_1 = arith.constant 0 : i32
    return %c0_i32, %c0_i32_0 : i32, i32
  }
  func.func @transform_5(%arg0: i32) -> (i32, i32) {
    %c0_i32 = arith.constant 0 : i32
    %c0_i32_0 = arith.constant 0 : i32
    %c0_i32_1 = arith.constant 0 : i32
    return %c0_i32, %c0_i32_0 : i32, i32
  }
  func.func @transform_6(%arg0: i32) -> (i32, i32) {
    %c0_i32 = arith.constant 0 : i32
    %c0_i32_0 = arith.constant 0 : i32
    %c0_i32_1 = arith.constant 0 : i32
    return %c0_i32, %c0_i32_0 : i32, i32
  }
  func.func @transform_7(%arg0: i32) -> (i32, i32) {
    %c0_i32 = arith.constant 0 : i32
    %c0_i32_0 = arith.constant 0 : i32
    %c0_i32_1 = arith.constant 0 : i32
    return %c0_i32, %c0_i32_0 : i32, i32
  }
  func.func @transform_8(%arg0: i32) -> (i32, i32) {
    %c0_i32 = arith.constant 0 : i32
    %c0_i32_0 = arith.constant 0 : i32
    %c0_i32_1 = arith.constant 0 : i32
    return %c0_i32, %c0_i32_0 : i32, i32
  }
}

module attributes {stable_mosaic.version = 14 : i64} {
  func.func @_mlp_kernel(%arg0: i32, %arg1: memref<24xi32, #tpu.memory_space<smem>>, %arg2: memref<8xi32, #tpu.memory_space<smem>>, %arg3: memref<512x384xf32, #tpu.memory_space<vmem>>, %arg4: memref<512x384xf32, #tpu.memory_space<vmem>>, %arg5: memref<1x3072x768xbf16, #tpu.memory_space<vmem>>, %arg6: memref<1x768x3072xbf16, #tpu.memory_space<vmem>>, %arg7: memref<1x1x3072xf32, #tpu.memory_space<vmem>>, %arg8: memref<1x1x768xf32, #tpu.memory_space<vmem>>, %arg9: memref<512x384xf32, #tpu.memory_space<vmem>>, %arg10: memref<512x384xf32, #tpu.memory_space<vmem>>) attributes {dimension_semantics = [#tpu.dimension_semantics<arbitrary>], iteration_bounds = array<i64: 24>, scalar_prefetch = 2 : i64, scratch_operands = 0 : i64, tpu.core_type = #tpu.core_type<tc>, window_params = [{transform_indices = @transform_0, window_bounds = array<i64: 512, 384>}, {transform_indices = @transform_1, window_bounds = array<i64: 512, 384>}, {transform_indices = @transform_2, window_bounds = array<i64: 1, 3072, 768>}, {transform_indices = @transform_3, window_bounds = array<i64: 1, 768, 3072>}, {transform_indices = @transform_4, window_bounds = array<i64: 1, 1, 3072>}, {transform_indices = @transform_5, window_bounds = array<i64: 1, 1, 768>}, {transform_indices = @transform_6, window_bounds = array<i64: 512, 384>}, {transform_indices = @transform_7, window_bounds = array<i64: 512, 384>}]} {
    %get3A = arith.constant 0 : index
    %get3A_0 = memref.load %arg2[%get3A] : memref<8xi32, #tpu.memory_space<smem>>
    %add3A = arith.constant 0 : i32
    %add3A_1 = arith.addi %add3A, %get3A_0 : i32
    %get3A_2 = arith.constant 1 : index
    %get3A_3 = memref.load %arg2[%get3A_2] : memref<8xi32, #tpu.memory_space<smem>>
    %add3A_4 = arith.addi %add3A_1, %get3A_3 : i32
    %get3A_5 = arith.constant 2 : index
    %get3A_6 = memref.load %arg2[%get3A_5] : memref<8xi32, #tpu.memory_space<smem>>
    %add3A_7 = arith.addi %add3A_4, %get3A_6 : i32
    %get3A_8 = arith.constant 3 : index
    %get3A_9 = memref.load %arg2[%get3A_8] : memref<8xi32, #tpu.memory_space<smem>>
    %add3A_10 = arith.addi %add3A_7, %get3A_9 : i32
    %get3A_11 = arith.constant 4 : index
    %get3A_12 = memref.load %arg2[%get3A_11] : memref<8xi32, #tpu.memory_space<smem>>
    %add3A_13 = arith.addi %add3A_10, %get3A_12 : i32
    %get3A_14 = arith.constant 5 : index
    %get3A_15 = memref.load %arg2[%get3A_14] : memref<8xi32, #tpu.memory_space<smem>>
    %add3A_16 = arith.addi %add3A_13, %get3A_15 : i32
    %get3A_17 = arith.constant 6 : index
    %get3A_18 = memref.load %arg2[%get3A_17] : memref<8xi32, #tpu.memory_space<smem>>
    %add3A_19 = arith.addi %add3A_16, %get3A_18 : i32
    %get3A_20 = arith.constant 7 : index
    %get3A_21 = memref.load %arg2[%get3A_20] : memref<8xi32, #tpu.memory_space<smem>>
    %add3A_22 = arith.addi %add3A_19, %get3A_21 : i32
    %lt3A = arith.cmpi slt, %arg0, %add3A_22 : i32
    %convert_element_type3A = arith.extui %lt3A : i1 to i32
    %cond3A = arith.constant 0 : i32
    %cond3A_23 = arith.cmpi ne, %convert_element_type3A, %cond3A : i32
    scf.if %cond3A_23 {
      %get3A_24 = arith.constant 0 : index
      %get3A_25 = arith.constant 0 : index
      %get3A_26 = vector.load %arg3[%get3A_24, %get3A_25] : memref<512x384xf32, #tpu.memory_space<vmem>>, vector<512x384xf32>
      %get3A_27 = arith.constant 0 : index
      %get3A_28 = arith.constant 0 : index
      %get3A_29 = vector.load %arg4[%get3A_27, %get3A_28] : memref<512x384xf32, #tpu.memory_space<vmem>>, vector<512x384xf32>
      %concatenate3A = tpu.concatenate %get3A_26, %get3A_29 in 1 : vector<512x384xf32>, vector<512x384xf32> -> vector<512x768xf32>
      %convert_element_type3A_30 = arith.truncf %concatenate3A : vector<512x768xf32> to vector<512x768xbf16>
      %get3A_31 = arith.constant 0 : index
      %get3A_32 = arith.constant 0 : index
      %get3A_33 = arith.constant 0 : index
      %get3A_34 = vector.load %arg5[%get3A_31, %get3A_32, %get3A_33] : memref<1x3072x768xbf16, #tpu.memory_space<vmem>>, vector<1x3072x768xbf16>
      %get3A_35 = vector.shape_cast %get3A_34 : vector<1x3072x768xbf16> to vector<3072x768xbf16>
      %dot_general3A = arith.constant dense<0.000000e+00> : vector<512x3072xf32>
      %dot_general3A_36 = tpu.matmul %convert_element_type3A_30, %get3A_35, %dot_general3A {dimension_numbers = #tpu.dot_dimension_numbers<[1], [1], [0], [0], [0, 0, 1, 0], [], []>, transpose_lhs_hint = false} : vector<512x768xbf16>, vector<3072x768xbf16>, vector<512x3072xf32> -> vector<512x3072xf32>
      %get3A_37 = arith.constant 0 : index
      %get3A_38 = arith.constant 0 : index
      %get3A_39 = arith.constant 0 : index
      %get3A_40 = vector.load %arg7[%get3A_37, %get3A_38, %get3A_39] : memref<1x1x3072xf32, #tpu.memory_space<vmem>>, vector<1x1x3072xf32>
      %get3A_41 = vector.shape_cast %get3A_40 : vector<1x1x3072xf32> to vector<1x3072xf32>
      %add3A_42 = vector.broadcast %get3A_41 : vector<1x3072xf32> to vector<512x3072xf32>
      %add3A_43 = arith.addf %dot_general3A_36, %add3A_42 : vector<512x3072xf32>
      %mul3A = arith.constant 5.000000e-01 : f32
      %mul3A_44 = vector.broadcast %mul3A : f32 to vector<512x3072xf32>
      %mul3A_45 = arith.mulf %mul3A_44, %add3A_43 : vector<512x3072xf32>
      %mul3A_46 = arith.constant 0.707106769 : f32
      %mul3A_47 = vector.broadcast %mul3A_46 : f32 to vector<512x3072xf32>
      %mul3A_48 = arith.mulf %add3A_43, %mul3A_47 : vector<512x3072xf32>
      %erf3A = math.erf %mul3A_48 : vector<512x3072xf32>
      %add3A_49 = arith.constant 1.000000e+00 : f32
      %add3A_50 = vector.broadcast %add3A_49 : f32 to vector<512x3072xf32>
      %add3A_51 = arith.addf %add3A_50, %erf3A : vector<512x3072xf32>
      %mul3A_52 = arith.mulf %mul3A_45, %add3A_51 : vector<512x3072xf32>
      %convert_element_type3A_53 = arith.truncf %mul3A_52 : vector<512x3072xf32> to vector<512x3072xbf16>
      %get3A_54 = arith.constant 0 : index
      %get3A_55 = arith.constant 0 : index
      %get3A_56 = arith.constant 0 : index
      %get3A_57 = vector.load %arg6[%get3A_54, %get3A_55, %get3A_56] : memref<1x768x3072xbf16, #tpu.memory_space<vmem>>, vector<1x768x3072xbf16>
      %get3A_58 = vector.shape_cast %get3A_57 : vector<1x768x3072xbf16> to vector<768x3072xbf16>
      %dot_general3A_59 = arith.constant dense<0.000000e+00> : vector<512x768xf32>
      %dot_general3A_60 = tpu.matmul %convert_element_type3A_53, %get3A_58, %dot_general3A_59 {dimension_numbers = #tpu.dot_dimension_numbers<[1], [1], [0], [0], [0, 0, 1, 0], [], []>, transpose_lhs_hint = false} : vector<512x3072xbf16>, vector<768x3072xbf16>, vector<512x768xf32> -> vector<512x768xf32>
      %get3A_61 = arith.constant 0 : index
      %get3A_62 = arith.constant 0 : index
      %get3A_63 = arith.constant 0 : index
      %get3A_64 = vector.load %arg8[%get3A_61, %get3A_62, %get3A_63] : memref<1x1x768xf32, #tpu.memory_space<vmem>>, vector<1x1x768xf32>
      %get3A_65 = vector.shape_cast %get3A_64 : vector<1x1x768xf32> to vector<1x768xf32>
      %add3A_66 = vector.broadcast %get3A_65 : vector<1x768xf32> to vector<512x768xf32>
      %add3A_67 = arith.addf %dot_general3A_60, %add3A_66 : vector<512x768xf32>
      %slice3A = vector.extract_strided_slice %add3A_67 {offsets = [0, 0], sizes = [512, 384], strides = [1, 1]} : vector<512x768xf32> to vector<512x384xf32>
      %swap3A = arith.constant 0 : index
      %swap3A_68 = arith.constant 0 : index
      %swap3A_69 = vector.load %arg9[%swap3A, %swap3A_68] : memref<512x384xf32, #tpu.memory_space<vmem>>, vector<512x384xf32>
      tpu.vector_store %arg9[%swap3A, %swap3A_68], %slice3A {strides = array<i32>} : memref<512x384xf32, #tpu.memory_space<vmem>>, vector<512x384xf32>,
      %slice3A_70 = vector.extract_strided_slice %add3A_67 {offsets = [0, 384], sizes = [512, 384], strides = [1, 1]} : vector<512x768xf32> to vector<512x384xf32>
      %swap3A_71 = arith.constant 0 : index
      %swap3A_72 = arith.constant 0 : index
      %swap3A_73 = vector.load %arg10[%swap3A_71, %swap3A_72] : memref<512x384xf32, #tpu.memory_space<vmem>>, vector<512x384xf32>
      tpu.vector_store %arg10[%swap3A_71, %swap3A_72], %slice3A_70 {strides = array<i32>} : memref<512x384xf32, #tpu.memory_space<vmem>>, vector<512x384xf32>,
    } else {
    }
    return
  }
  func.func @transform_0(%arg0: i32, %arg1: memref<24xi32, #tpu.memory_space<smem>>, %arg2: memref<8xi32, #tpu.memory_space<smem>>) -> (i32, i32) {
    %c0_i32 = arith.constant 0 : i32
    %c0_i32_0 = arith.constant 0 : i32
    return %arg0, %c0_i32 : i32, i32
  }
  func.func @transform_1(%arg0: i32, %arg1: memref<24xi32, #tpu.memory_space<smem>>, %arg2: memref<8xi32, #tpu.memory_space<smem>>) -> (i32, i32) {
    %c0_i32 = arith.constant 0 : i32
    %c0_i32_0 = arith.constant 0 : i32
    return %arg0, %c0_i32 : i32, i32
  }
  func.func @transform_2(%arg0: i32, %arg1: memref<24xi32, #tpu.memory_space<smem>>, %arg2: memref<8xi32, #tpu.memory_space<smem>>) -> (i32, i32, i32) {
    %get3A = arith.index_cast %arg0 : i32 to index
    %get3A_0 = memref.load %arg1[%get3A] : memref<24xi32, #tpu.memory_space<smem>>
    %c0_i32 = arith.constant 0 : i32
    %c0_i32_1 = arith.constant 0 : i32
    %c0_i32_2 = arith.constant 0 : i32
    return %get3A_0, %c0_i32, %c0_i32_1 : i32, i32, i32
  }
  func.func @transform_3(%arg0: i32, %arg1: memref<24xi32, #tpu.memory_space<smem>>, %arg2: memref<8xi32, #tpu.memory_space<smem>>) -> (i32, i32, i32) {
    %get3A = arith.index_cast %arg0 : i32 to index
    %get3A_0 = memref.load %arg1[%get3A] : memref<24xi32, #tpu.memory_space<smem>>
    %c0_i32 = arith.constant 0 : i32
    %c0_i32_1 = arith.constant 0 : i32
    %c0_i32_2 = arith.constant 0 : i32
    return %get3A_0, %c0_i32, %c0_i32_1 : i32, i32, i32
  }
  func.func @transform_4(%arg0: i32, %arg1: memref<24xi32, #tpu.memory_space<smem>>, %arg2: memref<8xi32, #tpu.memory_space<smem>>) -> (i32, i32, i32) {
    %get3A = arith.index_cast %arg0 : i32 to index
    %get3A_0 = memref.load %arg1[%get3A] : memref<24xi32, #tpu.memory_space<smem>>
    %c0_i32 = arith.constant 0 : i32
    %c0_i32_1 = arith.constant 0 : i32
    %c0_i32_2 = arith.constant 0 : i32
    return %get3A_0, %c0_i32, %c0_i32_1 : i32, i32, i32
  }
  func.func @transform_5(%arg0: i32, %arg1: memref<24xi32, #tpu.memory_space<smem>>, %arg2: memref<8xi32, #tpu.memory_space<smem>>) -> (i32, i32, i32) {
    %get3A = arith.index_cast %arg0 : i32 to index
    %get3A_0 = memref.load %arg1[%get3A] : memref<24xi32, #tpu.memory_space<smem>>
    %c0_i32 = arith.constant 0 : i32
    %c0_i32_1 = arith.constant 0 : i32
    %c0_i32_2 = arith.constant 0 : i32
    return %get3A_0, %c0_i32, %c0_i32_1 : i32, i32, i32
  }
  func.func @transform_6(%arg0: i32, %arg1: memref<24xi32, #tpu.memory_space<smem>>, %arg2: memref<8xi32, #tpu.memory_space<smem>>) -> (i32, i32) {
    %c0_i32 = arith.constant 0 : i32
    %c0_i32_0 = arith.constant 0 : i32
    return %arg0, %c0_i32 : i32, i32
  }
  func.func @transform_7(%arg0: i32, %arg1: memref<24xi32, #tpu.memory_space<smem>>, %arg2: memref<8xi32, #tpu.memory_space<smem>>) -> (i32, i32) {
    %c0_i32 = arith.constant 0 : i32
    %c0_i32_0 = arith.constant 0 : i32
    return %arg0, %c0_i32 : i32, i32
  }
}

module attributes {stable_mosaic.version = 14 : i64} {
  func.func @_comb_kernel(%arg0: i32, %arg1: memref<1024x1xf32, #tpu.memory_space<vmem>>, %arg2: memref<1024x1xf32, #tpu.memory_space<vmem>>, %arg3: memref<1024x384xf32, #tpu.memory_space<vmem>>, %arg4: memref<1024x384xf32, #tpu.memory_space<vmem>>, %arg5: memref<1024x384xf32, #tpu.memory_space<vmem>>, %arg6: memref<1024x384xf32, #tpu.memory_space<vmem>>, %arg7: memref<1024x768xf32, #tpu.memory_space<vmem>>) attributes {dimension_semantics = [#tpu.dimension_semantics<arbitrary>], iteration_bounds = array<i64: 4>, scalar_prefetch = 0 : i64, scratch_operands = 0 : i64, tpu.core_type = #tpu.core_type<tc>, window_params = [{transform_indices = @transform_0, window_bounds = array<i64: 1024, 1>}, {transform_indices = @transform_1, window_bounds = array<i64: 1024, 1>}, {transform_indices = @transform_2, window_bounds = array<i64: 1024, 384>}, {transform_indices = @transform_3, window_bounds = array<i64: 1024, 384>}, {transform_indices = @transform_4, window_bounds = array<i64: 1024, 384>}, {transform_indices = @transform_5, window_bounds = array<i64: 1024, 384>}, {transform_indices = @transform_6, window_bounds = array<i64: 1024, 768>}]} {
    %get3A = arith.constant 0 : index
    %get3A_0 = arith.constant 0 : index
    %get3A_1 = vector.load %arg1[%get3A, %get3A_0] : memref<1024x1xf32, #tpu.memory_space<vmem>>, vector<1024x1xf32>
    %get3A_2 = arith.constant 0 : index
    %get3A_3 = arith.constant 0 : index
    %get3A_4 = vector.load %arg2[%get3A_2, %get3A_3] : memref<1024x1xf32, #tpu.memory_space<vmem>>, vector<1024x1xf32>
    %get3A_5 = arith.constant 0 : index
    %get3A_6 = arith.constant 0 : index
    %get3A_7 = vector.load %arg3[%get3A_5, %get3A_6] : memref<1024x384xf32, #tpu.memory_space<vmem>>, vector<1024x384xf32>
    %mul3A = vector.broadcast %get3A_1 : vector<1024x1xf32> to vector<1024x384xf32>
    %mul3A_8 = arith.mulf %mul3A, %get3A_7 : vector<1024x384xf32>
    %get3A_9 = arith.constant 0 : index
    %get3A_10 = arith.constant 0 : index
    %get3A_11 = vector.load %arg5[%get3A_9, %get3A_10] : memref<1024x384xf32, #tpu.memory_space<vmem>>, vector<1024x384xf32>
    %mul3A_12 = vector.broadcast %get3A_4 : vector<1024x1xf32> to vector<1024x384xf32>
    %mul3A_13 = arith.mulf %mul3A_12, %get3A_11 : vector<1024x384xf32>
    %add3A = arith.addf %mul3A_8, %mul3A_13 : vector<1024x384xf32>
    %swap3A = arith.constant 0 : index
    %swap3A_14 = arith.constant 0 : index
    %swap3A_15 = vector.load %arg7[%swap3A, %swap3A_14] : memref<1024x768xf32, #tpu.memory_space<vmem>>, vector<1024x384xf32>
    tpu.vector_store %arg7[%swap3A, %swap3A_14], %add3A {strides = array<i32>} : memref<1024x768xf32, #tpu.memory_space<vmem>>, vector<1024x384xf32>,
    %get3A_16 = arith.constant 0 : index
    %get3A_17 = arith.constant 0 : index
    %get3A_18 = vector.load %arg4[%get3A_16, %get3A_17] : memref<1024x384xf32, #tpu.memory_space<vmem>>, vector<1024x384xf32>
    %mul3A_19 = vector.broadcast %get3A_1 : vector<1024x1xf32> to vector<1024x384xf32>
    %mul3A_20 = arith.mulf %mul3A_19, %get3A_18 : vector<1024x384xf32>
    %get3A_21 = arith.constant 0 : index
    %get3A_22 = arith.constant 0 : index
    %get3A_23 = vector.load %arg6[%get3A_21, %get3A_22] : memref<1024x384xf32, #tpu.memory_space<vmem>>, vector<1024x384xf32>
    %mul3A_24 = vector.broadcast %get3A_4 : vector<1024x1xf32> to vector<1024x384xf32>
    %mul3A_25 = arith.mulf %mul3A_24, %get3A_23 : vector<1024x384xf32>
    %add3A_26 = arith.addf %mul3A_20, %mul3A_25 : vector<1024x384xf32>
    %swap3A_27 = arith.constant 0 : index
    %swap3A_28 = arith.constant 384 : index
    %swap3A_29 = vector.load %arg7[%swap3A_27, %swap3A_28] : memref<1024x768xf32, #tpu.memory_space<vmem>>, vector<1024x384xf32>
    tpu.vector_store %arg7[%swap3A_27, %swap3A_28], %add3A_26 {strides = array<i32>} : memref<1024x768xf32, #tpu.memory_space<vmem>>, vector<1024x384xf32>,
    return
  }
  func.func @transform_0(%arg0: i32) -> (i32, i32) {
    %c0_i32 = arith.constant 0 : i32
    %c0_i32_0 = arith.constant 0 : i32
    return %arg0, %c0_i32 : i32, i32
  }
  func.func @transform_1(%arg0: i32) -> (i32, i32) {
    %c0_i32 = arith.constant 0 : i32
    %c0_i32_0 = arith.constant 0 : i32
    return %arg0, %c0_i32 : i32, i32
  }
  func.func @transform_2(%arg0: i32) -> (i32, i32) {
    %c0_i32 = arith.constant 0 : i32
    %c0_i32_0 = arith.constant 0 : i32
    return %arg0, %c0_i32 : i32, i32
  }
  func.func @transform_3(%arg0: i32) -> (i32, i32) {
    %c0_i32 = arith.constant 0 : i32
    %c0_i32_0 = arith.constant 0 : i32
    return %arg0, %c0_i32 : i32, i32
  }
  func.func @transform_4(%arg0: i32) -> (i32, i32) {
    %add3A = arith.constant 4 : i32
    %add3A_0 = arith.addi %arg0, %add3A : i32
    %c0_i32 = arith.constant 0 : i32
    %c0_i32_1 = arith.constant 0 : i32
    return %add3A_0, %c0_i32 : i32, i32
  }
  func.func @transform_5(%arg0: i32) -> (i32, i32) {
    %add3A = arith.constant 4 : i32
    %add3A_0 = arith.addi %arg0, %add3A : i32
    %c0_i32 = arith.constant 0 : i32
    %c0_i32_1 = arith.constant 0 : i32
    return %add3A_0, %c0_i32 : i32, i32
  }
  func.func @transform_6(%arg0: i32) -> (i32, i32) {
    %c0_i32 = arith.constant 0 : i32
    %c0_i32_0 = arith.constant 0 : i32
    return %arg0, %c0_i32 : i32, i32
  }
}

</mosaic_0001>

<sc_bundles>
// kernel: kernel.10.cloned.1.call-start
scs
__scs_entry_jumppad:
0x0: {  	(pc) =	sbr.rel $0x88, $3  }
0x1: {  	(tag) =	ssettag $0x0;
	lr =	simm.s32 $0x1  }
0x2: {  	[smem:$0x3F9B] =	sst lr;
	_ =	strace $0xD0000000  }
0x3: {  	_ = 	snop  }
0x4: {  	_ = 	snop  }
0x5: {  	_ = 	snop  }
0x6: {  	_ = 	snop  }
0x7: {  	_ = 	snop  }
__scs_overlays_trampoline_lowered:
0x8: {  	[smem:$0x3FAA] =	sst s0  }
0x9: {  	[smem:$0x3FAB] =	sst s1  }
0xa: {  	[smem:$0x3FAC] =	sst s2  }
0xb: {  	[smem:$0x3FAD] =	sst s3  }
0xc: {  	[smem:$0x3FAE] =	sst s4  }
0xd: {  	[smem:$0x3FAF] =	sst s5  }
0xe: {  	[smem:$0x3FB0] =	sst s6  }
0xf: {  	[smem:$0x3FB1] =	sst s7  }
0x10: {  	[smem:$0x3FB2] =	sst s8  }
0x11: {  	[smem:$0x3FB3] =	sst s9;
	s0 =	simm.s32 @!p0 $0x0  }
0x12: {  	s1 =	sld [smem:$0x3F99];
	s0 =	simm.s32 @p0 $0x1  }
0x13: {  	[smem:$0x3FB4] =	sst s0;
	s0 =	simm.s32 @!p1 $0x0  }
0x14: {  	s2 =	sld [smem:$0x3F98];
	s0 =	simm.s32 @p1 $0x1  }
0x15: {  	[smem:$0x3FB5] =	sst s0;
	s0 =	simm.s32 @!p2 $0x0  }
0x16: {  	s3 =	sld [smem:$0x3FDB];
	s0 =	simm.s32 @p2 $0x1  }
0x17: {  	s4 =	simm.s32 $0x1BF5;
	[smem:$0x3FB7] =	sst s0  }
0x18: {  	s0 =	sld [smem:$0x3F9A];
	_ =	swait.ge [sflag:s4], $0x0  }
0x19: {  	s7 =	sld [smem:$0x3F9B]  }
0x1a: {  	s8 =	sadd.s32 $0xFFFFE003, lr  }
0x1b: {  	s9 =	sadd.s32 $0xFFFFFEF7, lr;
	s5 =	simm.s32 $0xFFFFFFFF;
	p2 =	slt.u32 s8, $0xFFFFF086  }
0x1c: {  	p1 =	slt.u32 s9, $0xF7A;
	s5 =	simm.s32 @!p2 $0x0  }
0x1d: {  	s5 =	simm.s32 @p1 $0x1;
	p0 =	seq.s32 s7, s2  }
0x1e: {  	s7 =	smul.u32 @!p0 $0xF7A, s2;
	p2 =	seq.s32 @!p0 s5, $0x0  }
0x1f: {  	s9 =	smul.u32 $0xF7A, s1;
	s8 =	simm.s32 @!p0 $0x1BF5;
	p2 =	por !p2, p0  }
0x20: {  	[sflag:s8] =	ssyncset.s32 @!p0 $0xFFFFF086;
	s6 =	sadd.s32 @!p0 s3, s7;
	s7 =	simm.s32 @!p0 $0x108  }
0x21: {  	s3 =	sadd.s32 s3, s9;
	s6 =	sadd.s32 @!p0 $0x88, s6;
	s7 =	simm.s32 @p2 $0x1082  }
0x22: {  	[simem:s7], [sflag:s8] =	dma.local @!p0 [hbm:s6], $0xF7A  }
0x23: {  	s9 =	sor.u32 $0xD0000000, s2;
	s6 =	simm.s32 $0x108;
	_ =	swait.ge @!p0 [sflag:s8], $0x0  }
0x24: {  	s3 =	sadd.s32 $0x88, s3;
	s6 =	simm.s32 @!p1 $0x1082;
	[sflag:s4] =	ssyncset.s32 $0xFFFFF086  }
0x25: {  	[simem:s6], [sflag:s4] =	dma.local [hbm:s3], $0xF7A  }
0x26: {  	[smem:$0x3F9B] =	sst s1;
	(tag) =	ssettag s2;
	_ =	strace s9  }
0x27: {  	s1 =	sld [smem:$0x3FAB]  }
0x28: {  	s2 =	sld [smem:$0x3FAC]  }
0x29: {  	s4 =	sld [smem:$0x3FAE]  }
0x2a: {  	p0 =	seq.s32 s5, $0x0;
	s5 =	sld [smem:$0x3FAF]  }
0x2b: {  	s6 =	sld [smem:$0x3FB0]  }
0x2c: {  	s7 =	sld [smem:$0x3FB1]  }
0x2d: {  	s3 =	simm.s32 $0x108;
	s8 =	sld [smem:$0x3FB2]  }
0x2e: {  	s3 =	simm.s32 @!p0 $0x1082;
	s9 =	sld [smem:$0x3FB3]  }
0x2f: {  	lr =	sadd.s32 s0, s3;
	s0 =	sld [smem:$0x3FAA]  }
0x30: {  	s3 =	sld [smem:$0x3FAD]  }
0x31: {  	[smem:$0x3FB6] =	sst s10  }
0x32: {  	s10 =	sld [smem:$0x3FB4];
	_ =	sdelay $0x3  }
0x33: {  	p0 =	seq.s32 s10, $0x1;
	s10 =	sld [smem:$0x3FB6];
	_ =	sdelay $0x3  }
0x34: {  	[smem:$0x3FB6] =	sst s10  }
0x35: {  	s10 =	sld [smem:$0x3FB5];
	_ =	sdelay $0x3  }
0x36: {  	p1 =	seq.s32 s10, $0x1;
	s10 =	sld [smem:$0x3FB6];
	_ =	sdelay $0x3  }
0x37: {  	[smem:$0x3FB6] =	sst s10  }
0x38: {  	s10 =	sld [smem:$0x3FB7]  }
0x39: {  	_ = 	snop;
	(pc) =	sbr.ind lr, $3  }
0x3a: {  	_ = 	snop  }
0x3b: {  	_ = 	snop  }
0x3c: {  	p2 =	seq.s32 s10, $0x1;
	s10 =	sld [smem:$0x3FB6]  }
0x3d: {  	_ =	shalt  }
0x3e: {  	_ =	shalt  }
0x3f: {  	_ =	shalt  }
0x40: {  	_ =	shalt  }
0x41: {  	_ =	shalt  }
0x42: {  	_ =	shalt  }
0x43: {  	_ =	shalt  }
0x44: {  	_ =	shalt  }
0x45: {  	_ =	shalt  }
0x46: {  	_ =	shalt  }
0x47: {  	_ =	shalt  }
0x48: {  	_ =	shalt  }
0x49: {  	_ =	shalt  }
0x4a: {  	_ =	shalt  }
0x4b: {  	_ =	shalt  }
0x4c: {  	_ =	shalt  }
0x4d: {  	_ =	shalt  }
0x4e: {  	_ =	shalt  }
0x4f: {  	_ =	shalt  }
0x50: {  	_ =	shalt  }
0x51: {  	_ =	shalt  }
0x52: {  	_ =	shalt  }
0x53: {  	_ =	shalt  }
0x54: {  	_ =	shalt  }
0x55: {  	_ =	shalt  }
0x56: {  	_ =	shalt  }
0x57: {  	_ =	shalt  }
0x58: {  	_ =	shalt  }
0x59: {  	_ =	shalt  }
0x5a: {  	_ =	shalt  }
0x5b: {  	_ =	shalt  }
0x5c: {  	_ =	shalt  }
0x5d: {  	_ =	shalt  }
0x5e: {  	_ =	shalt  }
0x5f: {  	_ =	shalt  }
0x60: {  	_ =	shalt  }
0x61: {  	_ =	shalt  }
0x62: {  	_ =	shalt  }
0x63: {  	_ =	shalt  }
0x64: {  	_ =	shalt  }
0x65: {  	_ =	shalt  }
0x66: {  	_ =	shalt  }
0x67: {  	_ =	shalt  }
0x68: {  	_ =	shalt  }
0x69: {  	_ =	shalt  }
0x6a: {  	_ =	shalt  }
0x6b: {  	_ =	shalt  }
0x6c: {  	_ =	shalt  }
0x6d: {  	_ =	shalt  }
0x6e: {  	_ =	shalt  }
0x6f: {  	_ =	shalt  }
0x70: {  	_ =	shalt  }
0x71: {  	_ =	shalt  }
0x72: {  	_ =	shalt  }
0x73: {  	_ =	shalt  }
0x74: {  	_ =	shalt  }
0x75: {  	_ =	shalt  }
0x76: {  	_ =	shalt  }
0x77: {  	_ =	shalt  }
0x78: {  	_ =	shalt  }
0x79: {  	_ =	shalt  }
0x7a: {  	_ =	shalt  }
0x7b: {  	_ =	shalt  }
0x7c: {  	_ =	shalt  }
0x7d: {  	_ =	shalt  }
0x7e: {  	_ =	shalt  }
0x7f: {  	_ =	shalt  }
0x80: {  	_ =	shalt  }
0x81: {  	_ =	shalt  }
0x82: {  	_ =	shalt  }
0x83: {  	_ =	shalt  }
0x84: {  	_ =	shalt  }
0x85: {  	_ =	shalt  }
0x86: {  	_ =	shalt  }
0x87: {  	_ =	shalt  }
.Lfunc_end0:
.L_simem_size_0:
called_computation.1_lowered:
.L_overlay_start_0:
0x88: {  	s2 =	sld [smem:$0x3FD9]  }
0x89: {  	s3 =	sld [smem:$0x3FFE];
	_ =	sdelay $0x1  }
0x8a: {  	s1 =	srdreg.scid  }
0x8b: {  	s0 =	sand.u32 $0x1, s1  }
0x8c: {  	s17 =	sshll.u32 s0, $0xA;
	s2 =	sadd.s32 s3, s2  }
0x8d: {  	s2 =	sadd.s32 s2, s17  }
0x8e: {  	[smem:$0x3FC2] =	sst s2  }
0x8f: {  	_ = 	snop  }
0x90: {  	s2 =	sld [smem:$0x3FD0];
	(tm) =	ssettm $0x1  }
0x91: {  	s18 =	sld [smem:$0x3FFB];
	_ =	sdelay $0x3  }
0x92: {  	_ =	strace s18  }
0x93: {  	s3 =	sld [smem:$0x3FFC];
	_ =	sdelay $0x3  }
0x94: {  	_ =	strace s3  }
0x95: {  	s3 =	sld [smem:$0x3FFD];
	_ =	sdelay $0x3  }
0x96: {  	_ =	strace s3  }
0x97: {  	_ =	strace $0x8FFFFFFF  }
0x98: {  	s19 =	sld [smem:$0x3FDB];
	_ =	sdelay $0x1  }
0x99: {  	s4 =	simm.s32 $_scs_section_size  }
0x9a: {  	s5 =	simm.s32 $_size__tile_overlayer_lowered;
	s6 =	simm.s32 $_tile_overlayer_lowered  }
0x9b: {  	s22 =	simm.s32 $0x1BFF;
	s21 =	sshll.u32 s6, $0x1;
	s3 =	sadd.s32 s4, s19  }
0x9c: {  	s7 =	simm.s32 $0x0;
	s20 =	sshll.u32 s5, $0x1;
	s5 =	sadd.s32 s21, s3  }
0x9d: {  	[timem:s7], [sflag:s22] =	dma.local [hbm:s5], s20  }
0x9e: {  	_ =	swait.ge [sflag:s22], s20  }
0x9f: {  	s4 =	ssub.s32 $0x0, s20;
	[sflag:s22] =	ssyncset.done $0x0  }
0xa0: {  	[sflag:s22] =	ssyncadd.s32 s4;
	_ =	sdelay $0x1  }
0xa1: {  	s23 =	simm.s32 $0x1B8B  }
0xa2: {  	_ =	swait.ge [sflag:s23], $0x1  }
0xa3: {  	[sflag:s23] =	ssyncset.done $0x0  }
0xa4: {  	s25 =	simm.s32 $0x1B8E;
	s24 =	sld [smem:$0x3FFE];
	[sflag:s23] =	ssyncadd.s32 $0xFFFFFFFF  }
0xa5: {  	s26 =	simm.s32 $execute0_lowered;
	[smem:$0x3FD2] =	sst s25  }
0xa6: {  	s5 =	sshll.u32 s26, $0x1;
	_ =	strace $0x80000055;
	[dreg:$0x1] =	wrdreg $0xFFFFFFFF  }
0xa7: {  	s28 =	simm.s32 $_size_execute0_lowered;
	s3 =	sadd.s32 s3, s5;
	[dreg:$0x0] =	wrdreg $0x0  }
0xa8: {  	s5 =	sshll.u32 s28, $0x1;
	[dreg:$0x2] =	wrdreg s3  }
0xa9: {  	[dreg:$0x3] =	wrdreg s5  }
0xaa: {  	[dreg:$0x4] =	wrdreg $0xC0  }
0xab: {  	_ =	task [dreg:s7], $0x5FFFF  }
0xac: {  	[dreg:$0x1] =	wrdreg $0xFFFFFFFF  }
0xad: {  	[dreg:$0x0] =	wrdreg $0x60  }
0xae: {  	[dreg:$0x2] =	wrdreg s24  }
0xaf: {  	[dreg:$0x3] =	wrdreg s2  }
0xb0: {  	[dreg:$0x4] =	wrdreg $0x9  }
0xb1: {  	_ =	task.clear_ibuf [dreg:s7], $0x5FFFF;
	_ =	strace $0x90000055  }
0xb2: {  	s29 =	simm.s32 $0x9;
	_ =	strace $0x80000065  }
0xb3: {  	_ =	swait.ge [sflag:s29], $0x1  }
0xb4: {  	[sflag:s29] =	ssyncadd.s32 $0xFFFFFFFF  }
0xb5: {  	_ =	strace $0x90000065  }
0xb6: {  	_ =	sfence  }
0xb7: {  	s30 =	sld [smem:$0x0];
	_ =	sdelay $0x2  }
0xb8: {  	s31 =	sshll.u32 s1, $0xD;
	s1 =	sshrl.u32 s1, $0x2  }
0xb9: {  	s3 =	sand.u32 $0x4000, s31;
	s1 =	sadd.s32 s1, s30  }
0xba: {  	s0 =	sor.u32 s3, s0;
	s1 =	sshll.u32 s1, $0x11  }
0xbb: {  	s0 =	sor.u32 s1, s0  }
0xbc: {  	s0 =	sadd.s32 $0x8F2B, s0  }
0xbd: {  	[sflag:s0] =	ssyncadd.remote.s32 $0x1  }
0xbe: {  	_ =	sfence.sel $0xFFFF  }
0xbf: {  	[dreg:$0x0] =	wrdreg $0xFFFFFFFF;
	(pc) =	sbr.abs _section_cstart, $3  }
0xc0: {  	[dreg:$0x1] =	wrdreg $0xFFFFFFFF  }
0xc1: {  	_ =	task.clear_ibuf [dreg:s7], $0x2FFFF;
	_ =	strace $0x9FFFFFFF  }
0xc2: {  	(tm) =	ssettm $0x7FFFFFFF  }
0xc3: {  	_ =	shalt  }
tec
execute0_lowered:
.L_overlay_start_1:
0x0: {  	(tag) =	ssettag $0x1  }
0x1: {  	s11 =	rddreg [dreg:$0x0]  }
0x2: {  	s1 =	rddreg [dreg:$0x1]  }
0x3: {  	s0 =	rddreg [dreg:$0x2];
	s2 =	simm.s32 $0x0  }
0x4: {  	s3 =	srdreg.scid;
	s14 =	simm.s32 $0x4;
	s15 =	simm.s32 $0x0  }
0x5: {  	[smem:$0x7FF] =	sst s2;
	s4 =	sadd.s32 $0x3B3800, s11;
	s7 =	sand.u32 $0x1, s3  }
0x6: {  	s5 =	sadd.s32 $0x443800, s11;
	s3 =	stileid.u32;
	s6 =	sadd.s32 $0x52200, s11  }
.Ltmp0:
0x7: {  	s8 =	sshll.u32 s7, $0x4;
	s9 =	ssub.s32 $0x2, s7;
	(pc) =	sbr.rel .LBB2_1-.Ltmp0, $4  }
0x8: {  	_ =	strace $0x80000056;
	s8 =	sor.u32 s3, s8;
	s10 =	sshrl.u32 s9, $0x1  }
0x9: {  	v2 =	vlaneseq.u32;
	s7 =	sadd.s32 $0x52600, s11;
	s12 =	sshll.u32 s8, $0x5;
	s13 =	ssub.s32 s9, s10  }
0xa: {  	vm0 =	vmmov $0xffff;
	vm1 =	vmmov $0xff;
	v1 =	vshrl.u32 v2, $0x3;
	s8 =	sshll.u32 s8, $0x1;
	s10 =	sadd.s32 $0x3B3900, s11;
	s11 =	sadd.s32 $0x443900, s11  }
0xb: {  	v0 =	vand.u32 $0x7, v2;
	v2 =	vor.u32 $0x8, v2;
	v1 =	vmul.u32 $0x8, v1;
	s9 =	sadd.s32 s6, s12;
	s12 =	smax.u32 s13, $0x1;
	s13 =	simm.s32 $0x5  }
.LBB2_7:
0xc: {  	s16 =	sand.u32 $0x1, s17  }
0xd: {  	_ =	strace $0x80000063;
	s16 =	sadd.s32 $0x3, s16  }
0xe: {  	_ =	swait.ge [sflag:s16], $0xC000  }
0xf: {  	[sflag:s16] =	ssyncset.done $0x0  }
0x10: {  	s15 =	sadd.s32 $0x1, s15;
	[sflag:s16] =	ssyncadd.s32 $0xFFFF4000  }
0x11: {  	p0 =	sne.s32 s15, s12;
	_ =	strace $0x90000063  }
.Ltmp1:
0x12: {  	_ =	strace $0x80000064;
	(pc) =	sbr.rel @!p0 .LBB2_8-.Ltmp1, $4  }
0x13: {  	_ =	swait.ge [sflag:s14], $0xC000  }
0x14: {  	[sflag:s14] =	ssyncset.done $0x0  }
0x15: {  	[sflag:s14] =	ssyncadd.s32 $0xFFFF4000  }
0x16: {  	_ =	strace $0x90000064  }
.LBB2_1:
0x17: {  	_ =	strace $0x80000057  }
0x18: {  	p0 =	por $0x1, $0x1;
	p2 =	por $0x0, $0x0;
	s17 =	simm.s32 $0x0  }
0x19: {  	s16 =	simm.s32 $0x0;
	s21 =	simm.s32 $0x0;
	s18 =	simm.s32 $0x0  }
0x1a: {  	[tilespmem:s2], [sflag:$0x1] =	stream.linear.gather [hbm4b:s9+s2], $0x80, $0x200038;
	[tilespmem:$0x18100] =	vst v63  }
0x1b: {  	s19 =	simm.s32 $0x1;
	s20 =	simm.s32 $0x0;
	_ =	strace $0x90000057  }
.LBB2_2:
0x1c: {  	s22 =	smov.u32 s17;
	s17 =	sadd.s32 $0x1, s17  }
0x1d: {  	p1 =	seq.s32 s17, $0x2  }
0x1e: {  	s17 =	simm.s32 @p1 $0x0  }
0x1f: {  	p1 =	sne.s32 s22, s17  }
0x20: {  	p1 =	por !p0, !p1  }
0x21: {  	p1 =	por !p1, !p1  }
0x22: {  	s23 =	sadd.s32 @p1 s8, s17  }
0x23: {  	s24 =	sand.u32 @p1 $0x1, s19;
	s23 =	sshll.u32 @p1 s23, $0x4  }
0x24: {  	_ =	strace @p1 $0x80000058;
	s26 =	simm.s32 @p1 $0x0;
	s23 =	sand.u32 @p1 $0x1FFFFFF0, s23  }
0x25: {  	s25 =	sshll.u32 @p1 s24, $0x7;
	s24 =	sadd.s32 @p1 $0x1, s24;
	s23 =	sadd.s32 @p1 s6, s23  }
0x26: {  	[tilespmem:s25], [sflag:s24] =	stream.linear.gather @p1 [hbm4b:s23+s26], $0x80, $0x200038;
	[tilespmem:$0x18100] =	vst v63  }
0x27: {  	s26 =	sand.u32 $0x1, s18;
	_ =	strace @p1 $0x90000058  }
0x28: {  	s23 =	sadd.s32 $0x1, s26;
	_ =	strace $0x80000059  }
0x29: {  	_ =	swait.ge [sflag:s23], $0x80  }
0x2a: {  	[sflag:s23] =	ssyncset.done $0x0  }
0x2b: {  	[sflag:s23] =	ssyncadd.s32 $0xFFFFFF80  }
0x2c: {  	s28 =	sshll.u32 s18, $0x7;
	_ =	strace $0x90000059  }
0x2d: {  	s26 =	sand.u32 $0x80, s28;
	_ =	strace $0x8000005A  }
0x2e: {  	v3 =	vld [tilespmem:s26+$0x0];
	_ =	sdelay $0x4  }
0x2f: {  	v4 =	vshrl.u32 v3, $0x3  }
0x30: {  	v4 =	vmul.u32 $0x18, v4  }
0x31: {  	v3 =	vand.u32 $0x7, v3  }
0x32: {  	v3 =	vor.u32 v3, v4  }
0x33: {  	v4 =	vperm.xlane v3, v0;
	_ =	sdelay $0x1  }
0x34: {  	s23 =	sand.u32 $0x1, s21;
	v4 =	vadd.s32 v1, v4  }
0x35: {  	s29 =	smul.u32 $0x30000, s23  }
0x36: {  	v3 =	vperm.xlane v3, v2  }
0x37: {  	s25 =	sshrl.u32 s29, $0x2  }
0x38: {  	s24 =	sor.u32 $0x100, s25;
	v3 =	vadd.s32 v1, v3  }
0x39: {  	[tilespmem:s24], [sflag:$0x5] =	stream.indirect_vreg.gather [hbm4b:s4+s2], $0x80, v4, vm0, $0x2000b8;
	[tilespmem:$0x18100] =	vst v63  }
0x3a: {  	s28 =	sor.u32 $0x900, s25  }
0x3b: {  	[tilespmem:s28], [sflag:$0x5] =	stream.indirect_vreg.gather [hbm4b:s10+s2], $0x80, v4, vm1, $0x2000b8;
	[tilespmem:$0x18100] =	vst v63  }
0x3c: {  	s30 =	sor.u32 $0xD00, s25  }
0x3d: {  	[tilespmem:s30], [sflag:$0x5] =	stream.indirect_vreg.gather [hbm4b:s4+s2], $0x80, v3, vm0, $0x2000b8;
	[tilespmem:$0x18100] =	vst v63  }
0x3e: {  	s31 =	sor.u32 $0x1500, s25  }
0x3f: {  	[tilespmem:s31], [sflag:$0x5] =	stream.indirect_vreg.gather [hbm4b:s10+s2], $0x80, v3, vm1, $0x2000b8;
	[tilespmem:$0x18100] =	vst v63  }
0x40: {  	v3 =	vld [tilespmem:s26+$0x10];
	_ =	sdelay $0x4  }
0x41: {  	v57 =	vshrl.u32 v3, $0x3  }
0x42: {  	v4 =	vmul.u32 $0x18, v57  }
0x43: {  	v3 =	vand.u32 $0x7, v3  }
0x44: {  	v3 =	vor.u32 v3, v4  }
0x45: {  	v4 =	vperm.xlane v3, v0;
	_ =	sdelay $0x1  }
0x46: {  	v4 =	vadd.s32 v1, v4;
	_ =	sdelay $0x1  }
0x47: {  	v3 =	vperm.xlane v3, v2;
	_ =	sdelay $0x1  }
0x48: {  	s29 =	sor.u32 $0x1900, s25;
	v3 =	vadd.s32 v1, v3  }
0x49: {  	[tilespmem:s29], [sflag:$0x5] =	stream.indirect_vreg.gather [hbm4b:s4+s2], $0x80, v4, vm0, $0x2000b8;
	[tilespmem:$0x18100] =	vst v63  }
0x4a: {  	s30 =	sor.u32 $0x2100, s25  }
0x4b: {  	[tilespmem:s30], [sflag:$0x5] =	stream.indirect_vreg.gather [hbm4b:s10+s2], $0x80, v4, vm1, $0x2000b8;
	[tilespmem:$0x18100] =	vst v63  }
0x4c: {  	s31 =	sor.u32 $0x2500, s25  }
0x4d: {  	[tilespmem:s31], [sflag:$0x5] =	stream.indirect_vreg.gather [hbm4b:s4+s2], $0x80, v3, vm0, $0x2000b8;
	[tilespmem:$0x18100] =	vst v63  }
0x4e: {  	s29 =	sor.u32 $0x2D00, s25  }
0x4f: {  	[tilespmem:s29], [sflag:$0x5] =	stream.indirect_vreg.gather [hbm4b:s10+s2], $0x80, v3, vm1, $0x2000b8;
	[tilespmem:$0x18100] =	vst v63  }
0x50: {  	v3 =	vld [tilespmem:s26+$0x20];
	_ =	sdelay $0x4  }
0x51: {  	v58 =	vshrl.u32 v3, $0x3  }
0x52: {  	v4 =	vmul.u32 $0x18, v58  }
0x53: {  	v3 =	vand.u32 $0x7, v3  }
0x54: {  	v3 =	vor.u32 v3, v4  }
0x55: {  	v4 =	vperm.xlane v3, v0;
	_ =	sdelay $0x1  }
0x56: {  	v4 =	vadd.s32 v1, v4;
	_ =	sdelay $0x1  }
0x57: {  	v3 =	vperm.xlane v3, v2;
	_ =	sdelay $0x1  }
0x58: {  	s30 =	sor.u32 $0x3100, s25;
	v3 =	vadd.s32 v1, v3  }
0x59: {  	[tilespmem:s30], [sflag:$0x5] =	stream.indirect_vreg.gather [hbm4b:s4+s2], $0x80, v4, vm0, $0x2000b8;
	[tilespmem:$0x18100] =	vst v63  }
0x5a: {  	s31 =	sor.u32 $0x3900, s25  }
0x5b: {  	[tilespmem:s31], [sflag:$0x5] =	stream.indirect_vreg.gather [hbm4b:s10+s2], $0x80, v4, vm1, $0x2000b8;
	[tilespmem:$0x18100] =	vst v63  }
0x5c: {  	s29 =	sor.u32 $0x3D00, s25  }
0x5d: {  	[tilespmem:s29], [sflag:$0x5] =	stream.indirect_vreg.gather [hbm4b:s4+s2], $0x80, v3, vm0, $0x2000b8;
	[tilespmem:$0x18100] =	vst v63  }
0x5e: {  	s30 =	sadd.s32 $0x4500, s25  }
0x5f: {  	[tilespmem:s30], [sflag:$0x5] =	stream.indirect_vreg.gather [hbm4b:s10+s2], $0x80, v3, vm1, $0x2000b8;
	[tilespmem:$0x18100] =	vst v63  }
0x60: {  	v3 =	vld [tilespmem:s26+$0x30];
	_ =	sdelay $0x4  }
0x61: {  	v59 =	vshrl.u32 v3, $0x3  }
0x62: {  	v4 =	vmul.u32 $0x18, v59  }
0x63: {  	v3 =	vand.u32 $0x7, v3  }
0x64: {  	v3 =	vor.u32 v3, v4  }
0x65: {  	v4 =	vperm.xlane v3, v0;
	_ =	sdelay $0x1  }
0x66: {  	v4 =	vadd.s32 v1, v4;
	_ =	sdelay $0x1  }
0x67: {  	v3 =	vperm.xlane v3, v2;
	_ =	sdelay $0x1  }
0x68: {  	s31 =	sadd.s32 $0x4900, s25;
	v3 =	vadd.s32 v1, v3  }
0x69: {  	[tilespmem:s31], [sflag:$0x5] =	stream.indirect_vreg.gather [hbm4b:s4+s2], $0x80, v4, vm0, $0x2000b8;
	[tilespmem:$0x18100] =	vst v63  }
0x6a: {  	s29 =	sadd.s32 $0x5100, s25  }
0x6b: {  	[tilespmem:s29], [sflag:$0x5] =	stream.indirect_vreg.gather [hbm4b:s10+s2], $0x80, v4, vm1, $0x2000b8;
	[tilespmem:$0x18100] =	vst v63  }
0x6c: {  	s30 =	sadd.s32 $0x5500, s25  }
0x6d: {  	[tilespmem:s30], [sflag:$0x5] =	stream.indirect_vreg.gather [hbm4b:s4+s2], $0x80, v3, vm0, $0x2000b8;
	[tilespmem:$0x18100] =	vst v63  }
0x6e: {  	s31 =	sadd.s32 $0x5D00, s25  }
0x6f: {  	[tilespmem:s31], [sflag:$0x5] =	stream.indirect_vreg.gather [hbm4b:s10+s2], $0x80, v3, vm1, $0x2000b8;
	[tilespmem:$0x18100] =	vst v63  }
0x70: {  	v3 =	vld [tilespmem:s26+$0x40];
	_ =	sdelay $0x4  }
0x71: {  	v60 =	vshrl.u32 v3, $0x3  }
0x72: {  	v4 =	vmul.u32 $0x18, v60  }
0x73: {  	v3 =	vand.u32 $0x7, v3  }
0x74: {  	v3 =	vor.u32 v3, v4  }
0x75: {  	v4 =	vperm.xlane v3, v0;
	_ =	sdelay $0x1  }
0x76: {  	v4 =	vadd.s32 v1, v4;
	_ =	sdelay $0x1  }
0x77: {  	v3 =	vperm.xlane v3, v2;
	_ =	sdelay $0x1  }
0x78: {  	s29 =	sadd.s32 $0x6100, s25;
	v3 =	vadd.s32 v1, v3  }
0x79: {  	[tilespmem:s29], [sflag:$0x5] =	stream.indirect_vreg.gather [hbm4b:s4+s2], $0x80, v4, vm0, $0x2000b8;
	[tilespmem:$0x18100] =	vst v63  }
0x7a: {  	s30 =	sadd.s32 $0x6900, s25  }
0x7b: {  	[tilespmem:s30], [sflag:$0x5] =	stream.indirect_vreg.gather [hbm4b:s10+s2], $0x80, v4, vm1, $0x2000b8;
	[tilespmem:$0x18100] =	vst v63  }
0x7c: {  	s31 =	sadd.s32 $0x6D00, s25  }
0x7d: {  	[tilespmem:s31], [sflag:$0x5] =	stream.indirect_vreg.gather [hbm4b:s4+s2], $0x80, v3, vm0, $0x2000b8;
	[tilespmem:$0x18100] =	vst v63  }
0x7e: {  	s29 =	sadd.s32 $0x7500, s25  }
0x7f: {  	[tilespmem:s29], [sflag:$0x5] =	stream.indirect_vreg.gather [hbm4b:s10+s2], $0x80, v3, vm1, $0x2000b8;
	[tilespmem:$0x18100] =	vst v63  }
0x80: {  	v3 =	vld [tilespmem:s26+$0x50];
	_ =	sdelay $0x4  }
0x81: {  	v61 =	vshrl.u32 v3, $0x3  }
0x82: {  	v4 =	vmul.u32 $0x18, v61  }
0x83: {  	v3 =	vand.u32 $0x7, v3  }
0x84: {  	v3 =	vor.u32 v3, v4  }
0x85: {  	v4 =	vperm.xlane v3, v0;
	_ =	sdelay $0x1  }
0x86: {  	v4 =	vadd.s32 v1, v4;
	_ =	sdelay $0x1  }
0x87: {  	v3 =	vperm.xlane v3, v2;
	_ =	sdelay $0x1  }
0x88: {  	s30 =	sadd.s32 $0x7900, s25;
	v3 =	vadd.s32 v1, v3  }
0x89: {  	[tilespmem:s30], [sflag:$0x5] =	stream.indirect_vreg.gather [hbm4b:s4+s2], $0x80, v4, vm0, $0x2000b8;
	[tilespmem:$0x18100] =	vst v63  }
0x8a: {  	s31 =	sadd.s32 $0x8100, s25  }
0x8b: {  	[tilespmem:s31], [sflag:$0x5] =	stream.indirect_vreg.gather [hbm4b:s10+s2], $0x80, v4, vm1, $0x2000b8;
	[tilespmem:$0x18100] =	vst v63  }
0x8c: {  	s29 =	sadd.s32 $0x8500, s25  }
0x8d: {  	[tilespmem:s29], [sflag:$0x5] =	stream.indirect_vreg.gather [hbm4b:s4+s2], $0x80, v3, vm0, $0x2000b8;
	[tilespmem:$0x18100] =	vst v63  }
0x8e: {  	s30 =	sadd.s32 $0x8D00, s25  }
0x8f: {  	[tilespmem:s30], [sflag:$0x5] =	stream.indirect_vreg.gather [hbm4b:s10+s2], $0x80, v3, vm1, $0x2000b8;
	[tilespmem:$0x18100] =	vst v63  }
0x90: {  	v3 =	vld [tilespmem:s26+$0x60];
	_ =	sdelay $0x4  }
0x91: {  	v62 =	vshrl.u32 v3, $0x3  }
0x92: {  	v4 =	vmul.u32 $0x18, v62  }
0x93: {  	v3 =	vand.u32 $0x7, v3  }
0x94: {  	v3 =	vor.u32 v3, v4  }
0x95: {  	v4 =	vperm.xlane v3, v0;
	_ =	sdelay $0x1  }
0x96: {  	v4 =	vadd.s32 v1, v4;
	_ =	sdelay $0x1  }
0x97: {  	v3 =	vperm.xlane v3, v2;
	_ =	sdelay $0x1  }
0x98: {  	s31 =	sadd.s32 $0x9100, s25;
	v3 =	vadd.s32 v1, v3  }
0x99: {  	[tilespmem:s31], [sflag:$0x5] =	stream.indirect_vreg.gather [hbm4b:s4+s2], $0x80, v4, vm0, $0x2000b8;
	[tilespmem:$0x18100] =	vst v63  }
0x9a: {  	s29 =	sadd.s32 $0x9900, s25  }
0x9b: {  	[tilespmem:s29], [sflag:$0x5] =	stream.indirect_vreg.gather [hbm4b:s10+s2], $0x80, v4, vm1, $0x2000b8;
	[tilespmem:$0x18100] =	vst v63  }
0x9c: {  	s30 =	sadd.s32 $0x9D00, s25  }
0x9d: {  	[tilespmem:s30], [sflag:$0x5] =	stream.indirect_vreg.gather [hbm4b:s4+s2], $0x80, v3, vm0, $0x2000b8;
	[tilespmem:$0x18100] =	vst v63  }
0x9e: {  	s31 =	sadd.s32 $0xA500, s25  }
0x9f: {  	[tilespmem:s31], [sflag:$0x5] =	stream.indirect_vreg.gather [hbm4b:s10+s2], $0x80, v3, vm1, $0x2000b8;
	[tilespmem:$0x18100] =	vst v63  }
0xa0: {  	v3 =	vld [tilespmem:s26+$0x70];
	_ =	sdelay $0x4  }
0xa1: {  	v63 =	vshrl.u32 v3, $0x3  }
0xa2: {  	v4 =	vmul.u32 $0x18, v63  }
0xa3: {  	v3 =	vand.u32 $0x7, v3  }
0xa4: {  	v3 =	vor.u32 v3, v4  }
0xa5: {  	v4 =	vperm.xlane v3, v0;
	_ =	sdelay $0x1  }
0xa6: {  	v4 =	vadd.s32 v1, v4;
	_ =	sdelay $0x1  }
0xa7: {  	v3 =	vperm.xlane v3, v2;
	_ =	sdelay $0x1  }
0xa8: {  	s29 =	sadd.s32 $0xA900, s25;
	v3 =	vadd.s32 v1, v3  }
0xa9: {  	[tilespmem:s29], [sflag:$0x5] =	stream.indirect_vreg.gather [hbm4b:s4+s2], $0x80, v4, vm0, $0x2000b8;
	[tilespmem:$0x18100] =	vst v63  }
0xaa: {  	s30 =	sadd.s32 $0xB100, s25  }
0xab: {  	[tilespmem:s30], [sflag:$0x5] =	stream.indirect_vreg.gather [hbm4b:s10+s2], $0x80, v4, vm1, $0x2000b8;
	[tilespmem:$0x18100] =	vst v63  }
0xac: {  	p2 =	por !p2, !p2;
	p3 =	seq.s32 s22, s17;
	s31 =	sadd.s32 $0xB500, s25  }
0xad: {  	[tilespmem:s31], [sflag:$0x5] =	stream.indirect_vreg.gather [hbm4b:s4+s2], $0x80, v3, vm0, $0x2000b8;
	[tilespmem:$0x18100] =	vst v63  }
0xae: {  	p2 =	por !p2, !p3;
	s25 =	sadd.s32 $0xBD00, s25  }
0xaf: {  	[tilespmem:s25], [sflag:$0x5] =	stream.indirect_vreg.gather [hbm4b:s10+s2], $0x80, v3, vm1, $0x2000b8;
	[tilespmem:$0x18100] =	vst v63  }
0xb0: {  	s22 =	sadd.s32 s8, s22;
	p2 =	por !p2, !p2;
	_ =	swait.ge [sflag:s13], $0xC000  }
0xb1: {  	s22 =	smul.u32 @!p2 $0x1800, s22;
	p0 =	por p2, p0;
	[sflag:s13] =	ssyncset.done $0x0  }
.Ltmp2:
0xb2: {  	[sflag:s13] =	ssyncadd.s32 $0xFFFF4000;
	(pc) =	sbr.rel @!p0 .LBB2_4-.Ltmp2, $4  }
0xb3: {  	s22 =	sadd.s32 @!p2 s1, s22;
	_ =	strace $0x9000005A  }
0xb4: {  	s23 =	sadd.s32 @!p2 $0x3, s23;
	s25 =	simm.s32 @!p2 $0x0;
	_ =	strace @!p2 $0x8000005B  }
0xb5: {  	[hbm4b:s22+s25] =	stream.linear.scatter @!p2 [tilespmem:s24], [sflag:s23], $0xC000, $0x200038;
	[tilespmem:$0x18100] =	vst v63  }
0xb6: {  	_ =	strace @!p2 $0x9000005B  }
.Ltmp3:
0xb7: {  	s22 =	simm.s32 $0x1;
	(pc) =	sbr.rel .LBB2_2-.Ltmp3, $4  }
0xb8: {  	s23 =	simm.s32 @!p2 $0x1;
	s16 =	sadd.s32 s20, s16;
	s22 =	simm.s32 @!p1 $0x0  }
0xb9: {  	s20 =	simm.s32 $0x1;
	s19 =	sadd.s32 s22, s19;
	s22 =	sadd.s32 @!p2 $0x1, s21  }
0xba: {  	p0 =	por $0x0, $0x0;
	s23 =	simm.s32 @p2 $0x0;
	s22 =	smov.u32 @p2 s21  }
0xbb: {  	s18 =	sadd.s32 s18, s23;
	p2 =	por $0x1, $0x1;
	s21 =	smov.u32 s22  }
.LBB2_4:
0xbc: {  	s16 =	sand.u32 $0x1, s16  }
0xbd: {  	_ =	strace $0x8000005C;
	s16 =	sadd.s32 $0x3, s16  }
0xbe: {  	_ =	swait.ge [sflag:s16], $0xC000  }
0xbf: {  	[sflag:s16] =	ssyncset.done $0x0  }
0xc0: {  	[sflag:s16] =	ssyncadd.s32 $0xFFFF4000  }
0xc1: {  	_ =	strace $0x9000005C  }
0xc2: {  	_ =	strace $0x8000005D  }
0xc3: {  	_ =	swait.ge [sflag:s14], $0xC000  }
0xc4: {  	[sflag:s14] =	ssyncset.done $0x0  }
0xc5: {  	p0 =	por $0x1, $0x1;
	p2 =	por $0x0, $0x0;
	[sflag:s14] =	ssyncadd.s32 $0xFFFF4000  }
0xc6: {  	s18 =	simm.s32 $0x1;
	s17 =	simm.s32 $0x0;
	_ =	strace $0x9000005D  }
0xc7: {  	s21 =	simm.s32 $0x0;
	s16 =	simm.s32 $0x0;
	_ =	strace $0x8000005E  }
0xc8: {  	[tilespmem:s16], [sflag:$0x1] =	stream.linear.gather [hbm4b:s9+s16], $0x80, $0x200038;
	[tilespmem:$0x18100] =	vst v63  }
0xc9: {  	s19 =	simm.s32 $0x0;
	s20 =	simm.s32 $0x0;
	_ =	strace $0x9000005E  }
.LBB2_5:
0xca: {  	s22 =	smov.u32 s16;
	s16 =	sadd.s32 $0x1, s16  }
0xcb: {  	p1 =	seq.s32 s16, $0x2  }
0xcc: {  	s16 =	simm.s32 @p1 $0x0  }
0xcd: {  	p1 =	sne.s32 s22, s16  }
0xce: {  	p1 =	por !p0, !p1  }
0xcf: {  	p1 =	por !p1, !p1  }
0xd0: {  	s23 =	sadd.s32 @p1 s8, s16  }
0xd1: {  	s24 =	sand.u32 @p1 $0x1, s18;
	s23 =	sshll.u32 @p1 s23, $0x4  }
0xd2: {  	_ =	strace @p1 $0x8000005F;
	s26 =	simm.s32 @p1 $0x0;
	s23 =	sand.u32 @p1 $0x1FFFFFF0, s23  }
0xd3: {  	s25 =	sshll.u32 @p1 s24, $0x7;
	s24 =	sadd.s32 @p1 $0x1, s24;
	s23 =	sadd.s32 @p1 s6, s23  }
0xd4: {  	[tilespmem:s25], [sflag:s24] =	stream.linear.gather @p1 [hbm4b:s23+s26], $0x80, $0x200038;
	[tilespmem:$0x18100] =	vst v63  }
0xd5: {  	s26 =	sand.u32 $0x1, s19;
	_ =	strace @p1 $0x9000005F  }
0xd6: {  	s23 =	sadd.s32 $0x1, s26;
	_ =	strace $0x80000060  }
0xd7: {  	_ =	swait.ge [sflag:s23], $0x80  }
0xd8: {  	[sflag:s23] =	ssyncset.done $0x0  }
0xd9: {  	[sflag:s23] =	ssyncadd.s32 $0xFFFFFF80  }
0xda: {  	s28 =	sshll.u32 s19, $0x7;
	_ =	strace $0x90000060  }
0xdb: {  	s26 =	sand.u32 $0x80, s28;
	_ =	strace $0x80000061  }
0xdc: {  	v3 =	vld [tilespmem:s26+$0x0];
	_ =	sdelay $0x4  }
0xdd: {  	v4 =	vshrl.u32 v3, $0x3  }
0xde: {  	v4 =	vmul.u32 $0x18, v4  }
0xdf: {  	v3 =	vand.u32 $0x7, v3  }
0xe0: {  	v3 =	vor.u32 v3, v4  }
0xe1: {  	v4 =	vperm.xlane v3, v0;
	_ =	sdelay $0x1  }
0xe2: {  	s23 =	sand.u32 $0x1, s21;
	v4 =	vadd.s32 v1, v4  }
0xe3: {  	s29 =	smul.u32 $0x30000, s23  }
0xe4: {  	v3 =	vperm.xlane v3, v2  }
0xe5: {  	s25 =	sshrl.u32 s29, $0x2  }
0xe6: {  	s24 =	sor.u32 $0x100, s25;
	v3 =	vadd.s32 v1, v3  }
0xe7: {  	[tilespmem:s24], [sflag:$0x5] =	stream.indirect_vreg.gather [hbm4b:s5+s2], $0x80, v4, vm0, $0x2000b8;
	[tilespmem:$0x18100] =	vst v63  }
0xe8: {  	s28 =	sor.u32 $0x900, s25  }
0xe9: {  	[tilespmem:s28], [sflag:$0x5] =	stream.indirect_vreg.gather [hbm4b:s11+s2], $0x80, v4, vm1, $0x2000b8;
	[tilespmem:$0x18100] =	vst v63  }
0xea: {  	s30 =	sor.u32 $0xD00, s25  }
0xeb: {  	[tilespmem:s30], [sflag:$0x5] =	stream.indirect_vreg.gather [hbm4b:s5+s2], $0x80, v3, vm0, $0x2000b8;
	[tilespmem:$0x18100] =	vst v63  }
0xec: {  	s31 =	sor.u32 $0x1500, s25  }
0xed: {  	[tilespmem:s31], [sflag:$0x5] =	stream.indirect_vreg.gather [hbm4b:s11+s2], $0x80, v3, vm1, $0x2000b8;
	[tilespmem:$0x18100] =	vst v63  }
0xee: {  	v3 =	vld [tilespmem:s26+$0x10];
	_ =	sdelay $0x4  }
0xef: {  	v57 =	vshrl.u32 v3, $0x3  }
0xf0: {  	v4 =	vmul.u32 $0x18, v57  }
0xf1: {  	v3 =	vand.u32 $0x7, v3  }
0xf2: {  	v3 =	vor.u32 v3, v4  }
0xf3: {  	v4 =	vperm.xlane v3, v0;
	_ =	sdelay $0x1  }
0xf4: {  	v4 =	vadd.s32 v1, v4;
	_ =	sdelay $0x1  }
0xf5: {  	v3 =	vperm.xlane v3, v2;
	_ =	sdelay $0x1  }
0xf6: {  	s29 =	sor.u32 $0x1900, s25;
	v3 =	vadd.s32 v1, v3  }
0xf7: {  	[tilespmem:s29], [sflag:$0x5] =	stream.indirect_vreg.gather [hbm4b:s5+s2], $0x80, v4, vm0, $0x2000b8;
	[tilespmem:$0x18100] =	vst v63  }
0xf8: {  	s30 =	sor.u32 $0x2100, s25  }
0xf9: {  	[tilespmem:s30], [sflag:$0x5] =	stream.indirect_vreg.gather [hbm4b:s11+s2], $0x80, v4, vm1, $0x2000b8;
	[tilespmem:$0x18100] =	vst v63  }
0xfa: {  	s31 =	sor.u32 $0x2500, s25  }
0xfb: {  	[tilespmem:s31], [sflag:$0x5] =	stream.indirect_vreg.gather [hbm4b:s5+s2], $0x80, v3, vm0, $0x2000b8;
	[tilespmem:$0x18100] =	vst v63  }
0xfc: {  	s29 =	sor.u32 $0x2D00, s25  }
0xfd: {  	[tilespmem:s29], [sflag:$0x5] =	stream.indirect_vreg.gather [hbm4b:s11+s2], $0x80, v3, vm1, $0x2000b8;
	[tilespmem:$0x18100] =	vst v63  }
0xfe: {  	v3 =	vld [tilespmem:s26+$0x20];
	_ =	sdelay $0x4  }
0xff: {  	v58 =	vshrl.u32 v3, $0x3  }
0x100: {  	v4 =	vmul.u32 $0x18, v58  }
0x101: {  	v3 =	vand.u32 $0x7, v3  }
0x102: {  	v3 =	vor.u32 v3, v4  }
0x103: {  	v4 =	vperm.xlane v3, v0;
	_ =	sdelay $0x1  }
0x104: {  	v4 =	vadd.s32 v1, v4;
	_ =	sdelay $0x1  }
0x105: {  	v3 =	vperm.xlane v3, v2;
	_ =	sdelay $0x1  }
0x106: {  	s30 =	sor.u32 $0x3100, s25;
	v3 =	vadd.s32 v1, v3  }
0x107: {  	[tilespmem:s30], [sflag:$0x5] =	stream.indirect_vreg.gather [hbm4b:s5+s2], $0x80, v4, vm0, $0x2000b8;
	[tilespmem:$0x18100] =	vst v63  }
0x108: {  	s31 =	sor.u32 $0x3900, s25  }
0x109: {  	[tilespmem:s31], [sflag:$0x5] =	stream.indirect_vreg.gather [hbm4b:s11+s2], $0x80, v4, vm1, $0x2000b8;
	[tilespmem:$0x18100] =	vst v63  }
0x10a: {  	s29 =	sor.u32 $0x3D00, s25  }
0x10b: {  	[tilespmem:s29], [sflag:$0x5] =	stream.indirect_vreg.gather [hbm4b:s5+s2], $0x80, v3, vm0, $0x2000b8;
	[tilespmem:$0x18100] =	vst v63  }
0x10c: {  	s30 =	sadd.s32 $0x4500, s25  }
0x10d: {  	[tilespmem:s30], [sflag:$0x5] =	stream.indirect_vreg.gather [hbm4b:s11+s2], $0x80, v3, vm1, $0x2000b8;
	[tilespmem:$0x18100] =	vst v63  }
0x10e: {  	v3 =	vld [tilespmem:s26+$0x30];
	_ =	sdelay $0x4  }
0x10f: {  	v59 =	vshrl.u32 v3, $0x3  }
0x110: {  	v4 =	vmul.u32 $0x18, v59  }
0x111: {  	v3 =	vand.u32 $0x7, v3  }
0x112: {  	v3 =	vor.u32 v3, v4  }
0x113: {  	v4 =	vperm.xlane v3, v0;
	_ =	sdelay $0x1  }
0x114: {  	v4 =	vadd.s32 v1, v4;
	_ =	sdelay $0x1  }
0x115: {  	v3 =	vperm.xlane v3, v2;
	_ =	sdelay $0x1  }
0x116: {  	s31 =	sadd.s32 $0x4900, s25;
	v3 =	vadd.s32 v1, v3  }
0x117: {  	[tilespmem:s31], [sflag:$0x5] =	stream.indirect_vreg.gather [hbm4b:s5+s2], $0x80, v4, vm0, $0x2000b8;
	[tilespmem:$0x18100] =	vst v63  }
0x118: {  	s29 =	sadd.s32 $0x5100, s25  }
0x119: {  	[tilespmem:s29], [sflag:$0x5] =	stream.indirect_vreg.gather [hbm4b:s11+s2], $0x80, v4, vm1, $0x2000b8;
	[tilespmem:$0x18100] =	vst v63  }
0x11a: {  	s30 =	sadd.s32 $0x5500, s25  }
0x11b: {  	[tilespmem:s30], [sflag:$0x5] =	stream.indirect_vreg.gather [hbm4b:s5+s2], $0x80, v3, vm0, $0x2000b8;
	[tilespmem:$0x18100] =	vst v63  }
0x11c: {  	s31 =	sadd.s32 $0x5D00, s25  }
0x11d: {  	[tilespmem:s31], [sflag:$0x5] =	stream.indirect_vreg.gather [hbm4b:s11+s2], $0x80, v3, vm1, $0x2000b8;
	[tilespmem:$0x18100] =	vst v63  }
0x11e: {  	v3 =	vld [tilespmem:s26+$0x40];
	_ =	sdelay $0x4  }
0x11f: {  	v60 =	vshrl.u32 v3, $0x3  }
0x120: {  	v4 =	vmul.u32 $0x18, v60  }
0x121: {  	v3 =	vand.u32 $0x7, v3  }
0x122: {  	v3 =	vor.u32 v3, v4  }
0x123: {  	v4 =	vperm.xlane v3, v0;
	_ =	sdelay $0x1  }
0x124: {  	v4 =	vadd.s32 v1, v4;
	_ =	sdelay $0x1  }
0x125: {  	v3 =	vperm.xlane v3, v2;
	_ =	sdelay $0x1  }
0x126: {  	s29 =	sadd.s32 $0x6100, s25;
	v3 =	vadd.s32 v1, v3  }
0x127: {  	[tilespmem:s29], [sflag:$0x5] =	stream.indirect_vreg.gather [hbm4b:s5+s2], $0x80, v4, vm0, $0x2000b8;
	[tilespmem:$0x18100] =	vst v63  }
0x128: {  	s30 =	sadd.s32 $0x6900, s25  }
0x129: {  	[tilespmem:s30], [sflag:$0x5] =	stream.indirect_vreg.gather [hbm4b:s11+s2], $0x80, v4, vm1, $0x2000b8;
	[tilespmem:$0x18100] =	vst v63  }
0x12a: {  	s31 =	sadd.s32 $0x6D00, s25  }
0x12b: {  	[tilespmem:s31], [sflag:$0x5] =	stream.indirect_vreg.gather [hbm4b:s5+s2], $0x80, v3, vm0, $0x2000b8;
	[tilespmem:$0x18100] =	vst v63  }
0x12c: {  	s29 =	sadd.s32 $0x7500, s25  }
0x12d: {  	[tilespmem:s29], [sflag:$0x5] =	stream.indirect_vreg.gather [hbm4b:s11+s2], $0x80, v3, vm1, $0x2000b8;
	[tilespmem:$0x18100] =	vst v63  }
0x12e: {  	v3 =	vld [tilespmem:s26+$0x50];
	_ =	sdelay $0x4  }
0x12f: {  	v61 =	vshrl.u32 v3, $0x3  }
0x130: {  	v4 =	vmul.u32 $0x18, v61  }
0x131: {  	v3 =	vand.u32 $0x7, v3  }
0x132: {  	v3 =	vor.u32 v3, v4  }
0x133: {  	v4 =	vperm.xlane v3, v0;
	_ =	sdelay $0x1  }
0x134: {  	v4 =	vadd.s32 v1, v4;
	_ =	sdelay $0x1  }
0x135: {  	v3 =	vperm.xlane v3, v2;
	_ =	sdelay $0x1  }
0x136: {  	s30 =	sadd.s32 $0x7900, s25;
	v3 =	vadd.s32 v1, v3  }
0x137: {  	[tilespmem:s30], [sflag:$0x5] =	stream.indirect_vreg.gather [hbm4b:s5+s2], $0x80, v4, vm0, $0x2000b8;
	[tilespmem:$0x18100] =	vst v63  }
0x138: {  	s31 =	sadd.s32 $0x8100, s25  }
0x139: {  	[tilespmem:s31], [sflag:$0x5] =	stream.indirect_vreg.gather [hbm4b:s11+s2], $0x80, v4, vm1, $0x2000b8;
	[tilespmem:$0x18100] =	vst v63  }
0x13a: {  	s29 =	sadd.s32 $0x8500, s25  }
0x13b: {  	[tilespmem:s29], [sflag:$0x5] =	stream.indirect_vreg.gather [hbm4b:s5+s2], $0x80, v3, vm0, $0x2000b8;
	[tilespmem:$0x18100] =	vst v63  }
0x13c: {  	s30 =	sadd.s32 $0x8D00, s25  }
0x13d: {  	[tilespmem:s30], [sflag:$0x5] =	stream.indirect_vreg.gather [hbm4b:s11+s2], $0x80, v3, vm1, $0x2000b8;
	[tilespmem:$0x18100] =	vst v63  }
0x13e: {  	v3 =	vld [tilespmem:s26+$0x60];
	_ =	sdelay $0x4  }
0x13f: {  	v62 =	vshrl.u32 v3, $0x3  }
0x140: {  	v4 =	vmul.u32 $0x18, v62  }
0x141: {  	v3 =	vand.u32 $0x7, v3  }
0x142: {  	v3 =	vor.u32 v3, v4  }
0x143: {  	v4 =	vperm.xlane v3, v0;
	_ =	sdelay $0x1  }
0x144: {  	v4 =	vadd.s32 v1, v4;
	_ =	sdelay $0x1  }
0x145: {  	v3 =	vperm.xlane v3, v2;
	_ =	sdelay $0x1  }
0x146: {  	s31 =	sadd.s32 $0x9100, s25;
	v3 =	vadd.s32 v1, v3  }
0x147: {  	[tilespmem:s31], [sflag:$0x5] =	stream.indirect_vreg.gather [hbm4b:s5+s2], $0x80, v4, vm0, $0x2000b8;
	[tilespmem:$0x18100] =	vst v63  }
0x148: {  	s29 =	sadd.s32 $0x9900, s25  }
0x149: {  	[tilespmem:s29], [sflag:$0x5] =	stream.indirect_vreg.gather [hbm4b:s11+s2], $0x80, v4, vm1, $0x2000b8;
	[tilespmem:$0x18100] =	vst v63  }
0x14a: {  	s30 =	sadd.s32 $0x9D00, s25  }
0x14b: {  	[tilespmem:s30], [sflag:$0x5] =	stream.indirect_vreg.gather [hbm4b:s5+s2], $0x80, v3, vm0, $0x2000b8;
	[tilespmem:$0x18100] =	vst v63  }
0x14c: {  	s31 =	sadd.s32 $0xA500, s25  }
0x14d: {  	[tilespmem:s31], [sflag:$0x5] =	stream.indirect_vreg.gather [hbm4b:s11+s2], $0x80, v3, vm1, $0x2000b8;
	[tilespmem:$0x18100] =	vst v63  }
0x14e: {  	v3 =	vld [tilespmem:s26+$0x70];
	_ =	sdelay $0x4  }
0x14f: {  	v63 =	vshrl.u32 v3, $0x3  }
0x150: {  	v4 =	vmul.u32 $0x18, v63  }
0x151: {  	v3 =	vand.u32 $0x7, v3  }
0x152: {  	v3 =	vor.u32 v3, v4  }
0x153: {  	v4 =	vperm.xlane v3, v0;
	_ =	sdelay $0x1  }
0x154: {  	v4 =	vadd.s32 v1, v4;
	_ =	sdelay $0x1  }
0x155: {  	v3 =	vperm.xlane v3, v2;
	_ =	sdelay $0x1  }
0x156: {  	s29 =	sadd.s32 $0xA900, s25;
	v3 =	vadd.s32 v1, v3  }
0x157: {  	[tilespmem:s29], [sflag:$0x5] =	stream.indirect_vreg.gather [hbm4b:s5+s2], $0x80, v4, vm0, $0x2000b8;
	[tilespmem:$0x18100] =	vst v63  }
0x158: {  	s30 =	sadd.s32 $0xB100, s25  }
0x159: {  	[tilespmem:s30], [sflag:$0x5] =	stream.indirect_vreg.gather [hbm4b:s11+s2], $0x80, v4, vm1, $0x2000b8;
	[tilespmem:$0x18100] =	vst v63  }
0x15a: {  	p2 =	por !p2, !p2;
	p3 =	seq.s32 s22, s16;
	s31 =	sadd.s32 $0xB500, s25  }
0x15b: {  	[tilespmem:s31], [sflag:$0x5] =	stream.indirect_vreg.gather [hbm4b:s5+s2], $0x80, v3, vm0, $0x2000b8;
	[tilespmem:$0x18100] =	vst v63  }
0x15c: {  	p2 =	por !p2, !p3;
	s25 =	sadd.s32 $0xBD00, s25  }
0x15d: {  	[tilespmem:s25], [sflag:$0x5] =	stream.indirect_vreg.gather [hbm4b:s11+s2], $0x80, v3, vm1, $0x2000b8;
	[tilespmem:$0x18100] =	vst v63  }
0x15e: {  	s22 =	sadd.s32 s8, s22;
	p2 =	por !p2, !p2;
	_ =	swait.ge [sflag:s13], $0xC000  }
0x15f: {  	s22 =	smul.u32 @!p2 $0x1800, s22;
	p0 =	por p2, p0;
	[sflag:s13] =	ssyncset.done $0x0  }
.Ltmp4:
0x160: {  	[sflag:s13] =	ssyncadd.s32 $0xFFFF4000;
	(pc) =	sbr.rel @!p0 .LBB2_7-.Ltmp4, $4  }
0x161: {  	s22 =	sadd.s32 @!p2 s7, s22;
	_ =	strace $0x90000061  }
0x162: {  	s23 =	sadd.s32 @!p2 $0x3, s23;
	s25 =	simm.s32 @!p2 $0x0;
	_ =	strace @!p2 $0x80000062  }
0x163: {  	[hbm4b:s22+s25] =	stream.linear.scatter @!p2 [tilespmem:s24], [sflag:s23], $0xC000, $0x200038;
	[tilespmem:$0x18100] =	vst v63  }
0x164: {  	_ =	strace @!p2 $0x90000062  }
.Ltmp5:
0x165: {  	s22 =	simm.s32 $0x1;
	(pc) =	sbr.rel .LBB2_5-.Ltmp5, $4  }
0x166: {  	s23 =	simm.s32 @!p2 $0x1;
	s17 =	sadd.s32 s20, s17;
	s22 =	simm.s32 @!p1 $0x0  }
0x167: {  	s20 =	simm.s32 $0x1;
	s18 =	sadd.s32 s22, s18;
	s22 =	sadd.s32 @!p2 $0x1, s21  }
0x168: {  	p0 =	por $0x0, $0x0;
	s23 =	simm.s32 @p2 $0x0;
	s22 =	smov.u32 @p2 s21  }
0x169: {  	s19 =	sadd.s32 s19, s23;
	p2 =	por $0x1, $0x1;
	s21 =	smov.u32 s22  }
.LBB2_8:
0x16a: {  	_ =	sfence.sel $0x180000  }
0x16b: {  	[bflag:$0x0] =	sbarrier.arrive $0xFFFF  }
0x16c: {  	p0 =	sne.s32 s3, $0x0;
	_ =	strace $0x90000056  }
0x16d: {  	s0 =	sadd.s32 @!p0 $0x100000, s0;
	[bflag:$0x2] =	sbarrier.arrive $0xFFFF  }
0x16e: {  	[sflag:s0] =	ssyncadd.tile.s32 @!p0 $0x1;
	_ =	shalt  }
.Lfunc_end2:
_tile_overlayer_lowered:
.L_overlay_start_2:
0x16f: {  	(tag) =	ssettag $0x2  }
0x170: {  	s0 =	rddreg [dreg:$0x0];
	s2 =	stileid.u32  }
0x171: {  	s1 =	rddreg [dreg:$0x1];
	p0 =	sne.s32 s2, $0x0  }
0x172: {  	s3 =	rddreg [dreg:$0x2];
	[bflag:$0x3] =	sbarrier.arrive $0xFFFF;
	s2 =	simm.s32 @!p0 $0x1C01  }
0x173: {  	[timem:s3], [sflag:s2] =	dma.local @!p0 [hbm:s0], s1  }
0x174: {  	s0 =	simm.s32 @!p0 $0x1  }
0x175: {  	_ =	swait.ge @!p0 [sflag:s0], s1  }
0x176: {  	s1 =	ssub.s32 @!p0 $0x0, s1;
	[sflag:s0] =	ssyncset.done @!p0 $0x0  }
0x177: {  	[sflag:s0] =	ssyncadd.s32 @!p0 s1  }
0x178: {  	[bflag:$0x3] =	sbarrier.arrive $0xFFFF  }
0x179: {  	_ =	shalt  }

// kernel: kernel.7.cloned.1.call-start
scs
__scs_entry_jumppad:
0x0: {  	(pc) =	sbr.rel $0x88, $3  }
0x1: {  	(tag) =	ssettag $0x0;
	lr =	simm.s32 $0x1  }
0x2: {  	[smem:$0x3F9B] =	sst lr;
	_ =	strace $0xD0000000  }
0x3: {  	_ = 	snop  }
0x4: {  	_ = 	snop  }
0x5: {  	_ = 	snop  }
0x6: {  	_ = 	snop  }
0x7: {  	_ = 	snop  }
__scs_overlays_trampoline_lowered:
0x8: {  	[smem:$0x3FAA] =	sst s0  }
0x9: {  	[smem:$0x3FAB] =	sst s1  }
0xa: {  	[smem:$0x3FAC] =	sst s2  }
0xb: {  	[smem:$0x3FAD] =	sst s3  }
0xc: {  	[smem:$0x3FAE] =	sst s4  }
0xd: {  	[smem:$0x3FAF] =	sst s5  }
0xe: {  	[smem:$0x3FB0] =	sst s6  }
0xf: {  	[smem:$0x3FB1] =	sst s7  }
0x10: {  	[smem:$0x3FB2] =	sst s8  }
0x11: {  	[smem:$0x3FB3] =	sst s9;
	s0 =	simm.s32 @!p0 $0x0  }
0x12: {  	s1 =	sld [smem:$0x3F99];
	s0 =	simm.s32 @p0 $0x1  }
0x13: {  	[smem:$0x3FB4] =	sst s0;
	s0 =	simm.s32 @!p1 $0x0  }
0x14: {  	s2 =	sld [smem:$0x3F98];
	s0 =	simm.s32 @p1 $0x1  }
0x15: {  	[smem:$0x3FB5] =	sst s0;
	s0 =	simm.s32 @!p2 $0x0  }
0x16: {  	s3 =	sld [smem:$0x3FDB];
	s0 =	simm.s32 @p2 $0x1  }
0x17: {  	s4 =	simm.s32 $0x1BF5;
	[smem:$0x3FB7] =	sst s0  }
0x18: {  	s0 =	sld [smem:$0x3F9A];
	_ =	swait.ge [sflag:s4], $0x0  }
0x19: {  	s7 =	sld [smem:$0x3F9B]  }
0x1a: {  	s8 =	sadd.s32 $0xFFFFE003, lr  }
0x1b: {  	s9 =	sadd.s32 $0xFFFFFEF7, lr;
	s5 =	simm.s32 $0xFFFFFFFF;
	p2 =	slt.u32 s8, $0xFFFFF086  }
0x1c: {  	p1 =	slt.u32 s9, $0xF7A;
	s5 =	simm.s32 @!p2 $0x0  }
0x1d: {  	s5 =	simm.s32 @p1 $0x1;
	p0 =	seq.s32 s7, s2  }
0x1e: {  	s7 =	smul.u32 @!p0 $0xF7A, s2;
	p2 =	seq.s32 @!p0 s5, $0x0  }
0x1f: {  	s9 =	smul.u32 $0xF7A, s1;
	s8 =	simm.s32 @!p0 $0x1BF5;
	p2 =	por !p2, p0  }
0x20: {  	[sflag:s8] =	ssyncset.s32 @!p0 $0xFFFFF086;
	s6 =	sadd.s32 @!p0 s3, s7;
	s7 =	simm.s32 @!p0 $0x108  }
0x21: {  	s3 =	sadd.s32 s3, s9;
	s6 =	sadd.s32 @!p0 $0x88, s6;
	s7 =	simm.s32 @p2 $0x1082  }
0x22: {  	[simem:s7], [sflag:s8] =	dma.local @!p0 [hbm:s6], $0xF7A  }
0x23: {  	s9 =	sor.u32 $0xD0000000, s2;
	s6 =	simm.s32 $0x108;
	_ =	swait.ge @!p0 [sflag:s8], $0x0  }
0x24: {  	s3 =	sadd.s32 $0x88, s3;
	s6 =	simm.s32 @!p1 $0x1082;
	[sflag:s4] =	ssyncset.s32 $0xFFFFF086  }
0x25: {  	[simem:s6], [sflag:s4] =	dma.local [hbm:s3], $0xF7A  }
0x26: {  	[smem:$0x3F9B] =	sst s1;
	(tag) =	ssettag s2;
	_ =	strace s9  }
0x27: {  	s1 =	sld [smem:$0x3FAB]  }
0x28: {  	s2 =	sld [smem:$0x3FAC]  }
0x29: {  	s4 =	sld [smem:$0x3FAE]  }
0x2a: {  	p0 =	seq.s32 s5, $0x0;
	s5 =	sld [smem:$0x3FAF]  }
0x2b: {  	s6 =	sld [smem:$0x3FB0]  }
0x2c: {  	s7 =	sld [smem:$0x3FB1]  }
0x2d: {  	s3 =	simm.s32 $0x108;
	s8 =	sld [smem:$0x3FB2]  }
0x2e: {  	s3 =	simm.s32 @!p0 $0x1082;
	s9 =	sld [smem:$0x3FB3]  }
0x2f: {  	lr =	sadd.s32 s0, s3;
	s0 =	sld [smem:$0x3FAA]  }
0x30: {  	s3 =	sld [smem:$0x3FAD]  }
0x31: {  	[smem:$0x3FB6] =	sst s10  }
0x32: {  	s10 =	sld [smem:$0x3FB4];
	_ =	sdelay $0x3  }
0x33: {  	p0 =	seq.s32 s10, $0x1;
	s10 =	sld [smem:$0x3FB6];
	_ =	sdelay $0x3  }
0x34: {  	[smem:$0x3FB6] =	sst s10  }
0x35: {  	s10 =	sld [smem:$0x3FB5];
	_ =	sdelay $0x3  }
0x36: {  	p1 =	seq.s32 s10, $0x1;
	s10 =	sld [smem:$0x3FB6];
	_ =	sdelay $0x3  }
0x37: {  	[smem:$0x3FB6] =	sst s10  }
0x38: {  	s10 =	sld [smem:$0x3FB7]  }
0x39: {  	_ = 	snop;
	(pc) =	sbr.ind lr, $3  }
0x3a: {  	_ = 	snop  }
0x3b: {  	_ = 	snop  }
0x3c: {  	p2 =	seq.s32 s10, $0x1;
	s10 =	sld [smem:$0x3FB6]  }
0x3d: {  	_ =	shalt  }
0x3e: {  	_ =	shalt  }
0x3f: {  	_ =	shalt  }
0x40: {  	_ =	shalt  }
0x41: {  	_ =	shalt  }
0x42: {  	_ =	shalt  }
0x43: {  	_ =	shalt  }
0x44: {  	_ =	shalt  }
0x45: {  	_ =	shalt  }
0x46: {  	_ =	shalt  }
0x47: {  	_ =	shalt  }
0x48: {  	_ =	shalt  }
0x49: {  	_ =	shalt  }
0x4a: {  	_ =	shalt  }
0x4b: {  	_ =	shalt  }
0x4c: {  	_ =	shalt  }
0x4d: {  	_ =	shalt  }
0x4e: {  	_ =	shalt  }
0x4f: {  	_ =	shalt  }
0x50: {  	_ =	shalt  }
0x51: {  	_ =	shalt  }
0x52: {  	_ =	shalt  }
0x53: {  	_ =	shalt  }
0x54: {  	_ =	shalt  }
0x55: {  	_ =	shalt  }
0x56: {  	_ =	shalt  }
0x57: {  	_ =	shalt  }
0x58: {  	_ =	shalt  }
0x59: {  	_ =	shalt  }
0x5a: {  	_ =	shalt  }
0x5b: {  	_ =	shalt  }
0x5c: {  	_ =	shalt  }
0x5d: {  	_ =	shalt  }
0x5e: {  	_ =	shalt  }
0x5f: {  	_ =	shalt  }
0x60: {  	_ =	shalt  }
0x61: {  	_ =	shalt  }
0x62: {  	_ =	shalt  }
0x63: {  	_ =	shalt  }
0x64: {  	_ =	shalt  }
0x65: {  	_ =	shalt  }
0x66: {  	_ =	shalt  }
0x67: {  	_ =	shalt  }
0x68: {  	_ =	shalt  }
0x69: {  	_ =	shalt  }
0x6a: {  	_ =	shalt  }
0x6b: {  	_ =	shalt  }
0x6c: {  	_ =	shalt  }
0x6d: {  	_ =	shalt  }
0x6e: {  	_ =	shalt  }
0x6f: {  	_ =	shalt  }
0x70: {  	_ =	shalt  }
0x71: {  	_ =	shalt  }
0x72: {  	_ =	shalt  }
0x73: {  	_ =	shalt  }
0x74: {  	_ =	shalt  }
0x75: {  	_ =	shalt  }
0x76: {  	_ =	shalt  }
0x77: {  	_ =	shalt  }
0x78: {  	_ =	shalt  }
0x79: {  	_ =	shalt  }
0x7a: {  	_ =	shalt  }
0x7b: {  	_ =	shalt  }
0x7c: {  	_ =	shalt  }
0x7d: {  	_ =	shalt  }
0x7e: {  	_ =	shalt  }
0x7f: {  	_ =	shalt  }
0x80: {  	_ =	shalt  }
0x81: {  	_ =	shalt  }
0x82: {  	_ =	shalt  }
0x83: {  	_ =	shalt  }
0x84: {  	_ =	shalt  }
0x85: {  	_ =	shalt  }
0x86: {  	_ =	shalt  }
0x87: {  	_ =	shalt  }
.Lfunc_end0:
.L_simem_size_0:
called_computation_lowered:
.L_overlay_start_0:
0x88: {  	s2 =	sld [smem:$0x3FD9]  }
0x89: {  	s3 =	sld [smem:$0x3FFE];
	_ =	sdelay $0x1  }
0x8a: {  	s1 =	srdreg.scid  }
0x8b: {  	s0 =	sand.u32 $0x1, s1  }
0x8c: {  	s17 =	sshll.u32 s0, $0xA;
	s2 =	sadd.s32 s3, s2  }
0x8d: {  	s2 =	sadd.s32 s2, s17  }
0x8e: {  	[smem:$0x3FC2] =	sst s2  }
0x8f: {  	_ = 	snop  }
0x90: {  	s2 =	sld [smem:$0x3FD0];
	(tm) =	ssettm $0x1  }
0x91: {  	s18 =	sld [smem:$0x3FFB];
	_ =	sdelay $0x3  }
0x92: {  	_ =	strace s18  }
0x93: {  	s3 =	sld [smem:$0x3FFC];
	_ =	sdelay $0x3  }
0x94: {  	_ =	strace s3  }
0x95: {  	s3 =	sld [smem:$0x3FFD];
	_ =	sdelay $0x3  }
0x96: {  	_ =	strace s3  }
0x97: {  	_ =	strace $0x8FFFFFFF  }
0x98: {  	s19 =	sld [smem:$0x3FDB];
	_ =	sdelay $0x1  }
0x99: {  	s4 =	simm.s32 $_scs_section_size  }
0x9a: {  	s5 =	simm.s32 $_size__tile_overlayer_lowered;
	s6 =	simm.s32 $_tile_overlayer_lowered  }
0x9b: {  	s22 =	simm.s32 $0x1BFF;
	s21 =	sshll.u32 s6, $0x1;
	s3 =	sadd.s32 s4, s19  }
0x9c: {  	s7 =	simm.s32 $0x0;
	s20 =	sshll.u32 s5, $0x1;
	s5 =	sadd.s32 s21, s3  }
0x9d: {  	[timem:s7], [sflag:s22] =	dma.local [hbm:s5], s20  }
0x9e: {  	_ =	swait.ge [sflag:s22], s20  }
0x9f: {  	s4 =	ssub.s32 $0x0, s20;
	[sflag:s22] =	ssyncset.done $0x0  }
0xa0: {  	[sflag:s22] =	ssyncadd.s32 s4;
	_ =	sdelay $0x1  }
0xa1: {  	s23 =	simm.s32 $0x1B8B  }
0xa2: {  	_ =	swait.ge [sflag:s23], $0x1  }
0xa3: {  	[sflag:s23] =	ssyncset.done $0x0  }
0xa4: {  	s25 =	simm.s32 $0x1B8E;
	s24 =	sld [smem:$0x3FFE];
	[sflag:s23] =	ssyncadd.s32 $0xFFFFFFFF  }
0xa5: {  	s26 =	simm.s32 $execute0_lowered;
	[smem:$0x3FD2] =	sst s25  }
0xa6: {  	s5 =	sshll.u32 s26, $0x1;
	_ =	strace $0x80000046;
	[dreg:$0x1] =	wrdreg $0xFFFFFFFF  }
0xa7: {  	s28 =	simm.s32 $_size_execute0_lowered;
	s3 =	sadd.s32 s3, s5;
	[dreg:$0x0] =	wrdreg $0x0  }
0xa8: {  	s5 =	sshll.u32 s28, $0x1;
	[dreg:$0x2] =	wrdreg s3  }
0xa9: {  	[dreg:$0x3] =	wrdreg s5  }
0xaa: {  	[dreg:$0x4] =	wrdreg $0xC0  }
0xab: {  	_ =	task [dreg:s7], $0x5FFFF  }
0xac: {  	[dreg:$0x1] =	wrdreg $0xFFFFFFFF  }
0xad: {  	[dreg:$0x0] =	wrdreg $0x60  }
0xae: {  	[dreg:$0x2] =	wrdreg s2  }
0xaf: {  	[dreg:$0x3] =	wrdreg s24  }
0xb0: {  	[dreg:$0x4] =	wrdreg $0x9  }
0xb1: {  	_ =	task.clear_ibuf [dreg:s7], $0x5FFFF;
	_ =	strace $0x90000046  }
0xb2: {  	s29 =	simm.s32 $0x9;
	_ =	strace $0x80000054  }
0xb3: {  	_ =	swait.ge [sflag:s29], $0x1  }
0xb4: {  	[sflag:s29] =	ssyncadd.s32 $0xFFFFFFFF  }
0xb5: {  	_ =	strace $0x90000054  }
0xb6: {  	_ =	sfence  }
0xb7: {  	s30 =	sld [smem:$0x0];
	_ =	sdelay $0x2  }
0xb8: {  	s31 =	sshll.u32 s1, $0xD;
	s1 =	sshrl.u32 s1, $0x2  }
0xb9: {  	s3 =	sand.u32 $0x4000, s31;
	s1 =	sadd.s32 s1, s30  }
0xba: {  	s0 =	sor.u32 s3, s0;
	s1 =	sshll.u32 s1, $0x11  }
0xbb: {  	s0 =	sor.u32 s1, s0  }
0xbc: {  	s0 =	sadd.s32 $0x8F2B, s0  }
0xbd: {  	[sflag:s0] =	ssyncadd.remote.s32 $0x1  }
0xbe: {  	_ =	sfence.sel $0xFFFF  }
0xbf: {  	[dreg:$0x0] =	wrdreg $0xFFFFFFFF;
	(pc) =	sbr.abs _section_cstart, $3  }
0xc0: {  	[dreg:$0x1] =	wrdreg $0xFFFFFFFF  }
0xc1: {  	_ =	task.clear_ibuf [dreg:s7], $0x2FFFF;
	_ =	strace $0x9FFFFFFF  }
0xc2: {  	(tm) =	ssettm $0x7FFFFFFF  }
0xc3: {  	_ =	shalt  }
tec
execute0_lowered:
.L_overlay_start_1:
0x0: {  	(tag) =	ssettag $0x1  }
0x1: {  	s1 =	rddreg [dreg:$0x0]  }
0x2: {  	s13 =	rddreg [dreg:$0x1]  }
0x3: {  	s0 =	rddreg [dreg:$0x2];
	s2 =	simm.s32 $0x0  }
0x4: {  	s5 =	srdreg.scid;
	s15 =	simm.s32 $0x18000;
	s16 =	simm.s32 $0x5  }
0x5: {  	s17 =	simm.s32 $0x0;
	[smem:$0x7FF] =	sst s2;
	s3 =	sadd.s32 $0x2000, s13  }
0x6: {  	s4 =	sadd.s32 $0x52200, s13;
	s6 =	sadd.s32 $0x52600, s13;
	s7 =	sadd.s32 $0xE2600, s13  }
0x7: {  	s8 =	sand.u32 $0x1, s5;
	s5 =	stileid.u32;
	_ =	strace $0x80000047  }
.Ltmp0:
0x8: {  	s9 =	ssub.s32 $0x2, s8;
	s8 =	sshll.u32 s8, $0x4;
	(pc) =	sbr.rel .LBB2_1-.Ltmp0, $4  }
0x9: {  	s12 =	smul.u32 $0x3000, s5;
	s10 =	sshrl.u32 s9, $0x1;
	s11 =	sor.u32 s5, s8  }
0xa: {  	v2 =	vlaneseq.u32;
	s14 =	ssub.s32 s9, s10;
	s8 =	sshll.u32 s11, $0x1;
	s31 =	sshll.u32 s11, $0x5  }
0xb: {  	vm0 =	vmmov $0xffff;
	vm1 =	vmmov $0xff;
	v1 =	vshrl.u32 v2, $0x3;
	s9 =	sadd.s32 s1, s12;
	s11 =	sadd.s32 $0x52700, s13;
	s12 =	sadd.s32 s3, s12  }
0xc: {  	v0 =	vand.u32 $0x7, v2;
	v2 =	vor.u32 $0x8, v2;
	v1 =	vmul.u32 $0x8, v1;
	s13 =	sadd.s32 $0xE2700, s13;
	s10 =	sadd.s32 s4, s31;
	s14 =	smax.u32 s14, $0x1  }
.LBB2_13:
0xd: {  	s17 =	sadd.s32 $0x1, s17  }
0xe: {  	p0 =	sne.s32 s17, s14  }
.Ltmp1:
0xf: {  	_ = 	snop;
	(pc) =	sbr.rel @!p0 .LBB2_14-.Ltmp1, $1  }
0x10: {  	_ =	sdelay $0x3  }
.LBB2_1:
0x11: {  	_ =	strace $0x80000048  }
.Ltmp2:
0x12: {  	p0 =	por $0x0, $0x0;
	p2 =	por $0x1, $0x1;
	(pc) =	sbr.rel .LBB2_2-.Ltmp2, $4  }
0x13: {  	[tilespmem:s2], [sflag:$0x1] =	stream.linear.gather [hbm4b:s9+s2], $0xC000, $0x200038;
	[tilespmem:$0x18100] =	vst v63  }
0x14: {  	s23 =	simm.s32 $0x0;
	s18 =	simm.s32 $0x0;
	s19 =	simm.s32 $0x1  }
0x15: {  	[tilespmem:s15], [sflag:$0x3] =	stream.linear.gather [hbm4b:s10+s2], $0x80, $0x200038;
	[tilespmem:$0x18100] =	vst v63  }
0x16: {  	s20 =	simm.s32 $0x0;
	s21 =	simm.s32 $0x1;
	_ =	strace $0x90000048  }
.LBB2_3:
0x17: {  	s24 =	sand.u32 $0x1, s19;
	s25 =	sshll.u32 s25, $0x4  }
0x18: {  	_ =	strace $0x8000004A;
	s26 =	sshll.u32 s24, $0x7;
	s25 =	sand.u32 $0x1FFFFFF0, s25  }
0x19: {  	s24 =	sadd.s32 $0x3, s24;
	s26 =	sor.u32 $0x18000, s26;
	s25 =	sadd.s32 s4, s25  }
0x1a: {  	[tilespmem:s26], [sflag:s24] =	stream.linear.gather [hbm4b:s25+s2], $0x80, $0x200038;
	[tilespmem:$0x18100] =	vst v63  }
0x1b: {  	s19 =	sadd.s32 $0x1, s19;
	_ =	strace $0x9000004A  }
.LBB2_5:
0x1c: {  	s24 =	sand.u32 $0x1, s20  }
0x1d: {  	_ =	strace $0x8000004B;
	s24 =	sadd.s32 $0x1, s24  }
0x1e: {  	_ =	swait.ge [sflag:s24], $0xC000  }
0x1f: {  	[sflag:s24] =	ssyncset.done $0x0  }
0x20: {  	[sflag:s24] =	ssyncadd.s32 $0xFFFF4000  }
0x21: {  	_ =	strace $0x9000004B  }
.LBB2_6:
0x22: {  	s24 =	sand.u32 $0x1, s18  }
0x23: {  	_ =	strace $0x8000004C;
	s24 =	sadd.s32 $0x3, s24  }
0x24: {  	_ =	swait.ge [sflag:s24], $0x80  }
0x25: {  	[sflag:s24] =	ssyncset.done $0x0  }
0x26: {  	[sflag:s24] =	ssyncadd.s32 $0xFFFFFF80  }
0x27: {  	s29 =	sshll.u32 s18, $0x7;
	_ =	strace $0x9000004C  }
0x28: {  	s25 =	sand.u32 $0x80, s29;
	_ =	strace $0x8000004D  }
0x29: {  	v3 =	vld [tilespmem:s25+$0x18000];
	_ =	sdelay $0x4  }
0x2a: {  	v4 =	vshrl.u32 v3, $0x3  }
0x2b: {  	v4 =	vmul.u32 $0x18, v4  }
0x2c: {  	v3 =	vand.u32 $0x7, v3  }
0x2d: {  	v3 =	vor.u32 v3, v4  }
0x2e: {  	v4 =	vperm.xlane v3, v0;
	_ =	sdelay $0x1  }
0x2f: {  	v4 =	vadd.s32 v1, v4;
	_ =	sdelay $0x1  }
0x30: {  	s30 =	sand.u32 $0x1, s20;
	v3 =	vperm.xlane v3, v2  }
0x31: {  	p4 =	seq.s32 s30, $0x1;
	s24 =	simm.s32 $0xC000  }
0x32: {  	s24 =	simm.s32 @!p4 $0x0;
	v3 =	vadd.s32 v1, v3  }
0x33: {  	[hbm4b:s6+s2] =	stream.indirect_vreg.scatter [tilespmem:s24], [sflag:$0x5], $0x80, v4, vm0, $0x2000b8;
	[tilespmem:$0x18100] =	vst v63  }
0x34: {  	s26 =	sor.u32 $0x800, s24  }
0x35: {  	[hbm4b:s11+s2] =	stream.indirect_vreg.scatter [tilespmem:s26], [sflag:$0x5], $0x80, v4, vm1, $0x2000b8;
	[tilespmem:$0x18100] =	vst v63  }
0x36: {  	s31 =	sor.u32 $0xC00, s24  }
0x37: {  	[hbm4b:s6+s2] =	stream.indirect_vreg.scatter [tilespmem:s31], [sflag:$0x5], $0x80, v3, vm0, $0x2000b8;
	[tilespmem:$0x18100] =	vst v63  }
0x38: {  	s28 =	sor.u32 $0x1400, s24  }
0x39: {  	[hbm4b:s11+s2] =	stream.indirect_vreg.scatter [tilespmem:s28], [sflag:$0x5], $0x80, v3, vm1, $0x2000b8;
	[tilespmem:$0x18100] =	vst v63  }
0x3a: {  	v3 =	vld [tilespmem:s25+$0x18010];
	_ =	sdelay $0x4  }
0x3b: {  	v57 =	vshrl.u32 v3, $0x3  }
0x3c: {  	v4 =	vmul.u32 $0x18, v57  }
0x3d: {  	v3 =	vand.u32 $0x7, v3  }
0x3e: {  	v3 =	vor.u32 v3, v4  }
0x3f: {  	v4 =	vperm.xlane v3, v0;
	_ =	sdelay $0x1  }
0x40: {  	v4 =	vadd.s32 v1, v4;
	_ =	sdelay $0x1  }
0x41: {  	v3 =	vperm.xlane v3, v2;
	_ =	sdelay $0x1  }
0x42: {  	s29 =	sor.u32 $0x1800, s24;
	v3 =	vadd.s32 v1, v3  }
0x43: {  	[hbm4b:s6+s2] =	stream.indirect_vreg.scatter [tilespmem:s29], [sflag:$0x5], $0x80, v4, vm0, $0x2000b8;
	[tilespmem:$0x18100] =	vst v63  }
0x44: {  	s30 =	sor.u32 $0x2000, s24  }
0x45: {  	[hbm4b:s11+s2] =	stream.indirect_vreg.scatter [tilespmem:s30], [sflag:$0x5], $0x80, v4, vm1, $0x2000b8;
	[tilespmem:$0x18100] =	vst v63  }
0x46: {  	s31 =	sor.u32 $0x2400, s24  }
0x47: {  	[hbm4b:s6+s2] =	stream.indirect_vreg.scatter [tilespmem:s31], [sflag:$0x5], $0x80, v3, vm0, $0x2000b8;
	[tilespmem:$0x18100] =	vst v63  }
0x48: {  	s28 =	sor.u32 $0x2C00, s24  }
0x49: {  	[hbm4b:s11+s2] =	stream.indirect_vreg.scatter [tilespmem:s28], [sflag:$0x5], $0x80, v3, vm1, $0x2000b8;
	[tilespmem:$0x18100] =	vst v63  }
0x4a: {  	v3 =	vld [tilespmem:s25+$0x18020];
	_ =	sdelay $0x4  }
0x4b: {  	v58 =	vshrl.u32 v3, $0x3  }
0x4c: {  	v4 =	vmul.u32 $0x18, v58  }
0x4d: {  	v3 =	vand.u32 $0x7, v3  }
0x4e: {  	v3 =	vor.u32 v3, v4  }
0x4f: {  	v4 =	vperm.xlane v3, v0;
	_ =	sdelay $0x1  }
0x50: {  	v4 =	vadd.s32 v1, v4;
	_ =	sdelay $0x1  }
0x51: {  	v3 =	vperm.xlane v3, v2;
	_ =	sdelay $0x1  }
0x52: {  	s29 =	sor.u32 $0x3000, s24;
	v3 =	vadd.s32 v1, v3  }
0x53: {  	[hbm4b:s6+s2] =	stream.indirect_vreg.scatter [tilespmem:s29], [sflag:$0x5], $0x80, v4, vm0, $0x2000b8;
	[tilespmem:$0x18100] =	vst v63  }
0x54: {  	s30 =	sor.u32 $0x3800, s24  }
0x55: {  	[hbm4b:s11+s2] =	stream.indirect_vreg.scatter [tilespmem:s30], [sflag:$0x5], $0x80, v4, vm1, $0x2000b8;
	[tilespmem:$0x18100] =	vst v63  }
0x56: {  	s31 =	sor.u32 $0x3C00, s24  }
0x57: {  	[hbm4b:s6+s2] =	stream.indirect_vreg.scatter [tilespmem:s31], [sflag:$0x5], $0x80, v3, vm0, $0x2000b8;
	[tilespmem:$0x18100] =	vst v63  }
0x58: {  	s28 =	sadd.s32 $0x4400, s24  }
0x59: {  	[hbm4b:s11+s2] =	stream.indirect_vreg.scatter [tilespmem:s28], [sflag:$0x5], $0x80, v3, vm1, $0x2000b8;
	[tilespmem:$0x18100] =	vst v63  }
0x5a: {  	v3 =	vld [tilespmem:s25+$0x18030];
	_ =	sdelay $0x4  }
0x5b: {  	v59 =	vshrl.u32 v3, $0x3  }
0x5c: {  	v4 =	vmul.u32 $0x18, v59  }
0x5d: {  	v3 =	vand.u32 $0x7, v3  }
0x5e: {  	v3 =	vor.u32 v3, v4  }
0x5f: {  	v4 =	vperm.xlane v3, v0;
	_ =	sdelay $0x1  }
0x60: {  	v4 =	vadd.s32 v1, v4;
	_ =	sdelay $0x1  }
0x61: {  	v3 =	vperm.xlane v3, v2;
	_ =	sdelay $0x1  }
0x62: {  	s29 =	sadd.s32 $0x4800, s24;
	v3 =	vadd.s32 v1, v3  }
0x63: {  	[hbm4b:s6+s2] =	stream.indirect_vreg.scatter [tilespmem:s29], [sflag:$0x5], $0x80, v4, vm0, $0x2000b8;
	[tilespmem:$0x18100] =	vst v63  }
0x64: {  	s30 =	sadd.s32 $0x5000, s24  }
0x65: {  	[hbm4b:s11+s2] =	stream.indirect_vreg.scatter [tilespmem:s30], [sflag:$0x5], $0x80, v4, vm1, $0x2000b8;
	[tilespmem:$0x18100] =	vst v63  }
0x66: {  	s31 =	sadd.s32 $0x5400, s24  }
0x67: {  	[hbm4b:s6+s2] =	stream.indirect_vreg.scatter [tilespmem:s31], [sflag:$0x5], $0x80, v3, vm0, $0x2000b8;
	[tilespmem:$0x18100] =	vst v63  }
0x68: {  	s28 =	sadd.s32 $0x5C00, s24  }
0x69: {  	[hbm4b:s11+s2] =	stream.indirect_vreg.scatter [tilespmem:s28], [sflag:$0x5], $0x80, v3, vm1, $0x2000b8;
	[tilespmem:$0x18100] =	vst v63  }
0x6a: {  	v3 =	vld [tilespmem:s25+$0x18040];
	_ =	sdelay $0x4  }
0x6b: {  	v60 =	vshrl.u32 v3, $0x3  }
0x6c: {  	v4 =	vmul.u32 $0x18, v60  }
0x6d: {  	v3 =	vand.u32 $0x7, v3  }
0x6e: {  	v3 =	vor.u32 v3, v4  }
0x6f: {  	v4 =	vperm.xlane v3, v0;
	_ =	sdelay $0x1  }
0x70: {  	v4 =	vadd.s32 v1, v4;
	_ =	sdelay $0x1  }
0x71: {  	v3 =	vperm.xlane v3, v2;
	_ =	sdelay $0x1  }
0x72: {  	s29 =	sadd.s32 $0x6000, s24;
	v3 =	vadd.s32 v1, v3  }
0x73: {  	[hbm4b:s6+s2] =	stream.indirect_vreg.scatter [tilespmem:s29], [sflag:$0x5], $0x80, v4, vm0, $0x2000b8;
	[tilespmem:$0x18100] =	vst v63  }
0x74: {  	s30 =	sadd.s32 $0x6800, s24  }
0x75: {  	[hbm4b:s11+s2] =	stream.indirect_vreg.scatter [tilespmem:s30], [sflag:$0x5], $0x80, v4, vm1, $0x2000b8;
	[tilespmem:$0x18100] =	vst v63  }
0x76: {  	s31 =	sadd.s32 $0x6C00, s24  }
0x77: {  	[hbm4b:s6+s2] =	stream.indirect_vreg.scatter [tilespmem:s31], [sflag:$0x5], $0x80, v3, vm0, $0x2000b8;
	[tilespmem:$0x18100] =	vst v63  }
0x78: {  	s28 =	sadd.s32 $0x7400, s24  }
0x79: {  	[hbm4b:s11+s2] =	stream.indirect_vreg.scatter [tilespmem:s28], [sflag:$0x5], $0x80, v3, vm1, $0x2000b8;
	[tilespmem:$0x18100] =	vst v63  }
0x7a: {  	v3 =	vld [tilespmem:s25+$0x18050];
	_ =	sdelay $0x4  }
0x7b: {  	v61 =	vshrl.u32 v3, $0x3  }
0x7c: {  	v4 =	vmul.u32 $0x18, v61  }
0x7d: {  	v3 =	vand.u32 $0x7, v3  }
0x7e: {  	v3 =	vor.u32 v3, v4  }
0x7f: {  	v4 =	vperm.xlane v3, v0;
	_ =	sdelay $0x1  }
0x80: {  	v4 =	vadd.s32 v1, v4;
	_ =	sdelay $0x1  }
0x81: {  	v3 =	vperm.xlane v3, v2;
	_ =	sdelay $0x1  }
0x82: {  	s29 =	sadd.s32 $0x7800, s24;
	v3 =	vadd.s32 v1, v3  }
0x83: {  	[hbm4b:s6+s2] =	stream.indirect_vreg.scatter [tilespmem:s29], [sflag:$0x5], $0x80, v4, vm0, $0x2000b8;
	[tilespmem:$0x18100] =	vst v63  }
0x84: {  	s30 =	sadd.s32 $0x8000, s24  }
0x85: {  	[hbm4b:s11+s2] =	stream.indirect_vreg.scatter [tilespmem:s30], [sflag:$0x5], $0x80, v4, vm1, $0x2000b8;
	[tilespmem:$0x18100] =	vst v63  }
0x86: {  	s31 =	sadd.s32 $0x8400, s24  }
0x87: {  	[hbm4b:s6+s2] =	stream.indirect_vreg.scatter [tilespmem:s31], [sflag:$0x5], $0x80, v3, vm0, $0x2000b8;
	[tilespmem:$0x18100] =	vst v63  }
0x88: {  	s28 =	sadd.s32 $0x8C00, s24  }
0x89: {  	[hbm4b:s11+s2] =	stream.indirect_vreg.scatter [tilespmem:s28], [sflag:$0x5], $0x80, v3, vm1, $0x2000b8;
	[tilespmem:$0x18100] =	vst v63  }
0x8a: {  	v3 =	vld [tilespmem:s25+$0x18060];
	_ =	sdelay $0x4  }
0x8b: {  	v62 =	vshrl.u32 v3, $0x3  }
0x8c: {  	v4 =	vmul.u32 $0x18, v62  }
0x8d: {  	v3 =	vand.u32 $0x7, v3  }
0x8e: {  	v3 =	vor.u32 v3, v4  }
0x8f: {  	v4 =	vperm.xlane v3, v0;
	_ =	sdelay $0x1  }
0x90: {  	v4 =	vadd.s32 v1, v4;
	_ =	sdelay $0x1  }
0x91: {  	v3 =	vperm.xlane v3, v2;
	_ =	sdelay $0x1  }
0x92: {  	s29 =	sadd.s32 $0x9000, s24;
	v3 =	vadd.s32 v1, v3  }
0x93: {  	[hbm4b:s6+s2] =	stream.indirect_vreg.scatter [tilespmem:s29], [sflag:$0x5], $0x80, v4, vm0, $0x2000b8;
	[tilespmem:$0x18100] =	vst v63  }
0x94: {  	s30 =	sadd.s32 $0x9800, s24  }
0x95: {  	[hbm4b:s11+s2] =	stream.indirect_vreg.scatter [tilespmem:s30], [sflag:$0x5], $0x80, v4, vm1, $0x2000b8;
	[tilespmem:$0x18100] =	vst v63  }
0x96: {  	s31 =	sadd.s32 $0x9C00, s24  }
0x97: {  	[hbm4b:s6+s2] =	stream.indirect_vreg.scatter [tilespmem:s31], [sflag:$0x5], $0x80, v3, vm0, $0x2000b8;
	[tilespmem:$0x18100] =	vst v63  }
0x98: {  	s28 =	sadd.s32 $0xA400, s24  }
0x99: {  	[hbm4b:s11+s2] =	stream.indirect_vreg.scatter [tilespmem:s28], [sflag:$0x5], $0x80, v3, vm1, $0x2000b8;
	[tilespmem:$0x18100] =	vst v63  }
0x9a: {  	v3 =	vld [tilespmem:s25+$0x18070];
	_ =	sdelay $0x4  }
0x9b: {  	v63 =	vshrl.u32 v3, $0x3  }
0x9c: {  	v4 =	vmul.u32 $0x18, v63  }
0x9d: {  	v3 =	vand.u32 $0x7, v3  }
0x9e: {  	v3 =	vor.u32 v3, v4  }
0x9f: {  	v4 =	vperm.xlane v3, v0;
	_ =	sdelay $0x1  }
0xa0: {  	v4 =	vadd.s32 v1, v4;
	_ =	sdelay $0x1  }
0xa1: {  	v3 =	vperm.xlane v3, v2;
	_ =	sdelay $0x1  }
0xa2: {  	s29 =	sadd.s32 $0xA800, s24;
	v3 =	vadd.s32 v1, v3  }
0xa3: {  	[hbm4b:s6+s2] =	stream.indirect_vreg.scatter [tilespmem:s29], [sflag:$0x5], $0x80, v4, vm0, $0x2000b8;
	[tilespmem:$0x18100] =	vst v63  }
0xa4: {  	p6 =	sne.s32 s23, s22;
	s30 =	sadd.s32 $0xB000, s24  }
0xa5: {  	[hbm4b:s11+s2] =	stream.indirect_vreg.scatter [tilespmem:s30], [sflag:$0x5], $0x80, v4, vm1, $0x2000b8;
	[tilespmem:$0x18100] =	vst v63  }
0xa6: {  	p2 =	por p0, p2;
	s23 =	simm.s32 $0x1;
	s31 =	sadd.s32 $0xB400, s24  }
0xa7: {  	[hbm4b:s6+s2] =	stream.indirect_vreg.scatter [tilespmem:s31], [sflag:$0x5], $0x80, v3, vm0, $0x2000b8;
	[tilespmem:$0x18100] =	vst v63  }
0xa8: {  	s23 =	simm.s32 @!p2 $0x0;
	p0 =	por p0, p6;
	s24 =	sadd.s32 $0xBC00, s24  }
0xa9: {  	[hbm4b:s11+s2] =	stream.indirect_vreg.scatter [tilespmem:s24], [sflag:$0x5], $0x80, v3, vm1, $0x2000b8;
	[tilespmem:$0x18100] =	vst v63  }
.Ltmp3:
0xaa: {  	p2 =	por $0x0, $0x0;
	s20 =	sadd.s32 s23, s20;
	(pc) =	sbr.rel @!p1 .LBB2_7-.Ltmp3, $4  }
0xab: {  	s23 =	smov.u32 s22;
	s25 =	simm.s32 $0x1;
	_ =	swait.ge [sflag:s16], $0xC000  }
0xac: {  	s25 =	simm.s32 @!p3 $0x0;
	s24 =	simm.s32 $0x1;
	[sflag:s16] =	ssyncset.done $0x0  }
0xad: {  	s21 =	sadd.s32 s25, s21;
	s24 =	simm.s32 @!p0 $0x0;
	[sflag:s16] =	ssyncadd.s32 $0xFFFF4000  }
0xae: {  	p0 =	por $0x1, $0x1;
	s18 =	sadd.s32 s24, s18;
	_ =	strace $0x9000004D  }
.LBB2_2:
0xaf: {  	s22 =	sadd.s32 $0x1, s23  }
0xb0: {  	p1 =	seq.s32 s22, $0x2  }
0xb1: {  	s22 =	simm.s32 @p1 $0x0  }
0xb2: {  	s24 =	sadd.s32 s8, s23;
	s25 =	sadd.s32 s8, s22  }
0xb3: {  	s24 =	sand.u32 $0x1F, s24;
	s26 =	sand.u32 $0x1F, s25  }
0xb4: {  	p1 =	por p2, p2;
	p2 =	sne.s32 s24, s26  }
0xb5: {  	p3 =	por !p1, !p2  }
0xb6: {  	p5 =	seq.s32 s23, s22;
	p3 =	por !p3, !p3  }
0xb7: {  	p4 =	por !p1, !p1;
	s28 =	sand.u32 @p3 $0x1, s21;
	s26 =	smul.u32 @p3 $0x1800, s26  }
0xb8: {  	p5 =	por p4, p5;
	s29 =	smul.u32 @p3 $0x30000, s28  }
.Ltmp4:
0xb9: {  	_ = 	snop;
	(pc) =	sbr.rel @!p5 .LBB2_3-.Ltmp4, $4  }
0xba: {  	_ =	strace @p3 $0x80000049;
	s30 =	simm.s32 @p3 $0x0  }
0xbb: {  	s28 =	sadd.s32 @p3 $0x1, s28;
	s26 =	sadd.s32 @p3 s1, s26;
	s29 =	sshrl.u32 @p3 s29, $0x2  }
0xbc: {  	[tilespmem:s29], [sflag:s28] =	stream.linear.gather @p3 [hbm4b:s26+s30], $0xC000, $0x200038;
	[tilespmem:$0x18100] =	vst v63  }
0xbd: {  	_ =	strace @p3 $0x90000049  }
0xbe: {  	s25 =	sadd.s32 $0x1F, s23;
	p5 =	seq.s32 s23, $0x0  }
0xbf: {  	s25 =	simm.s32 @p5 $0x1  }
0xc0: {  	s25 =	sadd.s32 s8, s25  }
0xc1: {  	s25 =	sand.u32 $0x1F, s25  }
0xc2: {  	p6 =	seq.s32 s24, s25  }
0xc3: {  	p4 =	por !p4, !p6  }
0xc4: {  	p4 =	por !p4, !p4  }
.Ltmp5:
0xc5: {  	_ = 	snop;
	(pc) =	sbr.rel @p4 .LBB2_6-.Ltmp5, $4  }
.Ltmp6:
0xc6: {  	_ = 	snop;
	(pc) =	sbr.rel @!p4 .LBB2_5-.Ltmp6, $4  }
0xc7: {  	_ = 	snop  }
0xc8: {  	_ = 	snop  }
0xc9: {  	_ = 	snop  }
0xca: {  	_ = 	snop  }
.LBB2_7:
0xcb: {  	_ =	strace $0x8000004E  }
.Ltmp7:
0xcc: {  	s23 =	simm.s32 $0x0;
	p0 =	por $0x0, $0x0;
	(pc) =	sbr.rel .LBB2_8-.Ltmp7, $4  }
0xcd: {  	[tilespmem:s23], [sflag:$0x1] =	stream.linear.gather [hbm4b:s12+s23], $0xC000, $0x200038;
	[tilespmem:$0x18100] =	vst v63  }
0xce: {  	p2 =	por $0x1, $0x1;
	s18 =	simm.s32 $0x1;
	s19 =	simm.s32 $0x0  }
0xcf: {  	[tilespmem:s15], [sflag:$0x3] =	stream.linear.gather [hbm4b:s10+s23], $0x80, $0x200038;
	[tilespmem:$0x18100] =	vst v63  }
0xd0: {  	s20 =	simm.s32 $0x0;
	s21 =	simm.s32 $0x1;
	_ =	strace $0x9000004E  }
.LBB2_9:
0xd1: {  	s24 =	sand.u32 $0x1, s18;
	s25 =	sshll.u32 s25, $0x4  }
0xd2: {  	_ =	strace $0x80000050;
	s26 =	sshll.u32 s24, $0x7;
	s25 =	sand.u32 $0x1FFFFFF0, s25  }
0xd3: {  	s24 =	sadd.s32 $0x3, s24;
	s26 =	sor.u32 $0x18000, s26;
	s25 =	sadd.s32 s4, s25  }
0xd4: {  	[tilespmem:s26], [sflag:s24] =	stream.linear.gather [hbm4b:s25+s2], $0x80, $0x200038;
	[tilespmem:$0x18100] =	vst v63  }
0xd5: {  	s18 =	sadd.s32 $0x1, s18;
	_ =	strace $0x90000050  }
.LBB2_11:
0xd6: {  	s24 =	sand.u32 $0x1, s20  }
0xd7: {  	_ =	strace $0x80000051;
	s24 =	sadd.s32 $0x1, s24  }
0xd8: {  	_ =	swait.ge [sflag:s24], $0xC000  }
0xd9: {  	[sflag:s24] =	ssyncset.done $0x0  }
0xda: {  	[sflag:s24] =	ssyncadd.s32 $0xFFFF4000  }
0xdb: {  	_ =	strace $0x90000051  }
.LBB2_12:
0xdc: {  	s24 =	sand.u32 $0x1, s19  }
0xdd: {  	_ =	strace $0x80000052;
	s24 =	sadd.s32 $0x3, s24  }
0xde: {  	_ =	swait.ge [sflag:s24], $0x80  }
0xdf: {  	[sflag:s24] =	ssyncset.done $0x0  }
0xe0: {  	[sflag:s24] =	ssyncadd.s32 $0xFFFFFF80  }
0xe1: {  	s29 =	sshll.u32 s19, $0x7;
	_ =	strace $0x90000052  }
0xe2: {  	s25 =	sand.u32 $0x80, s29;
	_ =	strace $0x80000053  }
0xe3: {  	v3 =	vld [tilespmem:s25+$0x18000];
	_ =	sdelay $0x4  }
0xe4: {  	v4 =	vshrl.u32 v3, $0x3  }
0xe5: {  	v4 =	vmul.u32 $0x18, v4  }
0xe6: {  	v3 =	vand.u32 $0x7, v3  }
0xe7: {  	v3 =	vor.u32 v3, v4  }
0xe8: {  	v4 =	vperm.xlane v3, v0;
	_ =	sdelay $0x1  }
0xe9: {  	v4 =	vadd.s32 v1, v4;
	_ =	sdelay $0x1  }
0xea: {  	s30 =	sand.u32 $0x1, s20;
	v3 =	vperm.xlane v3, v2  }
0xeb: {  	p4 =	seq.s32 s30, $0x1;
	s24 =	simm.s32 $0xC000  }
0xec: {  	s24 =	simm.s32 @!p4 $0x0;
	v3 =	vadd.s32 v1, v3  }
0xed: {  	[hbm4b:s7+s2] =	stream.indirect_vreg.scatter [tilespmem:s24], [sflag:$0x5], $0x80, v4, vm0, $0x2000b8;
	[tilespmem:$0x18100] =	vst v63  }
0xee: {  	s26 =	sor.u32 $0x800, s24  }
0xef: {  	[hbm4b:s13+s2] =	stream.indirect_vreg.scatter [tilespmem:s26], [sflag:$0x5], $0x80, v4, vm1, $0x2000b8;
	[tilespmem:$0x18100] =	vst v63  }
0xf0: {  	s31 =	sor.u32 $0xC00, s24  }
0xf1: {  	[hbm4b:s7+s2] =	stream.indirect_vreg.scatter [tilespmem:s31], [sflag:$0x5], $0x80, v3, vm0, $0x2000b8;
	[tilespmem:$0x18100] =	vst v63  }
0xf2: {  	s28 =	sor.u32 $0x1400, s24  }
0xf3: {  	[hbm4b:s13+s2] =	stream.indirect_vreg.scatter [tilespmem:s28], [sflag:$0x5], $0x80, v3, vm1, $0x2000b8;
	[tilespmem:$0x18100] =	vst v63  }
0xf4: {  	v3 =	vld [tilespmem:s25+$0x18010];
	_ =	sdelay $0x4  }
0xf5: {  	v57 =	vshrl.u32 v3, $0x3  }
0xf6: {  	v4 =	vmul.u32 $0x18, v57  }
0xf7: {  	v3 =	vand.u32 $0x7, v3  }
0xf8: {  	v3 =	vor.u32 v3, v4  }
0xf9: {  	v4 =	vperm.xlane v3, v0;
	_ =	sdelay $0x1  }
0xfa: {  	v4 =	vadd.s32 v1, v4;
	_ =	sdelay $0x1  }
0xfb: {  	v3 =	vperm.xlane v3, v2;
	_ =	sdelay $0x1  }
0xfc: {  	s29 =	sor.u32 $0x1800, s24;
	v3 =	vadd.s32 v1, v3  }
0xfd: {  	[hbm4b:s7+s2] =	stream.indirect_vreg.scatter [tilespmem:s29], [sflag:$0x5], $0x80, v4, vm0, $0x2000b8;
	[tilespmem:$0x18100] =	vst v63  }
0xfe: {  	s30 =	sor.u32 $0x2000, s24  }
0xff: {  	[hbm4b:s13+s2] =	stream.indirect_vreg.scatter [tilespmem:s30], [sflag:$0x5], $0x80, v4, vm1, $0x2000b8;
	[tilespmem:$0x18100] =	vst v63  }
0x100: {  	s31 =	sor.u32 $0x2400, s24  }
0x101: {  	[hbm4b:s7+s2] =	stream.indirect_vreg.scatter [tilespmem:s31], [sflag:$0x5], $0x80, v3, vm0, $0x2000b8;
	[tilespmem:$0x18100] =	vst v63  }
0x102: {  	s28 =	sor.u32 $0x2C00, s24  }
0x103: {  	[hbm4b:s13+s2] =	stream.indirect_vreg.scatter [tilespmem:s28], [sflag:$0x5], $0x80, v3, vm1, $0x2000b8;
	[tilespmem:$0x18100] =	vst v63  }
0x104: {  	v3 =	vld [tilespmem:s25+$0x18020];
	_ =	sdelay $0x4  }
0x105: {  	v58 =	vshrl.u32 v3, $0x3  }
0x106: {  	v4 =	vmul.u32 $0x18, v58  }
0x107: {  	v3 =	vand.u32 $0x7, v3  }
0x108: {  	v3 =	vor.u32 v3, v4  }
0x109: {  	v4 =	vperm.xlane v3, v0;
	_ =	sdelay $0x1  }
0x10a: {  	v4 =	vadd.s32 v1, v4;
	_ =	sdelay $0x1  }
0x10b: {  	v3 =	vperm.xlane v3, v2;
	_ =	sdelay $0x1  }
0x10c: {  	s29 =	sor.u32 $0x3000, s24;
	v3 =	vadd.s32 v1, v3  }
0x10d: {  	[hbm4b:s7+s2] =	stream.indirect_vreg.scatter [tilespmem:s29], [sflag:$0x5], $0x80, v4, vm0, $0x2000b8;
	[tilespmem:$0x18100] =	vst v63  }
0x10e: {  	s30 =	sor.u32 $0x3800, s24  }
0x10f: {  	[hbm4b:s13+s2] =	stream.indirect_vreg.scatter [tilespmem:s30], [sflag:$0x5], $0x80, v4, vm1, $0x2000b8;
	[tilespmem:$0x18100] =	vst v63  }
0x110: {  	s31 =	sor.u32 $0x3C00, s24  }
0x111: {  	[hbm4b:s7+s2] =	stream.indirect_vreg.scatter [tilespmem:s31], [sflag:$0x5], $0x80, v3, vm0, $0x2000b8;
	[tilespmem:$0x18100] =	vst v63  }
0x112: {  	s28 =	sadd.s32 $0x4400, s24  }
0x113: {  	[hbm4b:s13+s2] =	stream.indirect_vreg.scatter [tilespmem:s28], [sflag:$0x5], $0x80, v3, vm1, $0x2000b8;
	[tilespmem:$0x18100] =	vst v63  }
0x114: {  	v3 =	vld [tilespmem:s25+$0x18030];
	_ =	sdelay $0x4  }
0x115: {  	v59 =	vshrl.u32 v3, $0x3  }
0x116: {  	v4 =	vmul.u32 $0x18, v59  }
0x117: {  	v3 =	vand.u32 $0x7, v3  }
0x118: {  	v3 =	vor.u32 v3, v4  }
0x119: {  	v4 =	vperm.xlane v3, v0;
	_ =	sdelay $0x1  }
0x11a: {  	v4 =	vadd.s32 v1, v4;
	_ =	sdelay $0x1  }
0x11b: {  	v3 =	vperm.xlane v3, v2;
	_ =	sdelay $0x1  }
0x11c: {  	s29 =	sadd.s32 $0x4800, s24;
	v3 =	vadd.s32 v1, v3  }
0x11d: {  	[hbm4b:s7+s2] =	stream.indirect_vreg.scatter [tilespmem:s29], [sflag:$0x5], $0x80, v4, vm0, $0x2000b8;
	[tilespmem:$0x18100] =	vst v63  }
0x11e: {  	s30 =	sadd.s32 $0x5000, s24  }
0x11f: {  	[hbm4b:s13+s2] =	stream.indirect_vreg.scatter [tilespmem:s30], [sflag:$0x5], $0x80, v4, vm1, $0x2000b8;
	[tilespmem:$0x18100] =	vst v63  }
0x120: {  	s31 =	sadd.s32 $0x5400, s24  }
0x121: {  	[hbm4b:s7+s2] =	stream.indirect_vreg.scatter [tilespmem:s31], [sflag:$0x5], $0x80, v3, vm0, $0x2000b8;
	[tilespmem:$0x18100] =	vst v63  }
0x122: {  	s28 =	sadd.s32 $0x5C00, s24  }
0x123: {  	[hbm4b:s13+s2] =	stream.indirect_vreg.scatter [tilespmem:s28], [sflag:$0x5], $0x80, v3, vm1, $0x2000b8;
	[tilespmem:$0x18100] =	vst v63  }
0x124: {  	v3 =	vld [tilespmem:s25+$0x18040];
	_ =	sdelay $0x4  }
0x125: {  	v60 =	vshrl.u32 v3, $0x3  }
0x126: {  	v4 =	vmul.u32 $0x18, v60  }
0x127: {  	v3 =	vand.u32 $0x7, v3  }
0x128: {  	v3 =	vor.u32 v3, v4  }
0x129: {  	v4 =	vperm.xlane v3, v0;
	_ =	sdelay $0x1  }
0x12a: {  	v4 =	vadd.s32 v1, v4;
	_ =	sdelay $0x1  }
0x12b: {  	v3 =	vperm.xlane v3, v2;
	_ =	sdelay $0x1  }
0x12c: {  	s29 =	sadd.s32 $0x6000, s24;
	v3 =	vadd.s32 v1, v3  }
0x12d: {  	[hbm4b:s7+s2] =	stream.indirect_vreg.scatter [tilespmem:s29], [sflag:$0x5], $0x80, v4, vm0, $0x2000b8;
	[tilespmem:$0x18100] =	vst v63  }
0x12e: {  	s30 =	sadd.s32 $0x6800, s24  }
0x12f: {  	[hbm4b:s13+s2] =	stream.indirect_vreg.scatter [tilespmem:s30], [sflag:$0x5], $0x80, v4, vm1, $0x2000b8;
	[tilespmem:$0x18100] =	vst v63  }
0x130: {  	s31 =	sadd.s32 $0x6C00, s24  }
0x131: {  	[hbm4b:s7+s2] =	stream.indirect_vreg.scatter [tilespmem:s31], [sflag:$0x5], $0x80, v3, vm0, $0x2000b8;
	[tilespmem:$0x18100] =	vst v63  }
0x132: {  	s28 =	sadd.s32 $0x7400, s24  }
0x133: {  	[hbm4b:s13+s2] =	stream.indirect_vreg.scatter [tilespmem:s28], [sflag:$0x5], $0x80, v3, vm1, $0x2000b8;
	[tilespmem:$0x18100] =	vst v63  }
0x134: {  	v3 =	vld [tilespmem:s25+$0x18050];
	_ =	sdelay $0x4  }
0x135: {  	v61 =	vshrl.u32 v3, $0x3  }
0x136: {  	v4 =	vmul.u32 $0x18, v61  }
0x137: {  	v3 =	vand.u32 $0x7, v3  }
0x138: {  	v3 =	vor.u32 v3, v4  }
0x139: {  	v4 =	vperm.xlane v3, v0;
	_ =	sdelay $0x1  }
0x13a: {  	v4 =	vadd.s32 v1, v4;
	_ =	sdelay $0x1  }
0x13b: {  	v3 =	vperm.xlane v3, v2;
	_ =	sdelay $0x1  }
0x13c: {  	s29 =	sadd.s32 $0x7800, s24;
	v3 =	vadd.s32 v1, v3  }
0x13d: {  	[hbm4b:s7+s2] =	stream.indirect_vreg.scatter [tilespmem:s29], [sflag:$0x5], $0x80, v4, vm0, $0x2000b8;
	[tilespmem:$0x18100] =	vst v63  }
0x13e: {  	s30 =	sadd.s32 $0x8000, s24  }
0x13f: {  	[hbm4b:s13+s2] =	stream.indirect_vreg.scatter [tilespmem:s30], [sflag:$0x5], $0x80, v4, vm1, $0x2000b8;
	[tilespmem:$0x18100] =	vst v63  }
0x140: {  	s31 =	sadd.s32 $0x8400, s24  }
0x141: {  	[hbm4b:s7+s2] =	stream.indirect_vreg.scatter [tilespmem:s31], [sflag:$0x5], $0x80, v3, vm0, $0x2000b8;
	[tilespmem:$0x18100] =	vst v63  }
0x142: {  	s28 =	sadd.s32 $0x8C00, s24  }
0x143: {  	[hbm4b:s13+s2] =	stream.indirect_vreg.scatter [tilespmem:s28], [sflag:$0x5], $0x80, v3, vm1, $0x2000b8;
	[tilespmem:$0x18100] =	vst v63  }
0x144: {  	v3 =	vld [tilespmem:s25+$0x18060];
	_ =	sdelay $0x4  }
0x145: {  	v62 =	vshrl.u32 v3, $0x3  }
0x146: {  	v4 =	vmul.u32 $0x18, v62  }
0x147: {  	v3 =	vand.u32 $0x7, v3  }
0x148: {  	v3 =	vor.u32 v3, v4  }
0x149: {  	v4 =	vperm.xlane v3, v0;
	_ =	sdelay $0x1  }
0x14a: {  	v4 =	vadd.s32 v1, v4;
	_ =	sdelay $0x1  }
0x14b: {  	v3 =	vperm.xlane v3, v2;
	_ =	sdelay $0x1  }
0x14c: {  	s29 =	sadd.s32 $0x9000, s24;
	v3 =	vadd.s32 v1, v3  }
0x14d: {  	[hbm4b:s7+s2] =	stream.indirect_vreg.scatter [tilespmem:s29], [sflag:$0x5], $0x80, v4, vm0, $0x2000b8;
	[tilespmem:$0x18100] =	vst v63  }
0x14e: {  	s30 =	sadd.s32 $0x9800, s24  }
0x14f: {  	[hbm4b:s13+s2] =	stream.indirect_vreg.scatter [tilespmem:s30], [sflag:$0x5], $0x80, v4, vm1, $0x2000b8;
	[tilespmem:$0x18100] =	vst v63  }
0x150: {  	s31 =	sadd.s32 $0x9C00, s24  }
0x151: {  	[hbm4b:s7+s2] =	stream.indirect_vreg.scatter [tilespmem:s31], [sflag:$0x5], $0x80, v3, vm0, $0x2000b8;
	[tilespmem:$0x18100] =	vst v63  }
0x152: {  	s28 =	sadd.s32 $0xA400, s24  }
0x153: {  	[hbm4b:s13+s2] =	stream.indirect_vreg.scatter [tilespmem:s28], [sflag:$0x5], $0x80, v3, vm1, $0x2000b8;
	[tilespmem:$0x18100] =	vst v63  }
0x154: {  	v3 =	vld [tilespmem:s25+$0x18070];
	_ =	sdelay $0x4  }
0x155: {  	v63 =	vshrl.u32 v3, $0x3  }
0x156: {  	v4 =	vmul.u32 $0x18, v63  }
0x157: {  	v3 =	vand.u32 $0x7, v3  }
0x158: {  	v3 =	vor.u32 v3, v4  }
0x159: {  	v4 =	vperm.xlane v3, v0;
	_ =	sdelay $0x1  }
0x15a: {  	v4 =	vadd.s32 v1, v4;
	_ =	sdelay $0x1  }
0x15b: {  	v3 =	vperm.xlane v3, v2;
	_ =	sdelay $0x1  }
0x15c: {  	s29 =	sadd.s32 $0xA800, s24;
	v3 =	vadd.s32 v1, v3  }
0x15d: {  	[hbm4b:s7+s2] =	stream.indirect_vreg.scatter [tilespmem:s29], [sflag:$0x5], $0x80, v4, vm0, $0x2000b8;
	[tilespmem:$0x18100] =	vst v63  }
0x15e: {  	p6 =	sne.s32 s23, s22;
	s30 =	sadd.s32 $0xB000, s24  }
0x15f: {  	[hbm4b:s13+s2] =	stream.indirect_vreg.scatter [tilespmem:s30], [sflag:$0x5], $0x80, v4, vm1, $0x2000b8;
	[tilespmem:$0x18100] =	vst v63  }
0x160: {  	p2 =	por p0, p2;
	s23 =	simm.s32 $0x1;
	s31 =	sadd.s32 $0xB400, s24  }
0x161: {  	[hbm4b:s7+s2] =	stream.indirect_vreg.scatter [tilespmem:s31], [sflag:$0x5], $0x80, v3, vm0, $0x2000b8;
	[tilespmem:$0x18100] =	vst v63  }
0x162: {  	s23 =	simm.s32 @!p2 $0x0;
	p0 =	por p0, p6;
	s24 =	sadd.s32 $0xBC00, s24  }
0x163: {  	[hbm4b:s13+s2] =	stream.indirect_vreg.scatter [tilespmem:s24], [sflag:$0x5], $0x80, v3, vm1, $0x2000b8;
	[tilespmem:$0x18100] =	vst v63  }
.Ltmp8:
0x164: {  	p2 =	por $0x0, $0x0;
	s20 =	sadd.s32 s23, s20;
	(pc) =	sbr.rel @!p1 .LBB2_13-.Ltmp8, $4  }
0x165: {  	s23 =	smov.u32 s22;
	s25 =	simm.s32 $0x1;
	_ =	swait.ge [sflag:s16], $0xC000  }
0x166: {  	s25 =	simm.s32 @!p3 $0x0;
	s24 =	simm.s32 $0x1;
	[sflag:s16] =	ssyncset.done $0x0  }
0x167: {  	s21 =	sadd.s32 s25, s21;
	s24 =	simm.s32 @!p0 $0x0;
	[sflag:s16] =	ssyncadd.s32 $0xFFFF4000  }
0x168: {  	p0 =	por $0x1, $0x1;
	s19 =	sadd.s32 s24, s19;
	_ =	strace $0x90000053  }
.LBB2_8:
0x169: {  	s22 =	sadd.s32 $0x1, s23  }
0x16a: {  	p1 =	seq.s32 s22, $0x2  }
0x16b: {  	s22 =	simm.s32 @p1 $0x0  }
0x16c: {  	s24 =	sadd.s32 s8, s23;
	s25 =	sadd.s32 s8, s22  }
0x16d: {  	s24 =	sand.u32 $0x1F, s24;
	s26 =	sand.u32 $0x1F, s25  }
0x16e: {  	p1 =	por p2, p2;
	p2 =	sne.s32 s24, s26  }
0x16f: {  	p3 =	por !p1, !p2  }
0x170: {  	p5 =	seq.s32 s23, s22;
	p3 =	por !p3, !p3  }
0x171: {  	p4 =	por !p1, !p1;
	s28 =	sand.u32 @p3 $0x1, s21;
	s26 =	smul.u32 @p3 $0x1800, s26  }
0x172: {  	p5 =	por p4, p5;
	s29 =	smul.u32 @p3 $0x30000, s28  }
.Ltmp9:
0x173: {  	_ = 	snop;
	(pc) =	sbr.rel @!p5 .LBB2_9-.Ltmp9, $4  }
0x174: {  	_ =	strace @p3 $0x8000004F;
	s30 =	simm.s32 @p3 $0x0  }
0x175: {  	s28 =	sadd.s32 @p3 $0x1, s28;
	s26 =	sadd.s32 @p3 s3, s26;
	s29 =	sshrl.u32 @p3 s29, $0x2  }
0x176: {  	[tilespmem:s29], [sflag:s28] =	stream.linear.gather @p3 [hbm4b:s26+s30], $0xC000, $0x200038;
	[tilespmem:$0x18100] =	vst v63  }
0x177: {  	_ =	strace @p3 $0x9000004F  }
0x178: {  	s25 =	sadd.s32 $0x1F, s23;
	p5 =	seq.s32 s23, $0x0  }
0x179: {  	s25 =	simm.s32 @p5 $0x1  }
0x17a: {  	s25 =	sadd.s32 s8, s25  }
0x17b: {  	s25 =	sand.u32 $0x1F, s25  }
0x17c: {  	p6 =	seq.s32 s24, s25  }
0x17d: {  	p4 =	por !p4, !p6  }
0x17e: {  	p4 =	por !p4, !p4  }
.Ltmp10:
0x17f: {  	_ = 	snop;
	(pc) =	sbr.rel @p4 .LBB2_12-.Ltmp10, $4  }
.Ltmp11:
0x180: {  	_ = 	snop;
	(pc) =	sbr.rel @!p4 .LBB2_11-.Ltmp11, $4  }
0x181: {  	_ = 	snop  }
0x182: {  	_ = 	snop  }
0x183: {  	_ = 	snop  }
0x184: {  	_ = 	snop  }
.LBB2_14:
0x185: {  	_ =	sfence.sel $0x180000  }
0x186: {  	[bflag:$0x0] =	sbarrier.arrive $0xFFFF  }
0x187: {  	p0 =	sne.s32 s5, $0x0;
	_ =	strace $0x90000047  }
0x188: {  	s0 =	sadd.s32 @!p0 $0x100000, s0;
	[bflag:$0x2] =	sbarrier.arrive $0xFFFF  }
0x189: {  	[sflag:s0] =	ssyncadd.tile.s32 @!p0 $0x1;
	_ =	shalt  }
.Lfunc_end2:
_tile_overlayer_lowered:
.L_overlay_start_2:
0x18a: {  	(tag) =	ssettag $0x2  }
0x18b: {  	s0 =	rddreg [dreg:$0x0];
	s2 =	stileid.u32  }
0x18c: {  	s1 =	rddreg [dreg:$0x1];
	p0 =	sne.s32 s2, $0x0  }
0x18d: {  	s3 =	rddreg [dreg:$0x2];
	[bflag:$0x3] =	sbarrier.arrive $0xFFFF;
	s2 =	simm.s32 @!p0 $0x1C01  }
0x18e: {  	[timem:s3], [sflag:s2] =	dma.local @!p0 [hbm:s0], s1  }
0x18f: {  	s0 =	simm.s32 @!p0 $0x1  }
0x190: {  	_ =	swait.ge @!p0 [sflag:s0], s1  }
0x191: {  	s1 =	ssub.s32 @!p0 $0x0, s1;
	[sflag:s0] =	ssyncset.done @!p0 $0x0  }
0x192: {  	[sflag:s0] =	ssyncadd.s32 @!p0 s1  }
0x193: {  	[bflag:$0x3] =	sbarrier.arrive $0xFFFF  }
0x194: {  	_ =	shalt  }

</sc_bundles>
